<compile_context>
chip_gen: v7x
topology: tpu7x:2x2x1
jax: 0.10.2.dev20260603
libtpu: 0.0.44.dev20260713+nightly
codegen_flags: <defaults>
</compile_context>

<pallas_src>
import functools

import jax
import jax.numpy as jnp
from jax import lax
from jax.experimental import pallas as pl
from jax.experimental.pallas import tpu as pltpu
from jax.experimental.pallas import tpu_sc as plsc

VOCAB = 100000
DIM = 64
PDIM = 128
BATCH = 4096
SEQ = 200
NUM_TOK = BATCH * SEQ
NUM_WORKERS = 32
ROWS_W = BATCH // NUM_WORKERS
PER_W = NUM_TOK // NUM_WORKERS
GHALF = 128
VCHUNK = 160
NVCHUNKS = VOCAB // VCHUNK
UNROLL = 8

_mesh = plsc.VectorSubcoreMesh(core_axis_name="c", subcore_axis_name="s")


def _positional_encoding(token_length, embedding_dim):
    pos = jnp.arange(token_length, dtype=jnp.float32)[:, None]
    i = jnp.arange(embedding_dim)[None, :]
    angle_rates = 1.0 / jnp.power(
        10000.0, (2 * (i // 2)).astype(jnp.float32) / embedding_dim)
    angles = pos * angle_rates
    return jnp.where(i % 2 == 0, jnp.sin(angles), jnp.cos(angles)).astype(jnp.float32)


_PREP_J = (NVCHUNKS + NUM_WORKERS - 1) // NUM_WORKERS


@functools.partial(
    pl.kernel,
    mesh=_mesh,
    out_type=jax.ShapeDtypeStruct((2 * VOCAB, PDIM), jnp.float32),
    scratch_types=[
        pltpu.VMEM((2, DIM), jnp.float32),
        pltpu.VMEM((VCHUNK // 2, PDIM), jnp.float32),
        pltpu.VMEM((VCHUNK // 2, PDIM), jnp.float32),
        pltpu.VMEM((VCHUNK, PDIM), jnp.float32),
        pltpu.VMEM((VCHUNK, PDIM), jnp.float32),
        pltpu.VMEM((VCHUNK, PDIM), jnp.float32),
        pltpu.VMEM((VCHUNK, PDIM), jnp.float32),
        pltpu.SemaphoreType.DMA,
        pltpu.SemaphoreType.DMA,
        pltpu.SemaphoreType.DMA,
        pltpu.SemaphoreType.DMA,
    ],
    compiler_params=pltpu.CompilerParams(use_tc_tiling_on_sc=True),
)
def _prep_kernel(word2_hbm, type_hbm, vocab2_hbm, ty_v,
                 wch0, wch1, va0, vb0, va1, vb1, rd0, rd1, wr0, wr1):
    wid = lax.axis_index("s") * 2 + lax.axis_index("c")
    pltpu.sync_copy(type_hbm, ty_v)

    wchs, vas, vbs = (wch0, wch1), (va0, va1), (vb0, vb1)
    rds, wrs = (rd0, rd1), (wr0, wr1)

    def issue_read(ci, b):
        r0 = pl.multiple_of(ci * (VCHUNK // 2), 8)
        pltpu.async_copy(word2_hbm.at[pl.ds(r0, VCHUNK // 2)], wchs[b], rds[b])

    def wait_read(b):
        pltpu.make_async_copy(word2_hbm.at[pl.ds(0, VCHUNK // 2)], wchs[b],
                              rds[b]).wait()

    def issue_write(ci, b):
        r0 = pl.multiple_of(ci * VCHUNK, 8)
        pltpu.async_copy(vas[b], vocab2_hbm.at[pl.ds(r0, VCHUNK)], wrs[b])
        pltpu.async_copy(
            vbs[b],
            vocab2_hbm.at[pl.ds(pl.multiple_of(VOCAB + ci * VCHUNK, 8),
                                VCHUNK)], wrs[b])

    def wait_write(b):
        dummy = vocab2_hbm.at[pl.ds(0, VCHUNK)]
        pltpu.make_async_copy(vas[b], dummy, wrs[b]).wait()
        pltpu.make_async_copy(vbs[b], dummy, wrs[b]).wait()

    def compute(b):
        wch, va, vb = wchs[b], vas[b], vbs[b]

        def row_body(i2, c2):
            for u in range(2):
                for jj in range(DIM // 16):
                    w = wch[i2, pl.ds(u * DIM + jj * 16, 16)]
                    s = pl.ds(jj * 16, 16)
                    va[i2 * 2 + u, s] = (w + ty_v[0, s]) * 8.0
                    vb[i2 * 2 + u, s] = (w + ty_v[1, s]) * 8.0
            return c2

        lax.fori_loop(0, VCHUNK // 2, row_body, 0)

    @pl.when(wid < NVCHUNKS)
    def _():
        issue_read(wid, 0)

    def pair_body(g, carry):
        for b in range(2):
            j = g * 2 + b
            ci = j * NUM_WORKERS + wid
            cnext = ci + NUM_WORKERS

            @pl.when(cnext < NVCHUNKS)
            def _():
                issue_read(cnext, 1 - b)

            @pl.when(ci < NVCHUNKS)
            def _():
                wait_read(b)

                @pl.when(g >= 1)
                def _():
                    wait_write(b)
                compute(b)
                issue_write(ci, b)
        return carry

    lax.fori_loop(0, _PREP_J // 2, pair_body, 0)
    for b in range(2):
        last_ci = (_PREP_J - 2 + b) * NUM_WORKERS + wid

        @pl.when(last_ci < NVCHUNKS)
        def _():
            wait_write(b)


@functools.partial(
    pl.kernel,
    mesh=_mesh,
    out_type=jax.ShapeDtypeStruct((NUM_TOK, DIM), jnp.float32),
    scratch_types=[
        pltpu.VMEM((PER_W,), jnp.int32),
        pltpu.VMEM((SEQ, DIM), jnp.float32),
        pltpu.VMEM((SEQ, PDIM), jnp.float32),
        pltpu.VMEM((SEQ, PDIM), jnp.float32),
        pltpu.VMEM((SEQ, DIM), jnp.float32),
        pltpu.SemaphoreType.DMA,
        pltpu.SemaphoreType.DMA,
        pltpu.SemaphoreType.DMA,
        pltpu.SemaphoreType.DMA,
    ],
    compiler_params=pltpu.CompilerParams(use_tc_tiling_on_sc=True),
)
def _emb_kernel(idx_hbm, pe_hbm, vocab2_hbm, out_hbm,
                idx_v, pe_v, w0, w1, obuf, g0, g1, wr0, wr1):
    wid = lax.axis_index("s") * 2 + lax.axis_index("c")
    base = pl.multiple_of(wid * PER_W, PER_W)
    pltpu.sync_copy(idx_hbm.at[pl.ds(base, PER_W)], idx_v)
    pltpu.sync_copy(pe_hbm, pe_v)

    wbufs, gsems, wsems = (w0, w1), (g0, g1), (wr0, wr1)

    def issue_gather(it, b):
        off = pl.multiple_of(it * SEQ, 8)
        pltpu.async_copy(vocab2_hbm.at[idx_v.at[pl.ds(off, GHALF)]],
                         wbufs[b].at[pl.ds(0, GHALF)], gsems[b])
        pltpu.async_copy(vocab2_hbm.at[idx_v.at[pl.ds(off + GHALF, SEQ - GHALF)]],
                         wbufs[b].at[pl.ds(GHALF, SEQ - GHALF)], gsems[b])

    def wait_gather(b):
        pltpu.make_async_copy(vocab2_hbm.at[pl.ds(0, SEQ)], wbufs[b],
                              gsems[b]).wait()

    def issue_write(it, b):
        off = pl.multiple_of(it * SEQ, 8)
        pltpu.async_copy(obuf, out_hbm.at[pl.ds(base + off, SEQ)], wsems[b])

    def wait_write(b):
        pltpu.make_async_copy(obuf, out_hbm.at[pl.ds(0, SEQ)],
                              wsems[b]).wait()

    def compute(b):
        wbuf = wbufs[b]

        def row_body(r, c2):
            for u in range(UNROLL):
                i = r * UNROLL + u
                for j in range(DIM // 16):
                    s = pl.ds(j * 16, 16)
                    obuf[i, s] = wbuf[i, s] + pe_v[i, s]
            return c2

        lax.fori_loop(0, SEQ // UNROLL, row_body, 0)

    issue_gather(0, 0)

    def pair_body(gi, carry):
        for b in range(2):
            it = gi * 2 + b
            nb = 1 - b
            if b == 0:
                @pl.when(gi >= 1)
                def _():
                    wait_write(nb)
                issue_gather(it + 1, nb)
            else:
                wait_write(nb)

                @pl.when(gi + 1 < ROWS_W // 2)
                def _():
                    issue_gather(it + 1, nb)
            wait_gather(b)
            compute(b)
            issue_write(it, b)
        return carry

    lax.fori_loop(0, ROWS_W // 2, pair_body, 0)
    wait_write(1)


def kernel(tokens, token_types, word_table, type_table):
    idx = (tokens.astype(jnp.int32)
           + VOCAB * token_types.astype(jnp.int32)).reshape(NUM_TOK)
    pe = _positional_encoding(SEQ, DIM)
    word2 = word_table.reshape(VOCAB // 2, PDIM)
    vocab2 = _prep_kernel(word2, type_table)
    out = _emb_kernel(idx, pe, vocab2)
    return out.reshape(BATCH, SEQ, DIM)

# --- scband reference (transcript-rebuilt; emitter-appended) ---
"""Pipeline reference for scband-triple-embedding-block-56487409877148 (READ-ONLY COPY).

The authoritative reference and input builder live on the scoring server;
editing this copy changes nothing except your own understanding.
"""

import jax, jax.numpy as jnp
import numpy as np

VOCAB = 100000
NUM_TYPES = 2
DIM = 64


def positional_encoding(token_length, embedding_dim, dtype=jnp.float32):
    # Standard sinusoidal positional encoding: pe[pos, 2i] = sin(pos / 10000^(2i/d)),
    # pe[pos, 2i+1] = cos(pos / 10000^(2i/d)).
    pos = jnp.arange(token_length, dtype=jnp.float32)[:, None]
    i = jnp.arange(embedding_dim)[None, :]
    angle_rates = 1.0 / jnp.power(10000.0, (2 * (i // 2)).astype(jnp.float32) / embedding_dim)
    angles = pos * angle_rates
    pe = jnp.where(i % 2 == 0, jnp.sin(angles), jnp.cos(angles))
    return pe.astype(dtype)


def setup_inputs(seed: int = 0) -> dict:
    key = jax.random.key(seed)
    k1, k2, k3, k4 = jax.random.split(key, 4)
    tokens = jax.random.randint(k1, (4096, 200), 0, VOCAB, dtype=jnp.int64)
    token_types = jax.random.randint(k2, (4096, 200), 0, NUM_TYPES, dtype=jnp.int64)
    word_table = jax.random.normal(k3, (VOCAB, DIM), dtype=jnp.float32)
    type_table = jax.random.normal(k4, (NUM_TYPES, DIM), dtype=jnp.float32)
    return {"tokens": tokens, "token_types": token_types, "word_table": word_table, "type_table": type_table}


def reference(tokens, token_types, word_table, type_table):
    embedding_dim = word_table.shape[1]
    sqrt_model_dim = embedding_dim ** 0.5
    token_length = tokens.shape[-1]
    word_embedding = jnp.take(word_table, tokens, axis=0) * sqrt_model_dim
    pe = positional_encoding(token_length, embedding_dim, word_embedding.dtype)
    output = word_embedding + pe
    output = output + jnp.take(type_table, token_types, axis=0) * sqrt_model_dim
    # padding_index is None, so no padding mask is applied
    return output

if __name__ == "__main__":
    import jax
    _d = setup_inputs()
    print(jax.jit(kernel)(*tuple(_d.values())))

</pallas_src>

<mosaic_0001>
#map = affine_map<(d0, d1) -> (0)>
#map1 = affine_map<(d0, d1) -> (0, 0)>
module attributes {stable_mosaic.version = 14 : i64} {
  func.func @_emb_kernel(%arg0: i32, %arg1: i32, %arg2: memref<819200xi32, #tpu.memory_space<hbm>>, %arg3: memref<200x64xf32, #tpu.memory_space<hbm>>, %arg4: memref<200000x128xf32, #tpu.memory_space<hbm>>, %arg5: memref<819200x64xf32, #tpu.memory_space<hbm>>, %arg6: memref<25600xi32, #tpu.memory_space<vmem>>, %arg7: memref<200x64xf32, #tpu.memory_space<vmem>>, %arg8: memref<200x128xf32, #tpu.memory_space<vmem>>, %arg9: memref<200x128xf32, #tpu.memory_space<vmem>>, %arg10: memref<200x64xf32, #tpu.memory_space<vmem>>, %arg11: memref<!tpu.dma_semaphore, #tpu.memory_space<semaphore_mem>>, %arg12: memref<!tpu.dma_semaphore, #tpu.memory_space<semaphore_mem>>, %arg13: memref<!tpu.dma_semaphore, #tpu.memory_space<semaphore_mem>>, %arg14: memref<!tpu.dma_semaphore, #tpu.memory_space<semaphore_mem>>) attributes {dimension_semantics = [#tpu.dimension_semantics<core_parallel>, #tpu.dimension_semantics<subcore_parallel>], iteration_bounds = array<i64: 2, 16>, scalar_prefetch = 0 : i64, scratch_operands = 9 : i64, tpu.core_type = #tpu.core_type<sc_vector_subcore>, window_params = [{transform_indices = #map}, {transform_indices = #map1}, {transform_indices = #map1}, {transform_indices = #map1}]} {
    %mul3A = arith.constant 2 : i32
    %mul3A_0 = arith.muli %arg1, %mul3A : i32
    %add3A = arith.addi %mul3A_0, %arg0 : i32
    %mul3A_1 = arith.constant 25600 : i32
    %mul3A_2 = arith.muli %add3A, %mul3A_1 : i32
    %multiple_of3A = tpu.assume_multiple %mul3A_2, 25600 : i32
    "tpu.region"() ({
      %run_scoped3A = tpu.sem_alloc : memref<!tpu.dma_semaphore, #tpu.memory_space<semaphore_mem>>
      %dma_start3A_30 = tpu.memref_slice %arg2[%multiple_of3A] : memref<819200xi32, #tpu.memory_space<hbm>> -> memref<25600xi32, #tpu.memory_space<hbm>>
      %dma_start3A_31 = tpu.memref_slice %arg2[%multiple_of3A] : memref<819200xi32, #tpu.memory_space<hbm>> -> memref<25600xi32, #tpu.memory_space<hbm>>
      tpu.enqueue_dma source(%dma_start3A_31 : memref<25600xi32, #tpu.memory_space<hbm>>) target(%arg6 : memref<25600xi32, #tpu.memory_space<vmem>>) target_semaphore(%run_scoped3A : memref<!tpu.dma_semaphore, #tpu.memory_space<semaphore_mem>>)
      %dma_wait3A_32 = tpu.memref_slice %arg2[%multiple_of3A] : memref<819200xi32, #tpu.memory_space<hbm>> -> memref<25600xi32, #tpu.memory_space<hbm>>
      %dma_wait3A_33 = tpu.memref_slice %arg2[%multiple_of3A] : memref<819200xi32, #tpu.memory_space<hbm>> -> memref<25600xi32, #tpu.memory_space<hbm>>
      tpu.wait_dma2 semaphore(%run_scoped3A : memref<!tpu.dma_semaphore, #tpu.memory_space<semaphore_mem>>) src(%dma_wait3A_33 : memref<25600xi32, #tpu.memory_space<hbm>>) dst(%arg6 : memref<25600xi32, #tpu.memory_space<vmem>>)
      tpu.yield
    }) : () -> ()
    "tpu.region"() ({
      %run_scoped3A = tpu.sem_alloc : memref<!tpu.dma_semaphore, #tpu.memory_space<semaphore_mem>>
      tpu.enqueue_dma source(%arg3 : memref<200x64xf32, #tpu.memory_space<hbm>>) target(%arg7 : memref<200x64xf32, #tpu.memory_space<vmem>>) target_semaphore(%run_scoped3A : memref<!tpu.dma_semaphore, #tpu.memory_space<semaphore_mem>>)
      tpu.wait_dma2 semaphore(%run_scoped3A : memref<!tpu.dma_semaphore, #tpu.memory_space<semaphore_mem>>) src(%arg3 : memref<200x64xf32, #tpu.memory_space<hbm>>) dst(%arg7 : memref<200x64xf32, #tpu.memory_space<vmem>>)
      tpu.yield
    }) : () -> ()
    %multiple_of3A_3 = arith.constant 0 : i32
    %multiple_of3A_4 = tpu.assume_multiple %multiple_of3A_3, 8 : i32
    %dma_start3A = arith.constant 0 : i32
    %dma_start3A_5 = arith.constant 0 : i32
    %dma_start3A_6 = tpu.memref_slice %arg8[%dma_start3A, %dma_start3A_5] : memref<200x128xf32, #tpu.memory_space<vmem>> -> memref<128x128xf32, #tpu.memory_space<vmem>>
    %dma_start3A_7 = tpu.memref_slice %arg6[%multiple_of3A_4] : memref<25600xi32, #tpu.memory_space<vmem>> -> memref<128xi32, #tpu.memory_space<vmem>>
    %dma_start3A_8 = arith.constant 0 : i32
    %dma_start3A_9 = arith.constant 0 : i32
    %dma_start3A_10 = tpu.memref_slice %arg4[%dma_start3A_8, %dma_start3A_9] : memref<200000x128xf32, #tpu.memory_space<hbm>> -> memref<200000x128xf32, #tpu.memory_space<hbm>>
    tpu.enqueue_indirect_dma source(%dma_start3A_10 : memref<200000x128xf32, #tpu.memory_space<hbm>>) target(%dma_start3A_6 : memref<128x128xf32, #tpu.memory_space<vmem>>) offsets(%dma_start3A_7 : memref<128xi32, #tpu.memory_space<vmem>>) semaphore(%arg11 : memref<!tpu.dma_semaphore, #tpu.memory_space<semaphore_mem>>)
    %add3A_11 = arith.constant 128 : i32
    %add3A_12 = arith.addi %multiple_of3A_4, %add3A_11 : i32
    %dma_start3A_13 = arith.constant 128 : i32
    %dma_start3A_14 = arith.constant 0 : i32
    %dma_start3A_15 = tpu.memref_slice %arg8[%dma_start3A_13, %dma_start3A_14] : memref<200x128xf32, #tpu.memory_space<vmem>> -> memref<72x128xf32, #tpu.memory_space<vmem>>
    %dma_start3A_16 = tpu.memref_slice %arg6[%add3A_12] : memref<25600xi32, #tpu.memory_space<vmem>> -> memref<72xi32, #tpu.memory_space<vmem>>
    %dma_start3A_17 = arith.constant 0 : i32
    %dma_start3A_18 = arith.constant 0 : i32
    %dma_start3A_19 = tpu.memref_slice %arg4[%dma_start3A_17, %dma_start3A_18] : memref<200000x128xf32, #tpu.memory_space<hbm>> -> memref<200000x128xf32, #tpu.memory_space<hbm>>
    tpu.enqueue_indirect_dma source(%dma_start3A_19 : memref<200000x128xf32, #tpu.memory_space<hbm>>) target(%dma_start3A_15 : memref<72x128xf32, #tpu.memory_space<vmem>>) offsets(%dma_start3A_16 : memref<72xi32, #tpu.memory_space<vmem>>) semaphore(%arg11 : memref<!tpu.dma_semaphore, #tpu.memory_space<semaphore_mem>>)
    %scan3A = arith.constant 0 : i32
    %scan3A_20 = arith.constant 0 : i32
    %scan3A_21 = arith.constant 64 : i32
    %scan3A_22 = arith.addi %scan3A_20, %scan3A_21 : i32
    %scan3A_23 = arith.constant 1 : i32
    scf.for %scan3A_30 = %scan3A_20 to %scan3A_22 step %scan3A_23  : i32 {
      %mul3A_31 = arith.constant 2 : i32
      %mul3A_32 = arith.muli %scan3A_30, %mul3A_31 : i32
      %add3A_33 = arith.constant 0 : i32
      %add3A_34 = arith.addi %mul3A_32, %add3A_33 : i32
      %ge3A = arith.constant 1 : i32
      %ge3A_35 = arith.cmpi sge, %scan3A_30, %ge3A : i32
      %convert_element_type3A = arith.extui %ge3A_35 : i1 to i32
      %cond3A = arith.constant 0 : i32
      %cond3A_36 = arith.cmpi ne, %convert_element_type3A, %cond3A : i32
      scf.if %cond3A_36 {
        %dma_wait3A_114 = arith.constant 0 : i32
        %dma_wait3A_115 = arith.constant 0 : i32
        %dma_wait3A_116 = tpu.memref_slice %arg5[%dma_wait3A_114, %dma_wait3A_115] : memref<819200x64xf32, #tpu.memory_space<hbm>> -> memref<200x64xf32, #tpu.memory_space<hbm>>
        %dma_wait3A_117 = arith.constant 0 : i32
        %dma_wait3A_118 = arith.constant 0 : i32
        %dma_wait3A_119 = tpu.memref_slice %arg5[%dma_wait3A_117, %dma_wait3A_118] : memref<819200x64xf32, #tpu.memory_space<hbm>> -> memref<200x64xf32, #tpu.memory_space<hbm>>
        tpu.wait_dma2 semaphore(%arg14 : memref<!tpu.dma_semaphore, #tpu.memory_space<semaphore_mem>>) src(%arg10 : memref<200x64xf32, #tpu.memory_space<vmem>>) dst(%dma_wait3A_119 : memref<200x64xf32, #tpu.memory_space<hbm>>)
      } else {
      }
      %add3A_37 = arith.constant 1 : i32
      %add3A_38 = arith.addi %add3A_34, %add3A_37 : i32
      %mul3A_39 = arith.constant 200 : i32
      %mul3A_40 = arith.muli %add3A_38, %mul3A_39 : i32
      %multiple_of3A_41 = tpu.assume_multiple %mul3A_40, 8 : i32
      %dma_start3A_42 = arith.constant 0 : i32
      %dma_start3A_43 = arith.constant 0 : i32
      %dma_start3A_44 = tpu.memref_slice %arg9[%dma_start3A_42, %dma_start3A_43] : memref<200x128xf32, #tpu.memory_space<vmem>> -> memref<128x128xf32, #tpu.memory_space<vmem>>
      %dma_start3A_45 = tpu.memref_slice %arg6[%multiple_of3A_41] : memref<25600xi32, #tpu.memory_space<vmem>> -> memref<128xi32, #tpu.memory_space<vmem>>
      %dma_start3A_46 = arith.constant 0 : i32
      %dma_start3A_47 = arith.constant 0 : i32
      %dma_start3A_48 = tpu.memref_slice %arg4[%dma_start3A_46, %dma_start3A_47] : memref<200000x128xf32, #tpu.memory_space<hbm>> -> memref<200000x128xf32, #tpu.memory_space<hbm>>
      tpu.enqueue_indirect_dma source(%dma_start3A_48 : memref<200000x128xf32, #tpu.memory_space<hbm>>) target(%dma_start3A_44 : memref<128x128xf32, #tpu.memory_space<vmem>>) offsets(%dma_start3A_45 : memref<128xi32, #tpu.memory_space<vmem>>) semaphore(%arg12 : memref<!tpu.dma_semaphore, #tpu.memory_space<semaphore_mem>>)
      %add3A_49 = arith.constant 128 : i32
      %add3A_50 = arith.addi %multiple_of3A_41, %add3A_49 : i32
      %dma_start3A_51 = arith.constant 128 : i32
      %dma_start3A_52 = arith.constant 0 : i32
      %dma_start3A_53 = tpu.memref_slice %arg9[%dma_start3A_51, %dma_start3A_52] : memref<200x128xf32, #tpu.memory_space<vmem>> -> memref<72x128xf32, #tpu.memory_space<vmem>>
      %dma_start3A_54 = tpu.memref_slice %arg6[%add3A_50] : memref<25600xi32, #tpu.memory_space<vmem>> -> memref<72xi32, #tpu.memory_space<vmem>>
      %dma_start3A_55 = arith.constant 0 : i32
      %dma_start3A_56 = arith.constant 0 : i32
      %dma_start3A_57 = tpu.memref_slice %arg4[%dma_start3A_55, %dma_start3A_56] : memref<200000x128xf32, #tpu.memory_space<hbm>> -> memref<200000x128xf32, #tpu.memory_space<hbm>>
      tpu.enqueue_indirect_dma source(%dma_start3A_57 : memref<200000x128xf32, #tpu.memory_space<hbm>>) target(%dma_start3A_53 : memref<72x128xf32, #tpu.memory_space<vmem>>) offsets(%dma_start3A_54 : memref<72xi32, #tpu.memory_space<vmem>>) semaphore(%arg12 : memref<!tpu.dma_semaphore, #tpu.memory_space<semaphore_mem>>)
      %dma_wait3A_58 = arith.constant 0 : i32
      %dma_wait3A_59 = arith.constant 0 : i32
      %dma_wait3A_60 = tpu.memref_slice %arg4[%dma_wait3A_58, %dma_wait3A_59] : memref<200000x128xf32, #tpu.memory_space<hbm>> -> memref<200x128xf32, #tpu.memory_space<hbm>>
      %dma_wait3A_61 = arith.constant 0 : i32
      %dma_wait3A_62 = arith.constant 0 : i32
      %dma_wait3A_63 = tpu.memref_slice %arg4[%dma_wait3A_61, %dma_wait3A_62] : memref<200000x128xf32, #tpu.memory_space<hbm>> -> memref<200x128xf32, #tpu.memory_space<hbm>>
      tpu.wait_dma2 semaphore(%arg11 : memref<!tpu.dma_semaphore, #tpu.memory_space<semaphore_mem>>) src(%dma_wait3A_63 : memref<200x128xf32, #tpu.memory_space<hbm>>) dst(%arg8 : memref<200x128xf32, #tpu.memory_space<vmem>>)
      %scan3A_64 = arith.constant 0 : i32
      %scan3A_65 = arith.constant 0 : i32
      %scan3A_66 = arith.constant 25 : i32
      %scan3A_67 = arith.addi %scan3A_65, %scan3A_66 : i32
      %scan3A_68 = arith.constant 1 : i32
      scf.for %scan3A_114 = %scan3A_65 to %scan3A_67 step %scan3A_68  : i32 {
        %mul3A_115 = arith.constant 8 : i32
        %mul3A_116 = arith.muli %scan3A_114, %mul3A_115 : i32
        %add3A_117 = arith.constant 0 : i32
        %add3A_118 = arith.addi %mul3A_116, %add3A_117 : i32
        %get3A = arith.index_cast %add3A_118 : i32 to index
        %get3A_119 = arith.constant 0 : index
        %get3A_120 = tpu.vector_load %arg8[%get3A, %get3A_119] {strides = array<i32>} : memref<200x128xf32, #tpu.memory_space<vmem>>, vector<1x16xf32>,
        %get3A_121 = vector.shape_cast %get3A_120 : vector<1x16xf32> to vector<16xf32>
        %get3A_122 = arith.index_cast %add3A_118 : i32 to index
        %get3A_123 = arith.constant 0 : index
        %get3A_124 = tpu.vector_load %arg7[%get3A_122, %get3A_123] {strides = array<i32>} : memref<200x64xf32, #tpu.memory_space<vmem>>, vector<1x16xf32>,
        %get3A_125 = vector.shape_cast %get3A_124 : vector<1x16xf32> to vector<16xf32>
        %add3A_126 = arith.addf %get3A_121, %get3A_125 : vector<16xf32>
        %swap3A = arith.index_cast %add3A_118 : i32 to index
        %swap3A_127 = arith.constant 0 : index
        %swap3A_128 = tpu.vector_load %arg10[%swap3A, %swap3A_127] {strides = array<i32>} : memref<200x64xf32, #tpu.memory_space<vmem>>, vector<1x16xf32>,
        %swap3A_129 = vector.shape_cast %swap3A_128 : vector<1x16xf32> to vector<16xf32>
        %swap3A_130 = vector.shape_cast %add3A_126 : vector<16xf32> to vector<1x16xf32>
        tpu.vector_store %arg10[%swap3A, %swap3A_127], %swap3A_130 {strides = array<i32>} : memref<200x64xf32, #tpu.memory_space<vmem>>, vector<1x16xf32>,
        %get3A_131 = arith.index_cast %add3A_118 : i32 to index
        %get3A_132 = arith.constant 16 : index
        %get3A_133 = tpu.vector_load %arg8[%get3A_131, %get3A_132] {strides = array<i32>} : memref<200x128xf32, #tpu.memory_space<vmem>>, vector<1x16xf32>,
        %get3A_134 = vector.shape_cast %get3A_133 : vector<1x16xf32> to vector<16xf32>
        %get3A_135 = arith.index_cast %add3A_118 : i32 to index
        %get3A_136 = arith.constant 16 : index
        %get3A_137 = tpu.vector_load %arg7[%get3A_135, %get3A_136] {strides = array<i32>} : memref<200x64xf32, #tpu.memory_space<vmem>>, vector<1x16xf32>,
        %get3A_138 = vector.shape_cast %get3A_137 : vector<1x16xf32> to vector<16xf32>
        %add3A_139 = arith.addf %get3A_134, %get3A_138 : vector<16xf32>
        %swap3A_140 = arith.index_cast %add3A_118 : i32 to index
        %swap3A_141 = arith.constant 16 : index
        %swap3A_142 = tpu.vector_load %arg10[%swap3A_140, %swap3A_141] {strides = array<i32>} : memref<200x64xf32, #tpu.memory_space<vmem>>, vector<1x16xf32>,
        %swap3A_143 = vector.shape_cast %swap3A_142 : vector<1x16xf32> to vector<16xf32>
        %swap3A_144 = vector.shape_cast %add3A_139 : vector<16xf32> to vector<1x16xf32>
        tpu.vector_store %arg10[%swap3A_140, %swap3A_141], %swap3A_144 {strides = array<i32>} : memref<200x64xf32, #tpu.memory_space<vmem>>, vector<1x16xf32>,
        %get3A_145 = arith.index_cast %add3A_118 : i32 to index
        %get3A_146 = arith.constant 32 : index
        %get3A_147 = tpu.vector_load %arg8[%get3A_145, %get3A_146] {strides = array<i32>} : memref<200x128xf32, #tpu.memory_space<vmem>>, vector<1x16xf32>,
        %get3A_148 = vector.shape_cast %get3A_147 : vector<1x16xf32> to vector<16xf32>
        %get3A_149 = arith.index_cast %add3A_118 : i32 to index
        %get3A_150 = arith.constant 32 : index
        %get3A_151 = tpu.vector_load %arg7[%get3A_149, %get3A_150] {strides = array<i32>} : memref<200x64xf32, #tpu.memory_space<vmem>>, vector<1x16xf32>,
        %get3A_152 = vector.shape_cast %get3A_151 : vector<1x16xf32> to vector<16xf32>
        %add3A_153 = arith.addf %get3A_148, %get3A_152 : vector<16xf32>
        %swap3A_154 = arith.index_cast %add3A_118 : i32 to index
        %swap3A_155 = arith.constant 32 : index
        %swap3A_156 = tpu.vector_load %arg10[%swap3A_154, %swap3A_155] {strides = array<i32>} : memref<200x64xf32, #tpu.memory_space<vmem>>, vector<1x16xf32>,
        %swap3A_157 = vector.shape_cast %swap3A_156 : vector<1x16xf32> to vector<16xf32>
        %swap3A_158 = vector.shape_cast %add3A_153 : vector<16xf32> to vector<1x16xf32>
        tpu.vector_store %arg10[%swap3A_154, %swap3A_155], %swap3A_158 {strides = array<i32>} : memref<200x64xf32, #tpu.memory_space<vmem>>, vector<1x16xf32>,
        %get3A_159 = arith.index_cast %add3A_118 : i32 to index
        %get3A_160 = arith.constant 48 : index
        %get3A_161 = tpu.vector_load %arg8[%get3A_159, %get3A_160] {strides = array<i32>} : memref<200x128xf32, #tpu.memory_space<vmem>>, vector<1x16xf32>,
        %get3A_162 = vector.shape_cast %get3A_161 : vector<1x16xf32> to vector<16xf32>
        %get3A_163 = arith.index_cast %add3A_118 : i32 to index
        %get3A_164 = arith.constant 48 : index
        %get3A_165 = tpu.vector_load %arg7[%get3A_163, %get3A_164] {strides = array<i32>} : memref<200x64xf32, #tpu.memory_space<vmem>>, vector<1x16xf32>,
        %get3A_166 = vector.shape_cast %get3A_165 : vector<1x16xf32> to vector<16xf32>
        %add3A_167 = arith.addf %get3A_162, %get3A_166 : vector<16xf32>
        %swap3A_168 = arith.index_cast %add3A_118 : i32 to index
        %swap3A_169 = arith.constant 48 : index
        %swap3A_170 = tpu.vector_load %arg10[%swap3A_168, %swap3A_169] {strides = array<i32>} : memref<200x64xf32, #tpu.memory_space<vmem>>, vector<1x16xf32>,
        %swap3A_171 = vector.shape_cast %swap3A_170 : vector<1x16xf32> to vector<16xf32>
        %swap3A_172 = vector.shape_cast %add3A_167 : vector<16xf32> to vector<1x16xf32>
        tpu.vector_store %arg10[%swap3A_168, %swap3A_169], %swap3A_172 {strides = array<i32>} : memref<200x64xf32, #tpu.memory_space<vmem>>, vector<1x16xf32>,
        %mul3A_173 = arith.constant 8 : i32
        %mul3A_174 = arith.muli %scan3A_114, %mul3A_173 : i32
        %add3A_175 = arith.constant 1 : i32
        %add3A_176 = arith.addi %mul3A_174, %add3A_175 : i32
        %get3A_177 = arith.index_cast %add3A_176 : i32 to index
        %get3A_178 = arith.constant 0 : index
        %get3A_179 = tpu.vector_load %arg8[%get3A_177, %get3A_178] {strides = array<i32>} : memref<200x128xf32, #tpu.memory_space<vmem>>, vector<1x16xf32>,
        %get3A_180 = vector.shape_cast %get3A_179 : vector<1x16xf32> to vector<16xf32>
        %get3A_181 = arith.index_cast %add3A_176 : i32 to index
        %get3A_182 = arith.constant 0 : index
        %get3A_183 = tpu.vector_load %arg7[%get3A_181, %get3A_182] {strides = array<i32>} : memref<200x64xf32, #tpu.memory_space<vmem>>, vector<1x16xf32>,
        %get3A_184 = vector.shape_cast %get3A_183 : vector<1x16xf32> to vector<16xf32>
        %add3A_185 = arith.addf %get3A_180, %get3A_184 : vector<16xf32>
        %swap3A_186 = arith.index_cast %add3A_176 : i32 to index
        %swap3A_187 = arith.constant 0 : index
        %swap3A_188 = tpu.vector_load %arg10[%swap3A_186, %swap3A_187] {strides = array<i32>} : memref<200x64xf32, #tpu.memory_space<vmem>>, vector<1x16xf32>,
        %swap3A_189 = vector.shape_cast %swap3A_188 : vector<1x16xf32> to vector<16xf32>
        %swap3A_190 = vector.shape_cast %add3A_185 : vector<16xf32> to vector<1x16xf32>
        tpu.vector_store %arg10[%swap3A_186, %swap3A_187], %swap3A_190 {strides = array<i32>} : memref<200x64xf32, #tpu.memory_space<vmem>>, vector<1x16xf32>,
        %get3A_191 = arith.index_cast %add3A_176 : i32 to index
        %get3A_192 = arith.constant 16 : index
        %get3A_193 = tpu.vector_load %arg8[%get3A_191, %get3A_192] {strides = array<i32>} : memref<200x128xf32, #tpu.memory_space<vmem>>, vector<1x16xf32>,
        %get3A_194 = vector.shape_cast %get3A_193 : vector<1x16xf32> to vector<16xf32>
        %get3A_195 = arith.index_cast %add3A_176 : i32 to index
        %get3A_196 = arith.constant 16 : index
        %get3A_197 = tpu.vector_load %arg7[%get3A_195, %get3A_196] {strides = array<i32>} : memref<200x64xf32, #tpu.memory_space<vmem>>, vector<1x16xf32>,
        %get3A_198 = vector.shape_cast %get3A_197 : vector<1x16xf32> to vector<16xf32>
        %add3A_199 = arith.addf %get3A_194, %get3A_198 : vector<16xf32>
        %swap3A_200 = arith.index_cast %add3A_176 : i32 to index
        %swap3A_201 = arith.constant 16 : index
        %swap3A_202 = tpu.vector_load %arg10[%swap3A_200, %swap3A_201] {strides = array<i32>} : memref<200x64xf32, #tpu.memory_space<vmem>>, vector<1x16xf32>,
        %swap3A_203 = vector.shape_cast %swap3A_202 : vector<1x16xf32> to vector<16xf32>
        %swap3A_204 = vector.shape_cast %add3A_199 : vector<16xf32> to vector<1x16xf32>
        tpu.vector_store %arg10[%swap3A_200, %swap3A_201], %swap3A_204 {strides = array<i32>} : memref<200x64xf32, #tpu.memory_space<vmem>>, vector<1x16xf32>,
        %get3A_205 = arith.index_cast %add3A_176 : i32 to index
        %get3A_206 = arith.constant 32 : index
        %get3A_207 = tpu.vector_load %arg8[%get3A_205, %get3A_206] {strides = array<i32>} : memref<200x128xf32, #tpu.memory_space<vmem>>, vector<1x16xf32>,
        %get3A_208 = vector.shape_cast %get3A_207 : vector<1x16xf32> to vector<16xf32>
        %get3A_209 = arith.index_cast %add3A_176 : i32 to index
        %get3A_210 = arith.constant 32 : index
        %get3A_211 = tpu.vector_load %arg7[%get3A_209, %get3A_210] {strides = array<i32>} : memref<200x64xf32, #tpu.memory_space<vmem>>, vector<1x16xf32>,
        %get3A_212 = vector.shape_cast %get3A_211 : vector<1x16xf32> to vector<16xf32>
        %add3A_213 = arith.addf %get3A_208, %get3A_212 : vector<16xf32>
        %swap3A_214 = arith.index_cast %add3A_176 : i32 to index
        %swap3A_215 = arith.constant 32 : index
        %swap3A_216 = tpu.vector_load %arg10[%swap3A_214, %swap3A_215] {strides = array<i32>} : memref<200x64xf32, #tpu.memory_space<vmem>>, vector<1x16xf32>,
        %swap3A_217 = vector.shape_cast %swap3A_216 : vector<1x16xf32> to vector<16xf32>
        %swap3A_218 = vector.shape_cast %add3A_213 : vector<16xf32> to vector<1x16xf32>
        tpu.vector_store %arg10[%swap3A_214, %swap3A_215], %swap3A_218 {strides = array<i32>} : memref<200x64xf32, #tpu.memory_space<vmem>>, vector<1x16xf32>,
        %get3A_219 = arith.index_cast %add3A_176 : i32 to index
        %get3A_220 = arith.constant 48 : index
        %get3A_221 = tpu.vector_load %arg8[%get3A_219, %get3A_220] {strides = array<i32>} : memref<200x128xf32, #tpu.memory_space<vmem>>, vector<1x16xf32>,
        %get3A_222 = vector.shape_cast %get3A_221 : vector<1x16xf32> to vector<16xf32>
        %get3A_223 = arith.index_cast %add3A_176 : i32 to index
        %get3A_224 = arith.constant 48 : index
        %get3A_225 = tpu.vector_load %arg7[%get3A_223, %get3A_224] {strides = array<i32>} : memref<200x64xf32, #tpu.memory_space<vmem>>, vector<1x16xf32>,
        %get3A_226 = vector.shape_cast %get3A_225 : vector<1x16xf32> to vector<16xf32>
        %add3A_227 = arith.addf %get3A_222, %get3A_226 : vector<16xf32>
        %swap3A_228 = arith.index_cast %add3A_176 : i32 to index
        %swap3A_229 = arith.constant 48 : index
        %swap3A_230 = tpu.vector_load %arg10[%swap3A_228, %swap3A_229] {strides = array<i32>} : memref<200x64xf32, #tpu.memory_space<vmem>>, vector<1x16xf32>,
        %swap3A_231 = vector.shape_cast %swap3A_230 : vector<1x16xf32> to vector<16xf32>
        %swap3A_232 = vector.shape_cast %add3A_227 : vector<16xf32> to vector<1x16xf32>
        tpu.vector_store %arg10[%swap3A_228, %swap3A_229], %swap3A_232 {strides = array<i32>} : memref<200x64xf32, #tpu.memory_space<vmem>>, vector<1x16xf32>,
        %mul3A_233 = arith.constant 8 : i32
        %mul3A_234 = arith.muli %scan3A_114, %mul3A_233 : i32
        %add3A_235 = arith.constant 2 : i32
        %add3A_236 = arith.addi %mul3A_234, %add3A_235 : i32
        %get3A_237 = arith.index_cast %add3A_236 : i32 to index
        %get3A_238 = arith.constant 0 : index
        %get3A_239 = tpu.vector_load %arg8[%get3A_237, %get3A_238] {strides = array<i32>} : memref<200x128xf32, #tpu.memory_space<vmem>>, vector<1x16xf32>,
        %get3A_240 = vector.shape_cast %get3A_239 : vector<1x16xf32> to vector<16xf32>
        %get3A_241 = arith.index_cast %add3A_236 : i32 to index
        %get3A_242 = arith.constant 0 : index
        %get3A_243 = tpu.vector_load %arg7[%get3A_241, %get3A_242] {strides = array<i32>} : memref<200x64xf32, #tpu.memory_space<vmem>>, vector<1x16xf32>,
        %get3A_244 = vector.shape_cast %get3A_243 : vector<1x16xf32> to vector<16xf32>
        %add3A_245 = arith.addf %get3A_240, %get3A_244 : vector<16xf32>
        %swap3A_246 = arith.index_cast %add3A_236 : i32 to index
        %swap3A_247 = arith.constant 0 : index
        %swap3A_248 = tpu.vector_load %arg10[%swap3A_246, %swap3A_247] {strides = array<i32>} : memref<200x64xf32, #tpu.memory_space<vmem>>, vector<1x16xf32>,
        %swap3A_249 = vector.shape_cast %swap3A_248 : vector<1x16xf32> to vector<16xf32>
        %swap3A_250 = vector.shape_cast %add3A_245 : vector<16xf32> to vector<1x16xf32>
        tpu.vector_store %arg10[%swap3A_246, %swap3A_247], %swap3A_250 {strides = array<i32>} : memref<200x64xf32, #tpu.memory_space<vmem>>, vector<1x16xf32>,
        %get3A_251 = arith.index_cast %add3A_236 : i32 to index
        %get3A_252 = arith.constant 16 : index
        %get3A_253 = tpu.vector_load %arg8[%get3A_251, %get3A_252] {strides = array<i32>} : memref<200x128xf32, #tpu.memory_space<vmem>>, vector<1x16xf32>,
        %get3A_254 = vector.shape_cast %get3A_253 : vector<1x16xf32> to vector<16xf32>
        %get3A_255 = arith.index_cast %add3A_236 : i32 to index
        %get3A_256 = arith.constant 16 : index
        %get3A_257 = tpu.vector_load %arg7[%get3A_255, %get3A_256] {strides = array<i32>} : memref<200x64xf32, #tpu.memory_space<vmem>>, vector<1x16xf32>,
        %get3A_258 = vector.shape_cast %get3A_257 : vector<1x16xf32> to vector<16xf32>
        %add3A_259 = arith.addf %get3A_254, %get3A_258 : vector<16xf32>
        %swap3A_260 = arith.index_cast %add3A_236 : i32 to index
        %swap3A_261 = arith.constant 16 : index
        %swap3A_262 = tpu.vector_load %arg10[%swap3A_260, %swap3A_261] {strides = array<i32>} : memref<200x64xf32, #tpu.memory_space<vmem>>, vector<1x16xf32>,
        %swap3A_263 = vector.shape_cast %swap3A_262 : vector<1x16xf32> to vector<16xf32>
        %swap3A_264 = vector.shape_cast %add3A_259 : vector<16xf32> to vector<1x16xf32>
        tpu.vector_store %arg10[%swap3A_260, %swap3A_261], %swap3A_264 {strides = array<i32>} : memref<200x64xf32, #tpu.memory_space<vmem>>, vector<1x16xf32>,
        %get3A_265 = arith.index_cast %add3A_236 : i32 to index
        %get3A_266 = arith.constant 32 : index
        %get3A_267 = tpu.vector_load %arg8[%get3A_265, %get3A_266] {strides = array<i32>} : memref<200x128xf32, #tpu.memory_space<vmem>>, vector<1x16xf32>,
        %get3A_268 = vector.shape_cast %get3A_267 : vector<1x16xf32> to vector<16xf32>
        %get3A_269 = arith.index_cast %add3A_236 : i32 to index
        %get3A_270 = arith.constant 32 : index
        %get3A_271 = tpu.vector_load %arg7[%get3A_269, %get3A_270] {strides = array<i32>} : memref<200x64xf32, #tpu.memory_space<vmem>>, vector<1x16xf32>,
        %get3A_272 = vector.shape_cast %get3A_271 : vector<1x16xf32> to vector<16xf32>
        %add3A_273 = arith.addf %get3A_268, %get3A_272 : vector<16xf32>
        %swap3A_274 = arith.index_cast %add3A_236 : i32 to index
        %swap3A_275 = arith.constant 32 : index
        %swap3A_276 = tpu.vector_load %arg10[%swap3A_274, %swap3A_275] {strides = array<i32>} : memref<200x64xf32, #tpu.memory_space<vmem>>, vector<1x16xf32>,
        %swap3A_277 = vector.shape_cast %swap3A_276 : vector<1x16xf32> to vector<16xf32>
        %swap3A_278 = vector.shape_cast %add3A_273 : vector<16xf32> to vector<1x16xf32>
        tpu.vector_store %arg10[%swap3A_274, %swap3A_275], %swap3A_278 {strides = array<i32>} : memref<200x64xf32, #tpu.memory_space<vmem>>, vector<1x16xf32>,
        %get3A_279 = arith.index_cast %add3A_236 : i32 to index
        %get3A_280 = arith.constant 48 : index
        %get3A_281 = tpu.vector_load %arg8[%get3A_279, %get3A_280] {strides = array<i32>} : memref<200x128xf32, #tpu.memory_space<vmem>>, vector<1x16xf32>,
        %get3A_282 = vector.shape_cast %get3A_281 : vector<1x16xf32> to vector<16xf32>
        %get3A_283 = arith.index_cast %add3A_236 : i32 to index
        %get3A_284 = arith.constant 48 : index
        %get3A_285 = tpu.vector_load %arg7[%get3A_283, %get3A_284] {strides = array<i32>} : memref<200x64xf32, #tpu.memory_space<vmem>>, vector<1x16xf32>,
        %get3A_286 = vector.shape_cast %get3A_285 : vector<1x16xf32> to vector<16xf32>
        %add3A_287 = arith.addf %get3A_282, %get3A_286 : vector<16xf32>
        %swap3A_288 = arith.index_cast %add3A_236 : i32 to index
        %swap3A_289 = arith.constant 48 : index
        %swap3A_290 = tpu.vector_load %arg10[%swap3A_288, %swap3A_289] {strides = array<i32>} : memref<200x64xf32, #tpu.memory_space<vmem>>, vector<1x16xf32>,
        %swap3A_291 = vector.shape_cast %swap3A_290 : vector<1x16xf32> to vector<16xf32>
        %swap3A_292 = vector.shape_cast %add3A_287 : vector<16xf32> to vector<1x16xf32>
        tpu.vector_store %arg10[%swap3A_288, %swap3A_289], %swap3A_292 {strides = array<i32>} : memref<200x64xf32, #tpu.memory_space<vmem>>, vector<1x16xf32>,
        %mul3A_293 = arith.constant 8 : i32
        %mul3A_294 = arith.muli %scan3A_114, %mul3A_293 : i32
        %add3A_295 = arith.constant 3 : i32
        %add3A_296 = arith.addi %mul3A_294, %add3A_295 : i32
        %get3A_297 = arith.index_cast %add3A_296 : i32 to index
        %get3A_298 = arith.constant 0 : index
        %get3A_299 = tpu.vector_load %arg8[%get3A_297, %get3A_298] {strides = array<i32>} : memref<200x128xf32, #tpu.memory_space<vmem>>, vector<1x16xf32>,
        %get3A_300 = vector.shape_cast %get3A_299 : vector<1x16xf32> to vector<16xf32>
        %get3A_301 = arith.index_cast %add3A_296 : i32 to index
        %get3A_302 = arith.constant 0 : index
        %get3A_303 = tpu.vector_load %arg7[%get3A_301, %get3A_302] {strides = array<i32>} : memref<200x64xf32, #tpu.memory_space<vmem>>, vector<1x16xf32>,
        %get3A_304 = vector.shape_cast %get3A_303 : vector<1x16xf32> to vector<16xf32>
        %add3A_305 = arith.addf %get3A_300, %get3A_304 : vector<16xf32>
        %swap3A_306 = arith.index_cast %add3A_296 : i32 to index
        %swap3A_307 = arith.constant 0 : index
        %swap3A_308 = tpu.vector_load %arg10[%swap3A_306, %swap3A_307] {strides = array<i32>} : memref<200x64xf32, #tpu.memory_space<vmem>>, vector<1x16xf32>,
        %swap3A_309 = vector.shape_cast %swap3A_308 : vector<1x16xf32> to vector<16xf32>
        %swap3A_310 = vector.shape_cast %add3A_305 : vector<16xf32> to vector<1x16xf32>
        tpu.vector_store %arg10[%swap3A_306, %swap3A_307], %swap3A_310 {strides = array<i32>} : memref<200x64xf32, #tpu.memory_space<vmem>>, vector<1x16xf32>,
        %get3A_311 = arith.index_cast %add3A_296 : i32 to index
        %get3A_312 = arith.constant 16 : index
        %get3A_313 = tpu.vector_load %arg8[%get3A_311, %get3A_312] {strides = array<i32>} : memref<200x128xf32, #tpu.memory_space<vmem>>, vector<1x16xf32>,
        %get3A_314 = vector.shape_cast %get3A_313 : vector<1x16xf32> to vector<16xf32>
        %get3A_315 = arith.index_cast %add3A_296 : i32 to index
        %get3A_316 = arith.constant 16 : index
        %get3A_317 = tpu.vector_load %arg7[%get3A_315, %get3A_316] {strides = array<i32>} : memref<200x64xf32, #tpu.memory_space<vmem>>, vector<1x16xf32>,
        %get3A_318 = vector.shape_cast %get3A_317 : vector<1x16xf32> to vector<16xf32>
        %add3A_319 = arith.addf %get3A_314, %get3A_318 : vector<16xf32>
        %swap3A_320 = arith.index_cast %add3A_296 : i32 to index
        %swap3A_321 = arith.constant 16 : index
        %swap3A_322 = tpu.vector_load %arg10[%swap3A_320, %swap3A_321] {strides = array<i32>} : memref<200x64xf32, #tpu.memory_space<vmem>>, vector<1x16xf32>,
        %swap3A_323 = vector.shape_cast %swap3A_322 : vector<1x16xf32> to vector<16xf32>
        %swap3A_324 = vector.shape_cast %add3A_319 : vector<16xf32> to vector<1x16xf32>
        tpu.vector_store %arg10[%swap3A_320, %swap3A_321], %swap3A_324 {strides = array<i32>} : memref<200x64xf32, #tpu.memory_space<vmem>>, vector<1x16xf32>,
        %get3A_325 = arith.index_cast %add3A_296 : i32 to index
        %get3A_326 = arith.constant 32 : index
        %get3A_327 = tpu.vector_load %arg8[%get3A_325, %get3A_326] {strides = array<i32>} : memref<200x128xf32, #tpu.memory_space<vmem>>, vector<1x16xf32>,
        %get3A_328 = vector.shape_cast %get3A_327 : vector<1x16xf32> to vector<16xf32>
        %get3A_329 = arith.index_cast %add3A_296 : i32 to index
        %get3A_330 = arith.constant 32 : index
        %get3A_331 = tpu.vector_load %arg7[%get3A_329, %get3A_330] {strides = array<i32>} : memref<200x64xf32, #tpu.memory_space<vmem>>, vector<1x16xf32>,
        %get3A_332 = vector.shape_cast %get3A_331 : vector<1x16xf32> to vector<16xf32>
        %add3A_333 = arith.addf %get3A_328, %get3A_332 : vector<16xf32>
        %swap3A_334 = arith.index_cast %add3A_296 : i32 to index
        %swap3A_335 = arith.constant 32 : index
        %swap3A_336 = tpu.vector_load %arg10[%swap3A_334, %swap3A_335] {strides = array<i32>} : memref<200x64xf32, #tpu.memory_space<vmem>>, vector<1x16xf32>,
        %swap3A_337 = vector.shape_cast %swap3A_336 : vector<1x16xf32> to vector<16xf32>
        %swap3A_338 = vector.shape_cast %add3A_333 : vector<16xf32> to vector<1x16xf32>
        tpu.vector_store %arg10[%swap3A_334, %swap3A_335], %swap3A_338 {strides = array<i32>} : memref<200x64xf32, #tpu.memory_space<vmem>>, vector<1x16xf32>,
        %get3A_339 = arith.index_cast %add3A_296 : i32 to index
        %get3A_340 = arith.constant 48 : index
        %get3A_341 = tpu.vector_load %arg8[%get3A_339, %get3A_340] {strides = array<i32>} : memref<200x128xf32, #tpu.memory_space<vmem>>, vector<1x16xf32>,
        %get3A_342 = vector.shape_cast %get3A_341 : vector<1x16xf32> to vector<16xf32>
        %get3A_343 = arith.index_cast %add3A_296 : i32 to index
        %get3A_344 = arith.constant 48 : index
        %get3A_345 = tpu.vector_load %arg7[%get3A_343, %get3A_344] {strides = array<i32>} : memref<200x64xf32, #tpu.memory_space<vmem>>, vector<1x16xf32>,
        %get3A_346 = vector.shape_cast %get3A_345 : vector<1x16xf32> to vector<16xf32>
        %add3A_347 = arith.addf %get3A_342, %get3A_346 : vector<16xf32>
        %swap3A_348 = arith.index_cast %add3A_296 : i32 to index
        %swap3A_349 = arith.constant 48 : index
        %swap3A_350 = tpu.vector_load %arg10[%swap3A_348, %swap3A_349] {strides = array<i32>} : memref<200x64xf32, #tpu.memory_space<vmem>>, vector<1x16xf32>,
        %swap3A_351 = vector.shape_cast %swap3A_350 : vector<1x16xf32> to vector<16xf32>
        %swap3A_352 = vector.shape_cast %add3A_347 : vector<16xf32> to vector<1x16xf32>
        tpu.vector_store %arg10[%swap3A_348, %swap3A_349], %swap3A_352 {strides = array<i32>} : memref<200x64xf32, #tpu.memory_space<vmem>>, vector<1x16xf32>,
        %mul3A_353 = arith.constant 8 : i32
        %mul3A_354 = arith.muli %scan3A_114, %mul3A_353 : i32
        %add3A_355 = arith.constant 4 : i32
        %add3A_356 = arith.addi %mul3A_354, %add3A_355 : i32
        %get3A_357 = arith.index_cast %add3A_356 : i32 to index
        %get3A_358 = arith.constant 0 : index
        %get3A_359 = tpu.vector_load %arg8[%get3A_357, %get3A_358] {strides = array<i32>} : memref<200x128xf32, #tpu.memory_space<vmem>>, vector<1x16xf32>,
        %get3A_360 = vector.shape_cast %get3A_359 : vector<1x16xf32> to vector<16xf32>
        %get3A_361 = arith.index_cast %add3A_356 : i32 to index
        %get3A_362 = arith.constant 0 : index
        %get3A_363 = tpu.vector_load %arg7[%get3A_361, %get3A_362] {strides = array<i32>} : memref<200x64xf32, #tpu.memory_space<vmem>>, vector<1x16xf32>,
        %get3A_364 = vector.shape_cast %get3A_363 : vector<1x16xf32> to vector<16xf32>
        %add3A_365 = arith.addf %get3A_360, %get3A_364 : vector<16xf32>
        %swap3A_366 = arith.index_cast %add3A_356 : i32 to index
        %swap3A_367 = arith.constant 0 : index
        %swap3A_368 = tpu.vector_load %arg10[%swap3A_366, %swap3A_367] {strides = array<i32>} : memref<200x64xf32, #tpu.memory_space<vmem>>, vector<1x16xf32>,
        %swap3A_369 = vector.shape_cast %swap3A_368 : vector<1x16xf32> to vector<16xf32>
        %swap3A_370 = vector.shape_cast %add3A_365 : vector<16xf32> to vector<1x16xf32>
        tpu.vector_store %arg10[%swap3A_366, %swap3A_367], %swap3A_370 {strides = array<i32>} : memref<200x64xf32, #tpu.memory_space<vmem>>, vector<1x16xf32>,
        %get3A_371 = arith.index_cast %add3A_356 : i32 to index
        %get3A_372 = arith.constant 16 : index
        %get3A_373 = tpu.vector_load %arg8[%get3A_371, %get3A_372] {strides = array<i32>} : memref<200x128xf32, #tpu.memory_space<vmem>>, vector<1x16xf32>,
        %get3A_374 = vector.shape_cast %get3A_373 : vector<1x16xf32> to vector<16xf32>
        %get3A_375 = arith.index_cast %add3A_356 : i32 to index
        %get3A_376 = arith.constant 16 : index
        %get3A_377 = tpu.vector_load %arg7[%get3A_375, %get3A_376] {strides = array<i32>} : memref<200x64xf32, #tpu.memory_space<vmem>>, vector<1x16xf32>,
        %get3A_378 = vector.shape_cast %get3A_377 : vector<1x16xf32> to vector<16xf32>
        %add3A_379 = arith.addf %get3A_374, %get3A_378 : vector<16xf32>
        %swap3A_380 = arith.index_cast %add3A_356 : i32 to index
        %swap3A_381 = arith.constant 16 : index
        %swap3A_382 = tpu.vector_load %arg10[%swap3A_380, %swap3A_381] {strides = array<i32>} : memref<200x64xf32, #tpu.memory_space<vmem>>, vector<1x16xf32>,
        %swap3A_383 = vector.shape_cast %swap3A_382 : vector<1x16xf32> to vector<16xf32>
        %swap3A_384 = vector.shape_cast %add3A_379 : vector<16xf32> to vector<1x16xf32>
        tpu.vector_store %arg10[%swap3A_380, %swap3A_381], %swap3A_384 {strides = array<i32>} : memref<200x64xf32, #tpu.memory_space<vmem>>, vector<1x16xf32>,
        %get3A_385 = arith.index_cast %add3A_356 : i32 to index
        %get3A_386 = arith.constant 32 : index
        %get3A_387 = tpu.vector_load %arg8[%get3A_385, %get3A_386] {strides = array<i32>} : memref<200x128xf32, #tpu.memory_space<vmem>>, vector<1x16xf32>,
        %get3A_388 = vector.shape_cast %get3A_387 : vector<1x16xf32> to vector<16xf32>
        %get3A_389 = arith.index_cast %add3A_356 : i32 to index
        %get3A_390 = arith.constant 32 : index
        %get3A_391 = tpu.vector_load %arg7[%get3A_389, %get3A_390] {strides = array<i32>} : memref<200x64xf32, #tpu.memory_space<vmem>>, vector<1x16xf32>,
        %get3A_392 = vector.shape_cast %get3A_391 : vector<1x16xf32> to vector<16xf32>
        %add3A_393 = arith.addf %get3A_388, %get3A_392 : vector<16xf32>
        %swap3A_394 = arith.index_cast %add3A_356 : i32 to index
        %swap3A_395 = arith.constant 32 : index
        %swap3A_396 = tpu.vector_load %arg10[%swap3A_394, %swap3A_395] {strides = array<i32>} : memref<200x64xf32, #tpu.memory_space<vmem>>, vector<1x16xf32>,
        %swap3A_397 = vector.shape_cast %swap3A_396 : vector<1x16xf32> to vector<16xf32>
        %swap3A_398 = vector.shape_cast %add3A_393 : vector<16xf32> to vector<1x16xf32>
        tpu.vector_store %arg10[%swap3A_394, %swap3A_395], %swap3A_398 {strides = array<i32>} : memref<200x64xf32, #tpu.memory_space<vmem>>, vector<1x16xf32>,
        %get3A_399 = arith.index_cast %add3A_356 : i32 to index
        %get3A_400 = arith.constant 48 : index
        %get3A_401 = tpu.vector_load %arg8[%get3A_399, %get3A_400] {strides = array<i32>} : memref<200x128xf32, #tpu.memory_space<vmem>>, vector<1x16xf32>,
        %get3A_402 = vector.shape_cast %get3A_401 : vector<1x16xf32> to vector<16xf32>
        %get3A_403 = arith.index_cast %add3A_356 : i32 to index
        %get3A_404 = arith.constant 48 : index
        %get3A_405 = tpu.vector_load %arg7[%get3A_403, %get3A_404] {strides = array<i32>} : memref<200x64xf32, #tpu.memory_space<vmem>>, vector<1x16xf32>,
        %get3A_406 = vector.shape_cast %get3A_405 : vector<1x16xf32> to vector<16xf32>
        %add3A_407 = arith.addf %get3A_402, %get3A_406 : vector<16xf32>
        %swap3A_408 = arith.index_cast %add3A_356 : i32 to index
        %swap3A_409 = arith.constant 48 : index
        %swap3A_410 = tpu.vector_load %arg10[%swap3A_408, %swap3A_409] {strides = array<i32>} : memref<200x64xf32, #tpu.memory_space<vmem>>, vector<1x16xf32>,
        %swap3A_411 = vector.shape_cast %swap3A_410 : vector<1x16xf32> to vector<16xf32>
        %swap3A_412 = vector.shape_cast %add3A_407 : vector<16xf32> to vector<1x16xf32>
        tpu.vector_store %arg10[%swap3A_408, %swap3A_409], %swap3A_412 {strides = array<i32>} : memref<200x64xf32, #tpu.memory_space<vmem>>, vector<1x16xf32>,
        %mul3A_413 = arith.constant 8 : i32
        %mul3A_414 = arith.muli %scan3A_114, %mul3A_413 : i32
        %add3A_415 = arith.constant 5 : i32
        %add3A_416 = arith.addi %mul3A_414, %add3A_415 : i32
        %get3A_417 = arith.index_cast %add3A_416 : i32 to index
        %get3A_418 = arith.constant 0 : index
        %get3A_419 = tpu.vector_load %arg8[%get3A_417, %get3A_418] {strides = array<i32>} : memref<200x128xf32, #tpu.memory_space<vmem>>, vector<1x16xf32>,
        %get3A_420 = vector.shape_cast %get3A_419 : vector<1x16xf32> to vector<16xf32>
        %get3A_421 = arith.index_cast %add3A_416 : i32 to index
        %get3A_422 = arith.constant 0 : index
        %get3A_423 = tpu.vector_load %arg7[%get3A_421, %get3A_422] {strides = array<i32>} : memref<200x64xf32, #tpu.memory_space<vmem>>, vector<1x16xf32>,
        %get3A_424 = vector.shape_cast %get3A_423 : vector<1x16xf32> to vector<16xf32>
        %add3A_425 = arith.addf %get3A_420, %get3A_424 : vector<16xf32>
        %swap3A_426 = arith.index_cast %add3A_416 : i32 to index
        %swap3A_427 = arith.constant 0 : index
        %swap3A_428 = tpu.vector_load %arg10[%swap3A_426, %swap3A_427] {strides = array<i32>} : memref<200x64xf32, #tpu.memory_space<vmem>>, vector<1x16xf32>,
        %swap3A_429 = vector.shape_cast %swap3A_428 : vector<1x16xf32> to vector<16xf32>
        %swap3A_430 = vector.shape_cast %add3A_425 : vector<16xf32> to vector<1x16xf32>
        tpu.vector_store %arg10[%swap3A_426, %swap3A_427], %swap3A_430 {strides = array<i32>} : memref<200x64xf32, #tpu.memory_space<vmem>>, vector<1x16xf32>,
        %get3A_431 = arith.index_cast %add3A_416 : i32 to index
        %get3A_432 = arith.constant 16 : index
        %get3A_433 = tpu.vector_load %arg8[%get3A_431, %get3A_432] {strides = array<i32>} : memref<200x128xf32, #tpu.memory_space<vmem>>, vector<1x16xf32>,
        %get3A_434 = vector.shape_cast %get3A_433 : vector<1x16xf32> to vector<16xf32>
        %get3A_435 = arith.index_cast %add3A_416 : i32 to index
        %get3A_436 = arith.constant 16 : index
        %get3A_437 = tpu.vector_load %arg7[%get3A_435, %get3A_436] {strides = array<i32>} : memref<200x64xf32, #tpu.memory_space<vmem>>, vector<1x16xf32>,
        %get3A_438 = vector.shape_cast %get3A_437 : vector<1x16xf32> to vector<16xf32>
        %add3A_439 = arith.addf %get3A_434, %get3A_438 : vector<16xf32>
        %swap3A_440 = arith.index_cast %add3A_416 : i32 to index
        %swap3A_441 = arith.constant 16 : index
        %swap3A_442 = tpu.vector_load %arg10[%swap3A_440, %swap3A_441] {strides = array<i32>} : memref<200x64xf32, #tpu.memory_space<vmem>>, vector<1x16xf32>,
        %swap3A_443 = vector.shape_cast %swap3A_442 : vector<1x16xf32> to vector<16xf32>
        %swap3A_444 = vector.shape_cast %add3A_439 : vector<16xf32> to vector<1x16xf32>
        tpu.vector_store %arg10[%swap3A_440, %swap3A_441], %swap3A_444 {strides = array<i32>} : memref<200x64xf32, #tpu.memory_space<vmem>>, vector<1x16xf32>,
        %get3A_445 = arith.index_cast %add3A_416 : i32 to index
        %get3A_446 = arith.constant 32 : index
        %get3A_447 = tpu.vector_load %arg8[%get3A_445, %get3A_446] {strides = array<i32>} : memref<200x128xf32, #tpu.memory_space<vmem>>, vector<1x16xf32>,
        %get3A_448 = vector.shape_cast %get3A_447 : vector<1x16xf32> to vector<16xf32>
        %get3A_449 = arith.index_cast %add3A_416 : i32 to index
        %get3A_450 = arith.constant 32 : index
        %get3A_451 = tpu.vector_load %arg7[%get3A_449, %get3A_450] {strides = array<i32>} : memref<200x64xf32, #tpu.memory_space<vmem>>, vector<1x16xf32>,
        %get3A_452 = vector.shape_cast %get3A_451 : vector<1x16xf32> to vector<16xf32>
        %add3A_453 = arith.addf %get3A_448, %get3A_452 : vector<16xf32>
        %swap3A_454 = arith.index_cast %add3A_416 : i32 to index
        %swap3A_455 = arith.constant 32 : index
        %swap3A_456 = tpu.vector_load %arg10[%swap3A_454, %swap3A_455] {strides = array<i32>} : memref<200x64xf32, #tpu.memory_space<vmem>>, vector<1x16xf32>,
        %swap3A_457 = vector.shape_cast %swap3A_456 : vector<1x16xf32> to vector<16xf32>
        %swap3A_458 = vector.shape_cast %add3A_453 : vector<16xf32> to vector<1x16xf32>
        tpu.vector_store %arg10[%swap3A_454, %swap3A_455], %swap3A_458 {strides = array<i32>} : memref<200x64xf32, #tpu.memory_space<vmem>>, vector<1x16xf32>,
        %get3A_459 = arith.index_cast %add3A_416 : i32 to index
        %get3A_460 = arith.constant 48 : index
        %get3A_461 = tpu.vector_load %arg8[%get3A_459, %get3A_460] {strides = array<i32>} : memref<200x128xf32, #tpu.memory_space<vmem>>, vector<1x16xf32>,
        %get3A_462 = vector.shape_cast %get3A_461 : vector<1x16xf32> to vector<16xf32>
        %get3A_463 = arith.index_cast %add3A_416 : i32 to index
        %get3A_464 = arith.constant 48 : index
        %get3A_465 = tpu.vector_load %arg7[%get3A_463, %get3A_464] {strides = array<i32>} : memref<200x64xf32, #tpu.memory_space<vmem>>, vector<1x16xf32>,
        %get3A_466 = vector.shape_cast %get3A_465 : vector<1x16xf32> to vector<16xf32>
        %add3A_467 = arith.addf %get3A_462, %get3A_466 : vector<16xf32>
        %swap3A_468 = arith.index_cast %add3A_416 : i32 to index
        %swap3A_469 = arith.constant 48 : index
        %swap3A_470 = tpu.vector_load %arg10[%swap3A_468, %swap3A_469] {strides = array<i32>} : memref<200x64xf32, #tpu.memory_space<vmem>>, vector<1x16xf32>,
        %swap3A_471 = vector.shape_cast %swap3A_470 : vector<1x16xf32> to vector<16xf32>
        %swap3A_472 = vector.shape_cast %add3A_467 : vector<16xf32> to vector<1x16xf32>
        tpu.vector_store %arg10[%swap3A_468, %swap3A_469], %swap3A_472 {strides = array<i32>} : memref<200x64xf32, #tpu.memory_space<vmem>>, vector<1x16xf32>,
        %mul3A_473 = arith.constant 8 : i32
        %mul3A_474 = arith.muli %scan3A_114, %mul3A_473 : i32
        %add3A_475 = arith.constant 6 : i32
        %add3A_476 = arith.addi %mul3A_474, %add3A_475 : i32
        %get3A_477 = arith.index_cast %add3A_476 : i32 to index
        %get3A_478 = arith.constant 0 : index
        %get3A_479 = tpu.vector_load %arg8[%get3A_477, %get3A_478] {strides = array<i32>} : memref<200x128xf32, #tpu.memory_space<vmem>>, vector<1x16xf32>,
        %get3A_480 = vector.shape_cast %get3A_479 : vector<1x16xf32> to vector<16xf32>
        %get3A_481 = arith.index_cast %add3A_476 : i32 to index
        %get3A_482 = arith.constant 0 : index
        %get3A_483 = tpu.vector_load %arg7[%get3A_481, %get3A_482] {strides = array<i32>} : memref<200x64xf32, #tpu.memory_space<vmem>>, vector<1x16xf32>,
        %get3A_484 = vector.shape_cast %get3A_483 : vector<1x16xf32> to vector<16xf32>
        %add3A_485 = arith.addf %get3A_480, %get3A_484 : vector<16xf32>
        %swap3A_486 = arith.index_cast %add3A_476 : i32 to index
        %swap3A_487 = arith.constant 0 : index
        %swap3A_488 = tpu.vector_load %arg10[%swap3A_486, %swap3A_487] {strides = array<i32>} : memref<200x64xf32, #tpu.memory_space<vmem>>, vector<1x16xf32>,
        %swap3A_489 = vector.shape_cast %swap3A_488 : vector<1x16xf32> to vector<16xf32>
        %swap3A_490 = vector.shape_cast %add3A_485 : vector<16xf32> to vector<1x16xf32>
        tpu.vector_store %arg10[%swap3A_486, %swap3A_487], %swap3A_490 {strides = array<i32>} : memref<200x64xf32, #tpu.memory_space<vmem>>, vector<1x16xf32>,
        %get3A_491 = arith.index_cast %add3A_476 : i32 to index
        %get3A_492 = arith.constant 16 : index
        %get3A_493 = tpu.vector_load %arg8[%get3A_491, %get3A_492] {strides = array<i32>} : memref<200x128xf32, #tpu.memory_space<vmem>>, vector<1x16xf32>,
        %get3A_494 = vector.shape_cast %get3A_493 : vector<1x16xf32> to vector<16xf32>
        %get3A_495 = arith.index_cast %add3A_476 : i32 to index
        %get3A_496 = arith.constant 16 : index
        %get3A_497 = tpu.vector_load %arg7[%get3A_495, %get3A_496] {strides = array<i32>} : memref<200x64xf32, #tpu.memory_space<vmem>>, vector<1x16xf32>,
        %get3A_498 = vector.shape_cast %get3A_497 : vector<1x16xf32> to vector<16xf32>
        %add3A_499 = arith.addf %get3A_494, %get3A_498 : vector<16xf32>
        %swap3A_500 = arith.index_cast %add3A_476 : i32 to index
        %swap3A_501 = arith.constant 16 : index
        %swap3A_502 = tpu.vector_load %arg10[%swap3A_500, %swap3A_501] {strides = array<i32>} : memref<200x64xf32, #tpu.memory_space<vmem>>, vector<1x16xf32>,
        %swap3A_503 = vector.shape_cast %swap3A_502 : vector<1x16xf32> to vector<16xf32>
        %swap3A_504 = vector.shape_cast %add3A_499 : vector<16xf32> to vector<1x16xf32>
        tpu.vector_store %arg10[%swap3A_500, %swap3A_501], %swap3A_504 {strides = array<i32>} : memref<200x64xf32, #tpu.memory_space<vmem>>, vector<1x16xf32>,
        %get3A_505 = arith.index_cast %add3A_476 : i32 to index
        %get3A_506 = arith.constant 32 : index
        %get3A_507 = tpu.vector_load %arg8[%get3A_505, %get3A_506] {strides = array<i32>} : memref<200x128xf32, #tpu.memory_space<vmem>>, vector<1x16xf32>,
        %get3A_508 = vector.shape_cast %get3A_507 : vector<1x16xf32> to vector<16xf32>
        %get3A_509 = arith.index_cast %add3A_476 : i32 to index
        %get3A_510 = arith.constant 32 : index
        %get3A_511 = tpu.vector_load %arg7[%get3A_509, %get3A_510] {strides = array<i32>} : memref<200x64xf32, #tpu.memory_space<vmem>>, vector<1x16xf32>,
        %get3A_512 = vector.shape_cast %get3A_511 : vector<1x16xf32> to vector<16xf32>
        %add3A_513 = arith.addf %get3A_508, %get3A_512 : vector<16xf32>
        %swap3A_514 = arith.index_cast %add3A_476 : i32 to index
        %swap3A_515 = arith.constant 32 : index
        %swap3A_516 = tpu.vector_load %arg10[%swap3A_514, %swap3A_515] {strides = array<i32>} : memref<200x64xf32, #tpu.memory_space<vmem>>, vector<1x16xf32>,
        %swap3A_517 = vector.shape_cast %swap3A_516 : vector<1x16xf32> to vector<16xf32>
        %swap3A_518 = vector.shape_cast %add3A_513 : vector<16xf32> to vector<1x16xf32>
        tpu.vector_store %arg10[%swap3A_514, %swap3A_515], %swap3A_518 {strides = array<i32>} : memref<200x64xf32, #tpu.memory_space<vmem>>, vector<1x16xf32>,
        %get3A_519 = arith.index_cast %add3A_476 : i32 to index
        %get3A_520 = arith.constant 48 : index
        %get3A_521 = tpu.vector_load %arg8[%get3A_519, %get3A_520] {strides = array<i32>} : memref<200x128xf32, #tpu.memory_space<vmem>>, vector<1x16xf32>,
        %get3A_522 = vector.shape_cast %get3A_521 : vector<1x16xf32> to vector<16xf32>
        %get3A_523 = arith.index_cast %add3A_476 : i32 to index
        %get3A_524 = arith.constant 48 : index
        %get3A_525 = tpu.vector_load %arg7[%get3A_523, %get3A_524] {strides = array<i32>} : memref<200x64xf32, #tpu.memory_space<vmem>>, vector<1x16xf32>,
        %get3A_526 = vector.shape_cast %get3A_525 : vector<1x16xf32> to vector<16xf32>
        %add3A_527 = arith.addf %get3A_522, %get3A_526 : vector<16xf32>
        %swap3A_528 = arith.index_cast %add3A_476 : i32 to index
        %swap3A_529 = arith.constant 48 : index
        %swap3A_530 = tpu.vector_load %arg10[%swap3A_528, %swap3A_529] {strides = array<i32>} : memref<200x64xf32, #tpu.memory_space<vmem>>, vector<1x16xf32>,
        %swap3A_531 = vector.shape_cast %swap3A_530 : vector<1x16xf32> to vector<16xf32>
        %swap3A_532 = vector.shape_cast %add3A_527 : vector<16xf32> to vector<1x16xf32>
        tpu.vector_store %arg10[%swap3A_528, %swap3A_529], %swap3A_532 {strides = array<i32>} : memref<200x64xf32, #tpu.memory_space<vmem>>, vector<1x16xf32>,
        %mul3A_533 = arith.constant 8 : i32
        %mul3A_534 = arith.muli %scan3A_114, %mul3A_533 : i32
        %add3A_535 = arith.constant 7 : i32
        %add3A_536 = arith.addi %mul3A_534, %add3A_535 : i32
        %get3A_537 = arith.index_cast %add3A_536 : i32 to index
        %get3A_538 = arith.constant 0 : index
        %get3A_539 = tpu.vector_load %arg8[%get3A_537, %get3A_538] {strides = array<i32>} : memref<200x128xf32, #tpu.memory_space<vmem>>, vector<1x16xf32>,
        %get3A_540 = vector.shape_cast %get3A_539 : vector<1x16xf32> to vector<16xf32>
        %get3A_541 = arith.index_cast %add3A_536 : i32 to index
        %get3A_542 = arith.constant 0 : index
        %get3A_543 = tpu.vector_load %arg7[%get3A_541, %get3A_542] {strides = array<i32>} : memref<200x64xf32, #tpu.memory_space<vmem>>, vector<1x16xf32>,
        %get3A_544 = vector.shape_cast %get3A_543 : vector<1x16xf32> to vector<16xf32>
        %add3A_545 = arith.addf %get3A_540, %get3A_544 : vector<16xf32>
        %swap3A_546 = arith.index_cast %add3A_536 : i32 to index
        %swap3A_547 = arith.constant 0 : index
        %swap3A_548 = tpu.vector_load %arg10[%swap3A_546, %swap3A_547] {strides = array<i32>} : memref<200x64xf32, #tpu.memory_space<vmem>>, vector<1x16xf32>,
        %swap3A_549 = vector.shape_cast %swap3A_548 : vector<1x16xf32> to vector<16xf32>
        %swap3A_550 = vector.shape_cast %add3A_545 : vector<16xf32> to vector<1x16xf32>
        tpu.vector_store %arg10[%swap3A_546, %swap3A_547], %swap3A_550 {strides = array<i32>} : memref<200x64xf32, #tpu.memory_space<vmem>>, vector<1x16xf32>,
        %get3A_551 = arith.index_cast %add3A_536 : i32 to index
        %get3A_552 = arith.constant 16 : index
        %get3A_553 = tpu.vector_load %arg8[%get3A_551, %get3A_552] {strides = array<i32>} : memref<200x128xf32, #tpu.memory_space<vmem>>, vector<1x16xf32>,
        %get3A_554 = vector.shape_cast %get3A_553 : vector<1x16xf32> to vector<16xf32>
        %get3A_555 = arith.index_cast %add3A_536 : i32 to index
        %get3A_556 = arith.constant 16 : index
        %get3A_557 = tpu.vector_load %arg7[%get3A_555, %get3A_556] {strides = array<i32>} : memref<200x64xf32, #tpu.memory_space<vmem>>, vector<1x16xf32>,
        %get3A_558 = vector.shape_cast %get3A_557 : vector<1x16xf32> to vector<16xf32>
        %add3A_559 = arith.addf %get3A_554, %get3A_558 : vector<16xf32>
        %swap3A_560 = arith.index_cast %add3A_536 : i32 to index
        %swap3A_561 = arith.constant 16 : index
        %swap3A_562 = tpu.vector_load %arg10[%swap3A_560, %swap3A_561] {strides = array<i32>} : memref<200x64xf32, #tpu.memory_space<vmem>>, vector<1x16xf32>,
        %swap3A_563 = vector.shape_cast %swap3A_562 : vector<1x16xf32> to vector<16xf32>
        %swap3A_564 = vector.shape_cast %add3A_559 : vector<16xf32> to vector<1x16xf32>
        tpu.vector_store %arg10[%swap3A_560, %swap3A_561], %swap3A_564 {strides = array<i32>} : memref<200x64xf32, #tpu.memory_space<vmem>>, vector<1x16xf32>,
        %get3A_565 = arith.index_cast %add3A_536 : i32 to index
        %get3A_566 = arith.constant 32 : index
        %get3A_567 = tpu.vector_load %arg8[%get3A_565, %get3A_566] {strides = array<i32>} : memref<200x128xf32, #tpu.memory_space<vmem>>, vector<1x16xf32>,
        %get3A_568 = vector.shape_cast %get3A_567 : vector<1x16xf32> to vector<16xf32>
        %get3A_569 = arith.index_cast %add3A_536 : i32 to index
        %get3A_570 = arith.constant 32 : index
        %get3A_571 = tpu.vector_load %arg7[%get3A_569, %get3A_570] {strides = array<i32>} : memref<200x64xf32, #tpu.memory_space<vmem>>, vector<1x16xf32>,
        %get3A_572 = vector.shape_cast %get3A_571 : vector<1x16xf32> to vector<16xf32>
        %add3A_573 = arith.addf %get3A_568, %get3A_572 : vector<16xf32>
        %swap3A_574 = arith.index_cast %add3A_536 : i32 to index
        %swap3A_575 = arith.constant 32 : index
        %swap3A_576 = tpu.vector_load %arg10[%swap3A_574, %swap3A_575] {strides = array<i32>} : memref<200x64xf32, #tpu.memory_space<vmem>>, vector<1x16xf32>,
        %swap3A_577 = vector.shape_cast %swap3A_576 : vector<1x16xf32> to vector<16xf32>
        %swap3A_578 = vector.shape_cast %add3A_573 : vector<16xf32> to vector<1x16xf32>
        tpu.vector_store %arg10[%swap3A_574, %swap3A_575], %swap3A_578 {strides = array<i32>} : memref<200x64xf32, #tpu.memory_space<vmem>>, vector<1x16xf32>,
        %get3A_579 = arith.index_cast %add3A_536 : i32 to index
        %get3A_580 = arith.constant 48 : index
        %get3A_581 = tpu.vector_load %arg8[%get3A_579, %get3A_580] {strides = array<i32>} : memref<200x128xf32, #tpu.memory_space<vmem>>, vector<1x16xf32>,
        %get3A_582 = vector.shape_cast %get3A_581 : vector<1x16xf32> to vector<16xf32>
        %get3A_583 = arith.index_cast %add3A_536 : i32 to index
        %get3A_584 = arith.constant 48 : index
        %get3A_585 = tpu.vector_load %arg7[%get3A_583, %get3A_584] {strides = array<i32>} : memref<200x64xf32, #tpu.memory_space<vmem>>, vector<1x16xf32>,
        %get3A_586 = vector.shape_cast %get3A_585 : vector<1x16xf32> to vector<16xf32>
        %add3A_587 = arith.addf %get3A_582, %get3A_586 : vector<16xf32>
        %swap3A_588 = arith.index_cast %add3A_536 : i32 to index
        %swap3A_589 = arith.constant 48 : index
        %swap3A_590 = tpu.vector_load %arg10[%swap3A_588, %swap3A_589] {strides = array<i32>} : memref<200x64xf32, #tpu.memory_space<vmem>>, vector<1x16xf32>,
        %swap3A_591 = vector.shape_cast %swap3A_590 : vector<1x16xf32> to vector<16xf32>
        %swap3A_592 = vector.shape_cast %add3A_587 : vector<16xf32> to vector<1x16xf32>
        tpu.vector_store %arg10[%swap3A_588, %swap3A_589], %swap3A_592 {strides = array<i32>} : memref<200x64xf32, #tpu.memory_space<vmem>>, vector<1x16xf32>,
      }
      %scan3A_69 = arith.constant 25 : i32
      %mul3A_70 = arith.constant 200 : i32
      %mul3A_71 = arith.muli %add3A_34, %mul3A_70 : i32
      %multiple_of3A_72 = tpu.assume_multiple %mul3A_71, 8 : i32
      %add3A_73 = arith.addi %multiple_of3A, %multiple_of3A_72 : i32
      %dma_start3A_74 = arith.constant 0 : i32
      %dma_start3A_75 = tpu.memref_slice %arg5[%add3A_73, %dma_start3A_74] : memref<819200x64xf32, #tpu.memory_space<hbm>> -> memref<200x64xf32, #tpu.memory_space<hbm>>
      %dma_start3A_76 = arith.constant 0 : i32
      %dma_start3A_77 = tpu.memref_slice %arg5[%add3A_73, %dma_start3A_76] : memref<819200x64xf32, #tpu.memory_space<hbm>> -> memref<200x64xf32, #tpu.memory_space<hbm>>
      tpu.enqueue_dma source(%arg10 : memref<200x64xf32, #tpu.memory_space<vmem>>) target(%dma_start3A_77 : memref<200x64xf32, #tpu.memory_space<hbm>>) target_semaphore(%arg13 : memref<!tpu.dma_semaphore, #tpu.memory_space<semaphore_mem>>)
      %mul3A_78 = arith.constant 2 : i32
      %mul3A_79 = arith.muli %scan3A_30, %mul3A_78 : i32
      %add3A_80 = arith.constant 1 : i32
      %add3A_81 = arith.addi %mul3A_79, %add3A_80 : i32
      %dma_wait3A_82 = arith.constant 0 : i32
      %dma_wait3A_83 = arith.constant 0 : i32
      %dma_wait3A_84 = tpu.memref_slice %arg5[%dma_wait3A_82, %dma_wait3A_83] : memref<819200x64xf32, #tpu.memory_space<hbm>> -> memref<200x64xf32, #tpu.memory_space<hbm>>
      %dma_wait3A_85 = arith.constant 0 : i32
      %dma_wait3A_86 = arith.constant 0 : i32
      %dma_wait3A_87 = tpu.memref_slice %arg5[%dma_wait3A_85, %dma_wait3A_86] : memref<819200x64xf32, #tpu.memory_space<hbm>> -> memref<200x64xf32, #tpu.memory_space<hbm>>
      tpu.wait_dma2 semaphore(%arg13 : memref<!tpu.dma_semaphore, #tpu.memory_space<semaphore_mem>>) src(%arg10 : memref<200x64xf32, #tpu.memory_space<vmem>>) dst(%dma_wait3A_87 : memref<200x64xf32, #tpu.memory_space<hbm>>)
      %add3A_88 = arith.constant 1 : i32
      %add3A_89 = arith.addi %scan3A_30, %add3A_88 : i32
      %lt3A = arith.constant 64 : i32
      %lt3A_90 = arith.cmpi slt, %add3A_89, %lt3A : i32
      %convert_element_type3A_91 = arith.extui %lt3A_90 : i1 to i32
      %cond3A_92 = arith.constant 0 : i32
      %cond3A_93 = arith.cmpi ne, %convert_element_type3A_91, %cond3A_92 : i32
      scf.if %cond3A_93 {
        %add3A_114 = arith.constant 1 : i32
        %add3A_115 = arith.addi %add3A_81, %add3A_114 : i32
        %mul3A_116 = arith.constant 200 : i32
        %mul3A_117 = arith.muli %add3A_115, %mul3A_116 : i32
        %multiple_of3A_118 = tpu.assume_multiple %mul3A_117, 8 : i32
        %dma_start3A_119 = arith.constant 0 : i32
        %dma_start3A_120 = arith.constant 0 : i32
        %dma_start3A_121 = tpu.memref_slice %arg8[%dma_start3A_119, %dma_start3A_120] : memref<200x128xf32, #tpu.memory_space<vmem>> -> memref<128x128xf32, #tpu.memory_space<vmem>>
        %dma_start3A_122 = tpu.memref_slice %arg6[%multiple_of3A_118] : memref<25600xi32, #tpu.memory_space<vmem>> -> memref<128xi32, #tpu.memory_space<vmem>>
        %dma_start3A_123 = arith.constant 0 : i32
        %dma_start3A_124 = arith.constant 0 : i32
        %dma_start3A_125 = tpu.memref_slice %arg4[%dma_start3A_123, %dma_start3A_124] : memref<200000x128xf32, #tpu.memory_space<hbm>> -> memref<200000x128xf32, #tpu.memory_space<hbm>>
        tpu.enqueue_indirect_dma source(%dma_start3A_125 : memref<200000x128xf32, #tpu.memory_space<hbm>>) target(%dma_start3A_121 : memref<128x128xf32, #tpu.memory_space<vmem>>) offsets(%dma_start3A_122 : memref<128xi32, #tpu.memory_space<vmem>>) semaphore(%arg11 : memref<!tpu.dma_semaphore, #tpu.memory_space<semaphore_mem>>)
        %add3A_126 = arith.constant 128 : i32
        %add3A_127 = arith.addi %multiple_of3A_118, %add3A_126 : i32
        %dma_start3A_128 = arith.constant 128 : i32
        %dma_start3A_129 = arith.constant 0 : i32
        %dma_start3A_130 = tpu.memref_slice %arg8[%dma_start3A_128, %dma_start3A_129] : memref<200x128xf32, #tpu.memory_space<vmem>> -> memref<72x128xf32, #tpu.memory_space<vmem>>
        %dma_start3A_131 = tpu.memref_slice %arg6[%add3A_127] : memref<25600xi32, #tpu.memory_space<vmem>> -> memref<72xi32, #tpu.memory_space<vmem>>
        %dma_start3A_132 = arith.constant 0 : i32
        %dma_start3A_133 = arith.constant 0 : i32
        %dma_start3A_134 = tpu.memref_slice %arg4[%dma_start3A_132, %dma_start3A_133] : memref<200000x128xf32, #tpu.memory_space<hbm>> -> memref<200000x128xf32, #tpu.memory_space<hbm>>
        tpu.enqueue_indirect_dma source(%dma_start3A_134 : memref<200000x128xf32, #tpu.memory_space<hbm>>) target(%dma_start3A_130 : memref<72x128xf32, #tpu.memory_space<vmem>>) offsets(%dma_start3A_131 : memref<72xi32, #tpu.memory_space<vmem>>) semaphore(%arg11 : memref<!tpu.dma_semaphore, #tpu.memory_space<semaphore_mem>>)
      } else {
      }
      %dma_wait3A_94 = arith.constant 0 : i32
      %dma_wait3A_95 = arith.constant 0 : i32
      %dma_wait3A_96 = tpu.memref_slice %arg4[%dma_wait3A_94, %dma_wait3A_95] : memref<200000x128xf32, #tpu.memory_space<hbm>> -> memref<200x128xf32, #tpu.memory_space<hbm>>
      %dma_wait3A_97 = arith.constant 0 : i32
      %dma_wait3A_98 = arith.constant 0 : i32
      %dma_wait3A_99 = tpu.memref_slice %arg4[%dma_wait3A_97, %dma_wait3A_98] : memref<200000x128xf32, #tpu.memory_space<hbm>> -> memref<200x128xf32, #tpu.memory_space<hbm>>
      tpu.wait_dma2 semaphore(%arg12 : memref<!tpu.dma_semaphore, #tpu.memory_space<semaphore_mem>>) src(%dma_wait3A_99 : memref<200x128xf32, #tpu.memory_space<hbm>>) dst(%arg9 : memref<200x128xf32, #tpu.memory_space<vmem>>)
      %scan3A_100 = arith.constant 0 : i32
      %scan3A_101 = arith.constant 0 : i32
      %scan3A_102 = arith.constant 25 : i32
      %scan3A_103 = arith.addi %scan3A_101, %scan3A_102 : i32
      %scan3A_104 = arith.constant 1 : i32
      scf.for %scan3A_114 = %scan3A_101 to %scan3A_103 step %scan3A_104  : i32 {
        %mul3A_115 = arith.constant 8 : i32
        %mul3A_116 = arith.muli %scan3A_114, %mul3A_115 : i32
        %add3A_117 = arith.constant 0 : i32
        %add3A_118 = arith.addi %mul3A_116, %add3A_117 : i32
        %get3A = arith.index_cast %add3A_118 : i32 to index
        %get3A_119 = arith.constant 0 : index
        %get3A_120 = tpu.vector_load %arg9[%get3A, %get3A_119] {strides = array<i32>} : memref<200x128xf32, #tpu.memory_space<vmem>>, vector<1x16xf32>,
        %get3A_121 = vector.shape_cast %get3A_120 : vector<1x16xf32> to vector<16xf32>
        %get3A_122 = arith.index_cast %add3A_118 : i32 to index
        %get3A_123 = arith.constant 0 : index
        %get3A_124 = tpu.vector_load %arg7[%get3A_122, %get3A_123] {strides = array<i32>} : memref<200x64xf32, #tpu.memory_space<vmem>>, vector<1x16xf32>,
        %get3A_125 = vector.shape_cast %get3A_124 : vector<1x16xf32> to vector<16xf32>
        %add3A_126 = arith.addf %get3A_121, %get3A_125 : vector<16xf32>
        %swap3A = arith.index_cast %add3A_118 : i32 to index
        %swap3A_127 = arith.constant 0 : index
        %swap3A_128 = tpu.vector_load %arg10[%swap3A, %swap3A_127] {strides = array<i32>} : memref<200x64xf32, #tpu.memory_space<vmem>>, vector<1x16xf32>,
        %swap3A_129 = vector.shape_cast %swap3A_128 : vector<1x16xf32> to vector<16xf32>
        %swap3A_130 = vector.shape_cast %add3A_126 : vector<16xf32> to vector<1x16xf32>
        tpu.vector_store %arg10[%swap3A, %swap3A_127], %swap3A_130 {strides = array<i32>} : memref<200x64xf32, #tpu.memory_space<vmem>>, vector<1x16xf32>,
        %get3A_131 = arith.index_cast %add3A_118 : i32 to index
        %get3A_132 = arith.constant 16 : index
        %get3A_133 = tpu.vector_load %arg9[%get3A_131, %get3A_132] {strides = array<i32>} : memref<200x128xf32, #tpu.memory_space<vmem>>, vector<1x16xf32>,
        %get3A_134 = vector.shape_cast %get3A_133 : vector<1x16xf32> to vector<16xf32>
        %get3A_135 = arith.index_cast %add3A_118 : i32 to index
        %get3A_136 = arith.constant 16 : index
        %get3A_137 = tpu.vector_load %arg7[%get3A_135, %get3A_136] {strides = array<i32>} : memref<200x64xf32, #tpu.memory_space<vmem>>, vector<1x16xf32>,
        %get3A_138 = vector.shape_cast %get3A_137 : vector<1x16xf32> to vector<16xf32>
        %add3A_139 = arith.addf %get3A_134, %get3A_138 : vector<16xf32>
        %swap3A_140 = arith.index_cast %add3A_118 : i32 to index
        %swap3A_141 = arith.constant 16 : index
        %swap3A_142 = tpu.vector_load %arg10[%swap3A_140, %swap3A_141] {strides = array<i32>} : memref<200x64xf32, #tpu.memory_space<vmem>>, vector<1x16xf32>,
        %swap3A_143 = vector.shape_cast %swap3A_142 : vector<1x16xf32> to vector<16xf32>
        %swap3A_144 = vector.shape_cast %add3A_139 : vector<16xf32> to vector<1x16xf32>
        tpu.vector_store %arg10[%swap3A_140, %swap3A_141], %swap3A_144 {strides = array<i32>} : memref<200x64xf32, #tpu.memory_space<vmem>>, vector<1x16xf32>,
        %get3A_145 = arith.index_cast %add3A_118 : i32 to index
        %get3A_146 = arith.constant 32 : index
        %get3A_147 = tpu.vector_load %arg9[%get3A_145, %get3A_146] {strides = array<i32>} : memref<200x128xf32, #tpu.memory_space<vmem>>, vector<1x16xf32>,
        %get3A_148 = vector.shape_cast %get3A_147 : vector<1x16xf32> to vector<16xf32>
        %get3A_149 = arith.index_cast %add3A_118 : i32 to index
        %get3A_150 = arith.constant 32 : index
        %get3A_151 = tpu.vector_load %arg7[%get3A_149, %get3A_150] {strides = array<i32>} : memref<200x64xf32, #tpu.memory_space<vmem>>, vector<1x16xf32>,
        %get3A_152 = vector.shape_cast %get3A_151 : vector<1x16xf32> to vector<16xf32>
        %add3A_153 = arith.addf %get3A_148, %get3A_152 : vector<16xf32>
        %swap3A_154 = arith.index_cast %add3A_118 : i32 to index
        %swap3A_155 = arith.constant 32 : index
        %swap3A_156 = tpu.vector_load %arg10[%swap3A_154, %swap3A_155] {strides = array<i32>} : memref<200x64xf32, #tpu.memory_space<vmem>>, vector<1x16xf32>,
        %swap3A_157 = vector.shape_cast %swap3A_156 : vector<1x16xf32> to vector<16xf32>
        %swap3A_158 = vector.shape_cast %add3A_153 : vector<16xf32> to vector<1x16xf32>
        tpu.vector_store %arg10[%swap3A_154, %swap3A_155], %swap3A_158 {strides = array<i32>} : memref<200x64xf32, #tpu.memory_space<vmem>>, vector<1x16xf32>,
        %get3A_159 = arith.index_cast %add3A_118 : i32 to index
        %get3A_160 = arith.constant 48 : index
        %get3A_161 = tpu.vector_load %arg9[%get3A_159, %get3A_160] {strides = array<i32>} : memref<200x128xf32, #tpu.memory_space<vmem>>, vector<1x16xf32>,
        %get3A_162 = vector.shape_cast %get3A_161 : vector<1x16xf32> to vector<16xf32>
        %get3A_163 = arith.index_cast %add3A_118 : i32 to index
        %get3A_164 = arith.constant 48 : index
        %get3A_165 = tpu.vector_load %arg7[%get3A_163, %get3A_164] {strides = array<i32>} : memref<200x64xf32, #tpu.memory_space<vmem>>, vector<1x16xf32>,
        %get3A_166 = vector.shape_cast %get3A_165 : vector<1x16xf32> to vector<16xf32>
        %add3A_167 = arith.addf %get3A_162, %get3A_166 : vector<16xf32>
        %swap3A_168 = arith.index_cast %add3A_118 : i32 to index
        %swap3A_169 = arith.constant 48 : index
        %swap3A_170 = tpu.vector_load %arg10[%swap3A_168, %swap3A_169] {strides = array<i32>} : memref<200x64xf32, #tpu.memory_space<vmem>>, vector<1x16xf32>,
        %swap3A_171 = vector.shape_cast %swap3A_170 : vector<1x16xf32> to vector<16xf32>
        %swap3A_172 = vector.shape_cast %add3A_167 : vector<16xf32> to vector<1x16xf32>
        tpu.vector_store %arg10[%swap3A_168, %swap3A_169], %swap3A_172 {strides = array<i32>} : memref<200x64xf32, #tpu.memory_space<vmem>>, vector<1x16xf32>,
        %mul3A_173 = arith.constant 8 : i32
        %mul3A_174 = arith.muli %scan3A_114, %mul3A_173 : i32
        %add3A_175 = arith.constant 1 : i32
        %add3A_176 = arith.addi %mul3A_174, %add3A_175 : i32
        %get3A_177 = arith.index_cast %add3A_176 : i32 to index
        %get3A_178 = arith.constant 0 : index
        %get3A_179 = tpu.vector_load %arg9[%get3A_177, %get3A_178] {strides = array<i32>} : memref<200x128xf32, #tpu.memory_space<vmem>>, vector<1x16xf32>,
        %get3A_180 = vector.shape_cast %get3A_179 : vector<1x16xf32> to vector<16xf32>
        %get3A_181 = arith.index_cast %add3A_176 : i32 to index
        %get3A_182 = arith.constant 0 : index
        %get3A_183 = tpu.vector_load %arg7[%get3A_181, %get3A_182] {strides = array<i32>} : memref<200x64xf32, #tpu.memory_space<vmem>>, vector<1x16xf32>,
        %get3A_184 = vector.shape_cast %get3A_183 : vector<1x16xf32> to vector<16xf32>
        %add3A_185 = arith.addf %get3A_180, %get3A_184 : vector<16xf32>
        %swap3A_186 = arith.index_cast %add3A_176 : i32 to index
        %swap3A_187 = arith.constant 0 : index
        %swap3A_188 = tpu.vector_load %arg10[%swap3A_186, %swap3A_187] {strides = array<i32>} : memref<200x64xf32, #tpu.memory_space<vmem>>, vector<1x16xf32>,
        %swap3A_189 = vector.shape_cast %swap3A_188 : vector<1x16xf32> to vector<16xf32>
        %swap3A_190 = vector.shape_cast %add3A_185 : vector<16xf32> to vector<1x16xf32>
        tpu.vector_store %arg10[%swap3A_186, %swap3A_187], %swap3A_190 {strides = array<i32>} : memref<200x64xf32, #tpu.memory_space<vmem>>, vector<1x16xf32>,
        %get3A_191 = arith.index_cast %add3A_176 : i32 to index
        %get3A_192 = arith.constant 16 : index
        %get3A_193 = tpu.vector_load %arg9[%get3A_191, %get3A_192] {strides = array<i32>} : memref<200x128xf32, #tpu.memory_space<vmem>>, vector<1x16xf32>,
        %get3A_194 = vector.shape_cast %get3A_193 : vector<1x16xf32> to vector<16xf32>
        %get3A_195 = arith.index_cast %add3A_176 : i32 to index
        %get3A_196 = arith.constant 16 : index
        %get3A_197 = tpu.vector_load %arg7[%get3A_195, %get3A_196] {strides = array<i32>} : memref<200x64xf32, #tpu.memory_space<vmem>>, vector<1x16xf32>,
        %get3A_198 = vector.shape_cast %get3A_197 : vector<1x16xf32> to vector<16xf32>
        %add3A_199 = arith.addf %get3A_194, %get3A_198 : vector<16xf32>
        %swap3A_200 = arith.index_cast %add3A_176 : i32 to index
        %swap3A_201 = arith.constant 16 : index
        %swap3A_202 = tpu.vector_load %arg10[%swap3A_200, %swap3A_201] {strides = array<i32>} : memref<200x64xf32, #tpu.memory_space<vmem>>, vector<1x16xf32>,
        %swap3A_203 = vector.shape_cast %swap3A_202 : vector<1x16xf32> to vector<16xf32>
        %swap3A_204 = vector.shape_cast %add3A_199 : vector<16xf32> to vector<1x16xf32>
        tpu.vector_store %arg10[%swap3A_200, %swap3A_201], %swap3A_204 {strides = array<i32>} : memref<200x64xf32, #tpu.memory_space<vmem>>, vector<1x16xf32>,
        %get3A_205 = arith.index_cast %add3A_176 : i32 to index
        %get3A_206 = arith.constant 32 : index
        %get3A_207 = tpu.vector_load %arg9[%get3A_205, %get3A_206] {strides = array<i32>} : memref<200x128xf32, #tpu.memory_space<vmem>>, vector<1x16xf32>,
        %get3A_208 = vector.shape_cast %get3A_207 : vector<1x16xf32> to vector<16xf32>
        %get3A_209 = arith.index_cast %add3A_176 : i32 to index
        %get3A_210 = arith.constant 32 : index
        %get3A_211 = tpu.vector_load %arg7[%get3A_209, %get3A_210] {strides = array<i32>} : memref<200x64xf32, #tpu.memory_space<vmem>>, vector<1x16xf32>,
        %get3A_212 = vector.shape_cast %get3A_211 : vector<1x16xf32> to vector<16xf32>
        %add3A_213 = arith.addf %get3A_208, %get3A_212 : vector<16xf32>
        %swap3A_214 = arith.index_cast %add3A_176 : i32 to index
        %swap3A_215 = arith.constant 32 : index
        %swap3A_216 = tpu.vector_load %arg10[%swap3A_214, %swap3A_215] {strides = array<i32>} : memref<200x64xf32, #tpu.memory_space<vmem>>, vector<1x16xf32>,
        %swap3A_217 = vector.shape_cast %swap3A_216 : vector<1x16xf32> to vector<16xf32>
        %swap3A_218 = vector.shape_cast %add3A_213 : vector<16xf32> to vector<1x16xf32>
        tpu.vector_store %arg10[%swap3A_214, %swap3A_215], %swap3A_218 {strides = array<i32>} : memref<200x64xf32, #tpu.memory_space<vmem>>, vector<1x16xf32>,
        %get3A_219 = arith.index_cast %add3A_176 : i32 to index
        %get3A_220 = arith.constant 48 : index
        %get3A_221 = tpu.vector_load %arg9[%get3A_219, %get3A_220] {strides = array<i32>} : memref<200x128xf32, #tpu.memory_space<vmem>>, vector<1x16xf32>,
        %get3A_222 = vector.shape_cast %get3A_221 : vector<1x16xf32> to vector<16xf32>
        %get3A_223 = arith.index_cast %add3A_176 : i32 to index
        %get3A_224 = arith.constant 48 : index
        %get3A_225 = tpu.vector_load %arg7[%get3A_223, %get3A_224] {strides = array<i32>} : memref<200x64xf32, #tpu.memory_space<vmem>>, vector<1x16xf32>,
        %get3A_226 = vector.shape_cast %get3A_225 : vector<1x16xf32> to vector<16xf32>
        %add3A_227 = arith.addf %get3A_222, %get3A_226 : vector<16xf32>
        %swap3A_228 = arith.index_cast %add3A_176 : i32 to index
        %swap3A_229 = arith.constant 48 : index
        %swap3A_230 = tpu.vector_load %arg10[%swap3A_228, %swap3A_229] {strides = array<i32>} : memref<200x64xf32, #tpu.memory_space<vmem>>, vector<1x16xf32>,
        %swap3A_231 = vector.shape_cast %swap3A_230 : vector<1x16xf32> to vector<16xf32>
        %swap3A_232 = vector.shape_cast %add3A_227 : vector<16xf32> to vector<1x16xf32>
        tpu.vector_store %arg10[%swap3A_228, %swap3A_229], %swap3A_232 {strides = array<i32>} : memref<200x64xf32, #tpu.memory_space<vmem>>, vector<1x16xf32>,
        %mul3A_233 = arith.constant 8 : i32
        %mul3A_234 = arith.muli %scan3A_114, %mul3A_233 : i32
        %add3A_235 = arith.constant 2 : i32
        %add3A_236 = arith.addi %mul3A_234, %add3A_235 : i32
        %get3A_237 = arith.index_cast %add3A_236 : i32 to index
        %get3A_238 = arith.constant 0 : index
        %get3A_239 = tpu.vector_load %arg9[%get3A_237, %get3A_238] {strides = array<i32>} : memref<200x128xf32, #tpu.memory_space<vmem>>, vector<1x16xf32>,
        %get3A_240 = vector.shape_cast %get3A_239 : vector<1x16xf32> to vector<16xf32>
        %get3A_241 = arith.index_cast %add3A_236 : i32 to index
        %get3A_242 = arith.constant 0 : index
        %get3A_243 = tpu.vector_load %arg7[%get3A_241, %get3A_242] {strides = array<i32>} : memref<200x64xf32, #tpu.memory_space<vmem>>, vector<1x16xf32>,
        %get3A_244 = vector.shape_cast %get3A_243 : vector<1x16xf32> to vector<16xf32>
        %add3A_245 = arith.addf %get3A_240, %get3A_244 : vector<16xf32>
        %swap3A_246 = arith.index_cast %add3A_236 : i32 to index
        %swap3A_247 = arith.constant 0 : index
        %swap3A_248 = tpu.vector_load %arg10[%swap3A_246, %swap3A_247] {strides = array<i32>} : memref<200x64xf32, #tpu.memory_space<vmem>>, vector<1x16xf32>,
        %swap3A_249 = vector.shape_cast %swap3A_248 : vector<1x16xf32> to vector<16xf32>
        %swap3A_250 = vector.shape_cast %add3A_245 : vector<16xf32> to vector<1x16xf32>
        tpu.vector_store %arg10[%swap3A_246, %swap3A_247], %swap3A_250 {strides = array<i32>} : memref<200x64xf32, #tpu.memory_space<vmem>>, vector<1x16xf32>,
        %get3A_251 = arith.index_cast %add3A_236 : i32 to index
        %get3A_252 = arith.constant 16 : index
        %get3A_253 = tpu.vector_load %arg9[%get3A_251, %get3A_252] {strides = array<i32>} : memref<200x128xf32, #tpu.memory_space<vmem>>, vector<1x16xf32>,
        %get3A_254 = vector.shape_cast %get3A_253 : vector<1x16xf32> to vector<16xf32>
        %get3A_255 = arith.index_cast %add3A_236 : i32 to index
        %get3A_256 = arith.constant 16 : index
        %get3A_257 = tpu.vector_load %arg7[%get3A_255, %get3A_256] {strides = array<i32>} : memref<200x64xf32, #tpu.memory_space<vmem>>, vector<1x16xf32>,
        %get3A_258 = vector.shape_cast %get3A_257 : vector<1x16xf32> to vector<16xf32>
        %add3A_259 = arith.addf %get3A_254, %get3A_258 : vector<16xf32>
        %swap3A_260 = arith.index_cast %add3A_236 : i32 to index
        %swap3A_261 = arith.constant 16 : index
        %swap3A_262 = tpu.vector_load %arg10[%swap3A_260, %swap3A_261] {strides = array<i32>} : memref<200x64xf32, #tpu.memory_space<vmem>>, vector<1x16xf32>,
        %swap3A_263 = vector.shape_cast %swap3A_262 : vector<1x16xf32> to vector<16xf32>
        %swap3A_264 = vector.shape_cast %add3A_259 : vector<16xf32> to vector<1x16xf32>
        tpu.vector_store %arg10[%swap3A_260, %swap3A_261], %swap3A_264 {strides = array<i32>} : memref<200x64xf32, #tpu.memory_space<vmem>>, vector<1x16xf32>,
        %get3A_265 = arith.index_cast %add3A_236 : i32 to index
        %get3A_266 = arith.constant 32 : index
        %get3A_267 = tpu.vector_load %arg9[%get3A_265, %get3A_266] {strides = array<i32>} : memref<200x128xf32, #tpu.memory_space<vmem>>, vector<1x16xf32>,
        %get3A_268 = vector.shape_cast %get3A_267 : vector<1x16xf32> to vector<16xf32>
        %get3A_269 = arith.index_cast %add3A_236 : i32 to index
        %get3A_270 = arith.constant 32 : index
        %get3A_271 = tpu.vector_load %arg7[%get3A_269, %get3A_270] {strides = array<i32>} : memref<200x64xf32, #tpu.memory_space<vmem>>, vector<1x16xf32>,
        %get3A_272 = vector.shape_cast %get3A_271 : vector<1x16xf32> to vector<16xf32>
        %add3A_273 = arith.addf %get3A_268, %get3A_272 : vector<16xf32>
        %swap3A_274 = arith.index_cast %add3A_236 : i32 to index
        %swap3A_275 = arith.constant 32 : index
        %swap3A_276 = tpu.vector_load %arg10[%swap3A_274, %swap3A_275] {strides = array<i32>} : memref<200x64xf32, #tpu.memory_space<vmem>>, vector<1x16xf32>,
        %swap3A_277 = vector.shape_cast %swap3A_276 : vector<1x16xf32> to vector<16xf32>
        %swap3A_278 = vector.shape_cast %add3A_273 : vector<16xf32> to vector<1x16xf32>
        tpu.vector_store %arg10[%swap3A_274, %swap3A_275], %swap3A_278 {strides = array<i32>} : memref<200x64xf32, #tpu.memory_space<vmem>>, vector<1x16xf32>,
        %get3A_279 = arith.index_cast %add3A_236 : i32 to index
        %get3A_280 = arith.constant 48 : index
        %get3A_281 = tpu.vector_load %arg9[%get3A_279, %get3A_280] {strides = array<i32>} : memref<200x128xf32, #tpu.memory_space<vmem>>, vector<1x16xf32>,
        %get3A_282 = vector.shape_cast %get3A_281 : vector<1x16xf32> to vector<16xf32>
        %get3A_283 = arith.index_cast %add3A_236 : i32 to index
        %get3A_284 = arith.constant 48 : index
        %get3A_285 = tpu.vector_load %arg7[%get3A_283, %get3A_284] {strides = array<i32>} : memref<200x64xf32, #tpu.memory_space<vmem>>, vector<1x16xf32>,
        %get3A_286 = vector.shape_cast %get3A_285 : vector<1x16xf32> to vector<16xf32>
        %add3A_287 = arith.addf %get3A_282, %get3A_286 : vector<16xf32>
        %swap3A_288 = arith.index_cast %add3A_236 : i32 to index
        %swap3A_289 = arith.constant 48 : index
        %swap3A_290 = tpu.vector_load %arg10[%swap3A_288, %swap3A_289] {strides = array<i32>} : memref<200x64xf32, #tpu.memory_space<vmem>>, vector<1x16xf32>,
        %swap3A_291 = vector.shape_cast %swap3A_290 : vector<1x16xf32> to vector<16xf32>
        %swap3A_292 = vector.shape_cast %add3A_287 : vector<16xf32> to vector<1x16xf32>
        tpu.vector_store %arg10[%swap3A_288, %swap3A_289], %swap3A_292 {strides = array<i32>} : memref<200x64xf32, #tpu.memory_space<vmem>>, vector<1x16xf32>,
        %mul3A_293 = arith.constant 8 : i32
        %mul3A_294 = arith.muli %scan3A_114, %mul3A_293 : i32
        %add3A_295 = arith.constant 3 : i32
        %add3A_296 = arith.addi %mul3A_294, %add3A_295 : i32
        %get3A_297 = arith.index_cast %add3A_296 : i32 to index
        %get3A_298 = arith.constant 0 : index
        %get3A_299 = tpu.vector_load %arg9[%get3A_297, %get3A_298] {strides = array<i32>} : memref<200x128xf32, #tpu.memory_space<vmem>>, vector<1x16xf32>,
        %get3A_300 = vector.shape_cast %get3A_299 : vector<1x16xf32> to vector<16xf32>
        %get3A_301 = arith.index_cast %add3A_296 : i32 to index
        %get3A_302 = arith.constant 0 : index
        %get3A_303 = tpu.vector_load %arg7[%get3A_301, %get3A_302] {strides = array<i32>} : memref<200x64xf32, #tpu.memory_space<vmem>>, vector<1x16xf32>,
        %get3A_304 = vector.shape_cast %get3A_303 : vector<1x16xf32> to vector<16xf32>
        %add3A_305 = arith.addf %get3A_300, %get3A_304 : vector<16xf32>
        %swap3A_306 = arith.index_cast %add3A_296 : i32 to index
        %swap3A_307 = arith.constant 0 : index
        %swap3A_308 = tpu.vector_load %arg10[%swap3A_306, %swap3A_307] {strides = array<i32>} : memref<200x64xf32, #tpu.memory_space<vmem>>, vector<1x16xf32>,
        %swap3A_309 = vector.shape_cast %swap3A_308 : vector<1x16xf32> to vector<16xf32>
        %swap3A_310 = vector.shape_cast %add3A_305 : vector<16xf32> to vector<1x16xf32>
        tpu.vector_store %arg10[%swap3A_306, %swap3A_307], %swap3A_310 {strides = array<i32>} : memref<200x64xf32, #tpu.memory_space<vmem>>, vector<1x16xf32>,
        %get3A_311 = arith.index_cast %add3A_296 : i32 to index
        %get3A_312 = arith.constant 16 : index
        %get3A_313 = tpu.vector_load %arg9[%get3A_311, %get3A_312] {strides = array<i32>} : memref<200x128xf32, #tpu.memory_space<vmem>>, vector<1x16xf32>,
        %get3A_314 = vector.shape_cast %get3A_313 : vector<1x16xf32> to vector<16xf32>
        %get3A_315 = arith.index_cast %add3A_296 : i32 to index
        %get3A_316 = arith.constant 16 : index
        %get3A_317 = tpu.vector_load %arg7[%get3A_315, %get3A_316] {strides = array<i32>} : memref<200x64xf32, #tpu.memory_space<vmem>>, vector<1x16xf32>,
        %get3A_318 = vector.shape_cast %get3A_317 : vector<1x16xf32> to vector<16xf32>
        %add3A_319 = arith.addf %get3A_314, %get3A_318 : vector<16xf32>
        %swap3A_320 = arith.index_cast %add3A_296 : i32 to index
        %swap3A_321 = arith.constant 16 : index
        %swap3A_322 = tpu.vector_load %arg10[%swap3A_320, %swap3A_321] {strides = array<i32>} : memref<200x64xf32, #tpu.memory_space<vmem>>, vector<1x16xf32>,
        %swap3A_323 = vector.shape_cast %swap3A_322 : vector<1x16xf32> to vector<16xf32>
        %swap3A_324 = vector.shape_cast %add3A_319 : vector<16xf32> to vector<1x16xf32>
        tpu.vector_store %arg10[%swap3A_320, %swap3A_321], %swap3A_324 {strides = array<i32>} : memref<200x64xf32, #tpu.memory_space<vmem>>, vector<1x16xf32>,
        %get3A_325 = arith.index_cast %add3A_296 : i32 to index
        %get3A_326 = arith.constant 32 : index
        %get3A_327 = tpu.vector_load %arg9[%get3A_325, %get3A_326] {strides = array<i32>} : memref<200x128xf32, #tpu.memory_space<vmem>>, vector<1x16xf32>,
        %get3A_328 = vector.shape_cast %get3A_327 : vector<1x16xf32> to vector<16xf32>
        %get3A_329 = arith.index_cast %add3A_296 : i32 to index
        %get3A_330 = arith.constant 32 : index
        %get3A_331 = tpu.vector_load %arg7[%get3A_329, %get3A_330] {strides = array<i32>} : memref<200x64xf32, #tpu.memory_space<vmem>>, vector<1x16xf32>,
        %get3A_332 = vector.shape_cast %get3A_331 : vector<1x16xf32> to vector<16xf32>
        %add3A_333 = arith.addf %get3A_328, %get3A_332 : vector<16xf32>
        %swap3A_334 = arith.index_cast %add3A_296 : i32 to index
        %swap3A_335 = arith.constant 32 : index
        %swap3A_336 = tpu.vector_load %arg10[%swap3A_334, %swap3A_335] {strides = array<i32>} : memref<200x64xf32, #tpu.memory_space<vmem>>, vector<1x16xf32>,
        %swap3A_337 = vector.shape_cast %swap3A_336 : vector<1x16xf32> to vector<16xf32>
        %swap3A_338 = vector.shape_cast %add3A_333 : vector<16xf32> to vector<1x16xf32>
        tpu.vector_store %arg10[%swap3A_334, %swap3A_335], %swap3A_338 {strides = array<i32>} : memref<200x64xf32, #tpu.memory_space<vmem>>, vector<1x16xf32>,
        %get3A_339 = arith.index_cast %add3A_296 : i32 to index
        %get3A_340 = arith.constant 48 : index
        %get3A_341 = tpu.vector_load %arg9[%get3A_339, %get3A_340] {strides = array<i32>} : memref<200x128xf32, #tpu.memory_space<vmem>>, vector<1x16xf32>,
        %get3A_342 = vector.shape_cast %get3A_341 : vector<1x16xf32> to vector<16xf32>
        %get3A_343 = arith.index_cast %add3A_296 : i32 to index
        %get3A_344 = arith.constant 48 : index
        %get3A_345 = tpu.vector_load %arg7[%get3A_343, %get3A_344] {strides = array<i32>} : memref<200x64xf32, #tpu.memory_space<vmem>>, vector<1x16xf32>,
        %get3A_346 = vector.shape_cast %get3A_345 : vector<1x16xf32> to vector<16xf32>
        %add3A_347 = arith.addf %get3A_342, %get3A_346 : vector<16xf32>
        %swap3A_348 = arith.index_cast %add3A_296 : i32 to index
        %swap3A_349 = arith.constant 48 : index
        %swap3A_350 = tpu.vector_load %arg10[%swap3A_348, %swap3A_349] {strides = array<i32>} : memref<200x64xf32, #tpu.memory_space<vmem>>, vector<1x16xf32>,
        %swap3A_351 = vector.shape_cast %swap3A_350 : vector<1x16xf32> to vector<16xf32>
        %swap3A_352 = vector.shape_cast %add3A_347 : vector<16xf32> to vector<1x16xf32>
        tpu.vector_store %arg10[%swap3A_348, %swap3A_349], %swap3A_352 {strides = array<i32>} : memref<200x64xf32, #tpu.memory_space<vmem>>, vector<1x16xf32>,
        %mul3A_353 = arith.constant 8 : i32
        %mul3A_354 = arith.muli %scan3A_114, %mul3A_353 : i32
        %add3A_355 = arith.constant 4 : i32
        %add3A_356 = arith.addi %mul3A_354, %add3A_355 : i32
        %get3A_357 = arith.index_cast %add3A_356 : i32 to index
        %get3A_358 = arith.constant 0 : index
        %get3A_359 = tpu.vector_load %arg9[%get3A_357, %get3A_358] {strides = array<i32>} : memref<200x128xf32, #tpu.memory_space<vmem>>, vector<1x16xf32>,
        %get3A_360 = vector.shape_cast %get3A_359 : vector<1x16xf32> to vector<16xf32>
        %get3A_361 = arith.index_cast %add3A_356 : i32 to index
        %get3A_362 = arith.constant 0 : index
        %get3A_363 = tpu.vector_load %arg7[%get3A_361, %get3A_362] {strides = array<i32>} : memref<200x64xf32, #tpu.memory_space<vmem>>, vector<1x16xf32>,
        %get3A_364 = vector.shape_cast %get3A_363 : vector<1x16xf32> to vector<16xf32>
        %add3A_365 = arith.addf %get3A_360, %get3A_364 : vector<16xf32>
        %swap3A_366 = arith.index_cast %add3A_356 : i32 to index
        %swap3A_367 = arith.constant 0 : index
        %swap3A_368 = tpu.vector_load %arg10[%swap3A_366, %swap3A_367] {strides = array<i32>} : memref<200x64xf32, #tpu.memory_space<vmem>>, vector<1x16xf32>,
        %swap3A_369 = vector.shape_cast %swap3A_368 : vector<1x16xf32> to vector<16xf32>
        %swap3A_370 = vector.shape_cast %add3A_365 : vector<16xf32> to vector<1x16xf32>
        tpu.vector_store %arg10[%swap3A_366, %swap3A_367], %swap3A_370 {strides = array<i32>} : memref<200x64xf32, #tpu.memory_space<vmem>>, vector<1x16xf32>,
        %get3A_371 = arith.index_cast %add3A_356 : i32 to index
        %get3A_372 = arith.constant 16 : index
        %get3A_373 = tpu.vector_load %arg9[%get3A_371, %get3A_372] {strides = array<i32>} : memref<200x128xf32, #tpu.memory_space<vmem>>, vector<1x16xf32>,
        %get3A_374 = vector.shape_cast %get3A_373 : vector<1x16xf32> to vector<16xf32>
        %get3A_375 = arith.index_cast %add3A_356 : i32 to index
        %get3A_376 = arith.constant 16 : index
        %get3A_377 = tpu.vector_load %arg7[%get3A_375, %get3A_376] {strides = array<i32>} : memref<200x64xf32, #tpu.memory_space<vmem>>, vector<1x16xf32>,
        %get3A_378 = vector.shape_cast %get3A_377 : vector<1x16xf32> to vector<16xf32>
        %add3A_379 = arith.addf %get3A_374, %get3A_378 : vector<16xf32>
        %swap3A_380 = arith.index_cast %add3A_356 : i32 to index
        %swap3A_381 = arith.constant 16 : index
        %swap3A_382 = tpu.vector_load %arg10[%swap3A_380, %swap3A_381] {strides = array<i32>} : memref<200x64xf32, #tpu.memory_space<vmem>>, vector<1x16xf32>,
        %swap3A_383 = vector.shape_cast %swap3A_382 : vector<1x16xf32> to vector<16xf32>
        %swap3A_384 = vector.shape_cast %add3A_379 : vector<16xf32> to vector<1x16xf32>
        tpu.vector_store %arg10[%swap3A_380, %swap3A_381], %swap3A_384 {strides = array<i32>} : memref<200x64xf32, #tpu.memory_space<vmem>>, vector<1x16xf32>,
        %get3A_385 = arith.index_cast %add3A_356 : i32 to index
        %get3A_386 = arith.constant 32 : index
        %get3A_387 = tpu.vector_load %arg9[%get3A_385, %get3A_386] {strides = array<i32>} : memref<200x128xf32, #tpu.memory_space<vmem>>, vector<1x16xf32>,
        %get3A_388 = vector.shape_cast %get3A_387 : vector<1x16xf32> to vector<16xf32>
        %get3A_389 = arith.index_cast %add3A_356 : i32 to index
        %get3A_390 = arith.constant 32 : index
        %get3A_391 = tpu.vector_load %arg7[%get3A_389, %get3A_390] {strides = array<i32>} : memref<200x64xf32, #tpu.memory_space<vmem>>, vector<1x16xf32>,
        %get3A_392 = vector.shape_cast %get3A_391 : vector<1x16xf32> to vector<16xf32>
        %add3A_393 = arith.addf %get3A_388, %get3A_392 : vector<16xf32>
        %swap3A_394 = arith.index_cast %add3A_356 : i32 to index
        %swap3A_395 = arith.constant 32 : index
        %swap3A_396 = tpu.vector_load %arg10[%swap3A_394, %swap3A_395] {strides = array<i32>} : memref<200x64xf32, #tpu.memory_space<vmem>>, vector<1x16xf32>,
        %swap3A_397 = vector.shape_cast %swap3A_396 : vector<1x16xf32> to vector<16xf32>
        %swap3A_398 = vector.shape_cast %add3A_393 : vector<16xf32> to vector<1x16xf32>
        tpu.vector_store %arg10[%swap3A_394, %swap3A_395], %swap3A_398 {strides = array<i32>} : memref<200x64xf32, #tpu.memory_space<vmem>>, vector<1x16xf32>,
        %get3A_399 = arith.index_cast %add3A_356 : i32 to index
        %get3A_400 = arith.constant 48 : index
        %get3A_401 = tpu.vector_load %arg9[%get3A_399, %get3A_400] {strides = array<i32>} : memref<200x128xf32, #tpu.memory_space<vmem>>, vector<1x16xf32>,
        %get3A_402 = vector.shape_cast %get3A_401 : vector<1x16xf32> to vector<16xf32>
        %get3A_403 = arith.index_cast %add3A_356 : i32 to index
        %get3A_404 = arith.constant 48 : index
        %get3A_405 = tpu.vector_load %arg7[%get3A_403, %get3A_404] {strides = array<i32>} : memref<200x64xf32, #tpu.memory_space<vmem>>, vector<1x16xf32>,
        %get3A_406 = vector.shape_cast %get3A_405 : vector<1x16xf32> to vector<16xf32>
        %add3A_407 = arith.addf %get3A_402, %get3A_406 : vector<16xf32>
        %swap3A_408 = arith.index_cast %add3A_356 : i32 to index
        %swap3A_409 = arith.constant 48 : index
        %swap3A_410 = tpu.vector_load %arg10[%swap3A_408, %swap3A_409] {strides = array<i32>} : memref<200x64xf32, #tpu.memory_space<vmem>>, vector<1x16xf32>,
        %swap3A_411 = vector.shape_cast %swap3A_410 : vector<1x16xf32> to vector<16xf32>
        %swap3A_412 = vector.shape_cast %add3A_407 : vector<16xf32> to vector<1x16xf32>
        tpu.vector_store %arg10[%swap3A_408, %swap3A_409], %swap3A_412 {strides = array<i32>} : memref<200x64xf32, #tpu.memory_space<vmem>>, vector<1x16xf32>,
        %mul3A_413 = arith.constant 8 : i32
        %mul3A_414 = arith.muli %scan3A_114, %mul3A_413 : i32
        %add3A_415 = arith.constant 5 : i32
        %add3A_416 = arith.addi %mul3A_414, %add3A_415 : i32
        %get3A_417 = arith.index_cast %add3A_416 : i32 to index
        %get3A_418 = arith.constant 0 : index
        %get3A_419 = tpu.vector_load %arg9[%get3A_417, %get3A_418] {strides = array<i32>} : memref<200x128xf32, #tpu.memory_space<vmem>>, vector<1x16xf32>,
        %get3A_420 = vector.shape_cast %get3A_419 : vector<1x16xf32> to vector<16xf32>
        %get3A_421 = arith.index_cast %add3A_416 : i32 to index
        %get3A_422 = arith.constant 0 : index
        %get3A_423 = tpu.vector_load %arg7[%get3A_421, %get3A_422] {strides = array<i32>} : memref<200x64xf32, #tpu.memory_space<vmem>>, vector<1x16xf32>,
        %get3A_424 = vector.shape_cast %get3A_423 : vector<1x16xf32> to vector<16xf32>
        %add3A_425 = arith.addf %get3A_420, %get3A_424 : vector<16xf32>
        %swap3A_426 = arith.index_cast %add3A_416 : i32 to index
        %swap3A_427 = arith.constant 0 : index
        %swap3A_428 = tpu.vector_load %arg10[%swap3A_426, %swap3A_427] {strides = array<i32>} : memref<200x64xf32, #tpu.memory_space<vmem>>, vector<1x16xf32>,
        %swap3A_429 = vector.shape_cast %swap3A_428 : vector<1x16xf32> to vector<16xf32>
        %swap3A_430 = vector.shape_cast %add3A_425 : vector<16xf32> to vector<1x16xf32>
        tpu.vector_store %arg10[%swap3A_426, %swap3A_427], %swap3A_430 {strides = array<i32>} : memref<200x64xf32, #tpu.memory_space<vmem>>, vector<1x16xf32>,
        %get3A_431 = arith.index_cast %add3A_416 : i32 to index
        %get3A_432 = arith.constant 16 : index
        %get3A_433 = tpu.vector_load %arg9[%get3A_431, %get3A_432] {strides = array<i32>} : memref<200x128xf32, #tpu.memory_space<vmem>>, vector<1x16xf32>,
        %get3A_434 = vector.shape_cast %get3A_433 : vector<1x16xf32> to vector<16xf32>
        %get3A_435 = arith.index_cast %add3A_416 : i32 to index
        %get3A_436 = arith.constant 16 : index
        %get3A_437 = tpu.vector_load %arg7[%get3A_435, %get3A_436] {strides = array<i32>} : memref<200x64xf32, #tpu.memory_space<vmem>>, vector<1x16xf32>,
        %get3A_438 = vector.shape_cast %get3A_437 : vector<1x16xf32> to vector<16xf32>
        %add3A_439 = arith.addf %get3A_434, %get3A_438 : vector<16xf32>
        %swap3A_440 = arith.index_cast %add3A_416 : i32 to index
        %swap3A_441 = arith.constant 16 : index
        %swap3A_442 = tpu.vector_load %arg10[%swap3A_440, %swap3A_441] {strides = array<i32>} : memref<200x64xf32, #tpu.memory_space<vmem>>, vector<1x16xf32>,
        %swap3A_443 = vector.shape_cast %swap3A_442 : vector<1x16xf32> to vector<16xf32>
        %swap3A_444 = vector.shape_cast %add3A_439 : vector<16xf32> to vector<1x16xf32>
        tpu.vector_store %arg10[%swap3A_440, %swap3A_441], %swap3A_444 {strides = array<i32>} : memref<200x64xf32, #tpu.memory_space<vmem>>, vector<1x16xf32>,
        %get3A_445 = arith.index_cast %add3A_416 : i32 to index
        %get3A_446 = arith.constant 32 : index
        %get3A_447 = tpu.vector_load %arg9[%get3A_445, %get3A_446] {strides = array<i32>} : memref<200x128xf32, #tpu.memory_space<vmem>>, vector<1x16xf32>,
        %get3A_448 = vector.shape_cast %get3A_447 : vector<1x16xf32> to vector<16xf32>
        %get3A_449 = arith.index_cast %add3A_416 : i32 to index
        %get3A_450 = arith.constant 32 : index
        %get3A_451 = tpu.vector_load %arg7[%get3A_449, %get3A_450] {strides = array<i32>} : memref<200x64xf32, #tpu.memory_space<vmem>>, vector<1x16xf32>,
        %get3A_452 = vector.shape_cast %get3A_451 : vector<1x16xf32> to vector<16xf32>
        %add3A_453 = arith.addf %get3A_448, %get3A_452 : vector<16xf32>
        %swap3A_454 = arith.index_cast %add3A_416 : i32 to index
        %swap3A_455 = arith.constant 32 : index
        %swap3A_456 = tpu.vector_load %arg10[%swap3A_454, %swap3A_455] {strides = array<i32>} : memref<200x64xf32, #tpu.memory_space<vmem>>, vector<1x16xf32>,
        %swap3A_457 = vector.shape_cast %swap3A_456 : vector<1x16xf32> to vector<16xf32>
        %swap3A_458 = vector.shape_cast %add3A_453 : vector<16xf32> to vector<1x16xf32>
        tpu.vector_store %arg10[%swap3A_454, %swap3A_455], %swap3A_458 {strides = array<i32>} : memref<200x64xf32, #tpu.memory_space<vmem>>, vector<1x16xf32>,
        %get3A_459 = arith.index_cast %add3A_416 : i32 to index
        %get3A_460 = arith.constant 48 : index
        %get3A_461 = tpu.vector_load %arg9[%get3A_459, %get3A_460] {strides = array<i32>} : memref<200x128xf32, #tpu.memory_space<vmem>>, vector<1x16xf32>,
        %get3A_462 = vector.shape_cast %get3A_461 : vector<1x16xf32> to vector<16xf32>
        %get3A_463 = arith.index_cast %add3A_416 : i32 to index
        %get3A_464 = arith.constant 48 : index
        %get3A_465 = tpu.vector_load %arg7[%get3A_463, %get3A_464] {strides = array<i32>} : memref<200x64xf32, #tpu.memory_space<vmem>>, vector<1x16xf32>,
        %get3A_466 = vector.shape_cast %get3A_465 : vector<1x16xf32> to vector<16xf32>
        %add3A_467 = arith.addf %get3A_462, %get3A_466 : vector<16xf32>
        %swap3A_468 = arith.index_cast %add3A_416 : i32 to index
        %swap3A_469 = arith.constant 48 : index
        %swap3A_470 = tpu.vector_load %arg10[%swap3A_468, %swap3A_469] {strides = array<i32>} : memref<200x64xf32, #tpu.memory_space<vmem>>, vector<1x16xf32>,
        %swap3A_471 = vector.shape_cast %swap3A_470 : vector<1x16xf32> to vector<16xf32>
        %swap3A_472 = vector.shape_cast %add3A_467 : vector<16xf32> to vector<1x16xf32>
        tpu.vector_store %arg10[%swap3A_468, %swap3A_469], %swap3A_472 {strides = array<i32>} : memref<200x64xf32, #tpu.memory_space<vmem>>, vector<1x16xf32>,
        %mul3A_473 = arith.constant 8 : i32
        %mul3A_474 = arith.muli %scan3A_114, %mul3A_473 : i32
        %add3A_475 = arith.constant 6 : i32
        %add3A_476 = arith.addi %mul3A_474, %add3A_475 : i32
        %get3A_477 = arith.index_cast %add3A_476 : i32 to index
        %get3A_478 = arith.constant 0 : index
        %get3A_479 = tpu.vector_load %arg9[%get3A_477, %get3A_478] {strides = array<i32>} : memref<200x128xf32, #tpu.memory_space<vmem>>, vector<1x16xf32>,
        %get3A_480 = vector.shape_cast %get3A_479 : vector<1x16xf32> to vector<16xf32>
        %get3A_481 = arith.index_cast %add3A_476 : i32 to index
        %get3A_482 = arith.constant 0 : index
        %get3A_483 = tpu.vector_load %arg7[%get3A_481, %get3A_482] {strides = array<i32>} : memref<200x64xf32, #tpu.memory_space<vmem>>, vector<1x16xf32>,
        %get3A_484 = vector.shape_cast %get3A_483 : vector<1x16xf32> to vector<16xf32>
        %add3A_485 = arith.addf %get3A_480, %get3A_484 : vector<16xf32>
        %swap3A_486 = arith.index_cast %add3A_476 : i32 to index
        %swap3A_487 = arith.constant 0 : index
        %swap3A_488 = tpu.vector_load %arg10[%swap3A_486, %swap3A_487] {strides = array<i32>} : memref<200x64xf32, #tpu.memory_space<vmem>>, vector<1x16xf32>,
        %swap3A_489 = vector.shape_cast %swap3A_488 : vector<1x16xf32> to vector<16xf32>
        %swap3A_490 = vector.shape_cast %add3A_485 : vector<16xf32> to vector<1x16xf32>
        tpu.vector_store %arg10[%swap3A_486, %swap3A_487], %swap3A_490 {strides = array<i32>} : memref<200x64xf32, #tpu.memory_space<vmem>>, vector<1x16xf32>,
        %get3A_491 = arith.index_cast %add3A_476 : i32 to index
        %get3A_492 = arith.constant 16 : index
        %get3A_493 = tpu.vector_load %arg9[%get3A_491, %get3A_492] {strides = array<i32>} : memref<200x128xf32, #tpu.memory_space<vmem>>, vector<1x16xf32>,
        %get3A_494 = vector.shape_cast %get3A_493 : vector<1x16xf32> to vector<16xf32>
        %get3A_495 = arith.index_cast %add3A_476 : i32 to index
        %get3A_496 = arith.constant 16 : index
        %get3A_497 = tpu.vector_load %arg7[%get3A_495, %get3A_496] {strides = array<i32>} : memref<200x64xf32, #tpu.memory_space<vmem>>, vector<1x16xf32>,
        %get3A_498 = vector.shape_cast %get3A_497 : vector<1x16xf32> to vector<16xf32>
        %add3A_499 = arith.addf %get3A_494, %get3A_498 : vector<16xf32>
        %swap3A_500 = arith.index_cast %add3A_476 : i32 to index
        %swap3A_501 = arith.constant 16 : index
        %swap3A_502 = tpu.vector_load %arg10[%swap3A_500, %swap3A_501] {strides = array<i32>} : memref<200x64xf32, #tpu.memory_space<vmem>>, vector<1x16xf32>,
        %swap3A_503 = vector.shape_cast %swap3A_502 : vector<1x16xf32> to vector<16xf32>
        %swap3A_504 = vector.shape_cast %add3A_499 : vector<16xf32> to vector<1x16xf32>
        tpu.vector_store %arg10[%swap3A_500, %swap3A_501], %swap3A_504 {strides = array<i32>} : memref<200x64xf32, #tpu.memory_space<vmem>>, vector<1x16xf32>,
        %get3A_505 = arith.index_cast %add3A_476 : i32 to index
        %get3A_506 = arith.constant 32 : index
        %get3A_507 = tpu.vector_load %arg9[%get3A_505, %get3A_506] {strides = array<i32>} : memref<200x128xf32, #tpu.memory_space<vmem>>, vector<1x16xf32>,
        %get3A_508 = vector.shape_cast %get3A_507 : vector<1x16xf32> to vector<16xf32>
        %get3A_509 = arith.index_cast %add3A_476 : i32 to index
        %get3A_510 = arith.constant 32 : index
        %get3A_511 = tpu.vector_load %arg7[%get3A_509, %get3A_510] {strides = array<i32>} : memref<200x64xf32, #tpu.memory_space<vmem>>, vector<1x16xf32>,
        %get3A_512 = vector.shape_cast %get3A_511 : vector<1x16xf32> to vector<16xf32>
        %add3A_513 = arith.addf %get3A_508, %get3A_512 : vector<16xf32>
        %swap3A_514 = arith.index_cast %add3A_476 : i32 to index
        %swap3A_515 = arith.constant 32 : index
        %swap3A_516 = tpu.vector_load %arg10[%swap3A_514, %swap3A_515] {strides = array<i32>} : memref<200x64xf32, #tpu.memory_space<vmem>>, vector<1x16xf32>,
        %swap3A_517 = vector.shape_cast %swap3A_516 : vector<1x16xf32> to vector<16xf32>
        %swap3A_518 = vector.shape_cast %add3A_513 : vector<16xf32> to vector<1x16xf32>
        tpu.vector_store %arg10[%swap3A_514, %swap3A_515], %swap3A_518 {strides = array<i32>} : memref<200x64xf32, #tpu.memory_space<vmem>>, vector<1x16xf32>,
        %get3A_519 = arith.index_cast %add3A_476 : i32 to index
        %get3A_520 = arith.constant 48 : index
        %get3A_521 = tpu.vector_load %arg9[%get3A_519, %get3A_520] {strides = array<i32>} : memref<200x128xf32, #tpu.memory_space<vmem>>, vector<1x16xf32>,
        %get3A_522 = vector.shape_cast %get3A_521 : vector<1x16xf32> to vector<16xf32>
        %get3A_523 = arith.index_cast %add3A_476 : i32 to index
        %get3A_524 = arith.constant 48 : index
        %get3A_525 = tpu.vector_load %arg7[%get3A_523, %get3A_524] {strides = array<i32>} : memref<200x64xf32, #tpu.memory_space<vmem>>, vector<1x16xf32>,
        %get3A_526 = vector.shape_cast %get3A_525 : vector<1x16xf32> to vector<16xf32>
        %add3A_527 = arith.addf %get3A_522, %get3A_526 : vector<16xf32>
        %swap3A_528 = arith.index_cast %add3A_476 : i32 to index
        %swap3A_529 = arith.constant 48 : index
        %swap3A_530 = tpu.vector_load %arg10[%swap3A_528, %swap3A_529] {strides = array<i32>} : memref<200x64xf32, #tpu.memory_space<vmem>>, vector<1x16xf32>,
        %swap3A_531 = vector.shape_cast %swap3A_530 : vector<1x16xf32> to vector<16xf32>
        %swap3A_532 = vector.shape_cast %add3A_527 : vector<16xf32> to vector<1x16xf32>
        tpu.vector_store %arg10[%swap3A_528, %swap3A_529], %swap3A_532 {strides = array<i32>} : memref<200x64xf32, #tpu.memory_space<vmem>>, vector<1x16xf32>,
        %mul3A_533 = arith.constant 8 : i32
        %mul3A_534 = arith.muli %scan3A_114, %mul3A_533 : i32
        %add3A_535 = arith.constant 7 : i32
        %add3A_536 = arith.addi %mul3A_534, %add3A_535 : i32
        %get3A_537 = arith.index_cast %add3A_536 : i32 to index
        %get3A_538 = arith.constant 0 : index
        %get3A_539 = tpu.vector_load %arg9[%get3A_537, %get3A_538] {strides = array<i32>} : memref<200x128xf32, #tpu.memory_space<vmem>>, vector<1x16xf32>,
        %get3A_540 = vector.shape_cast %get3A_539 : vector<1x16xf32> to vector<16xf32>
        %get3A_541 = arith.index_cast %add3A_536 : i32 to index
        %get3A_542 = arith.constant 0 : index
        %get3A_543 = tpu.vector_load %arg7[%get3A_541, %get3A_542] {strides = array<i32>} : memref<200x64xf32, #tpu.memory_space<vmem>>, vector<1x16xf32>,
        %get3A_544 = vector.shape_cast %get3A_543 : vector<1x16xf32> to vector<16xf32>
        %add3A_545 = arith.addf %get3A_540, %get3A_544 : vector<16xf32>
        %swap3A_546 = arith.index_cast %add3A_536 : i32 to index
        %swap3A_547 = arith.constant 0 : index
        %swap3A_548 = tpu.vector_load %arg10[%swap3A_546, %swap3A_547] {strides = array<i32>} : memref<200x64xf32, #tpu.memory_space<vmem>>, vector<1x16xf32>,
        %swap3A_549 = vector.shape_cast %swap3A_548 : vector<1x16xf32> to vector<16xf32>
        %swap3A_550 = vector.shape_cast %add3A_545 : vector<16xf32> to vector<1x16xf32>
        tpu.vector_store %arg10[%swap3A_546, %swap3A_547], %swap3A_550 {strides = array<i32>} : memref<200x64xf32, #tpu.memory_space<vmem>>, vector<1x16xf32>,
        %get3A_551 = arith.index_cast %add3A_536 : i32 to index
        %get3A_552 = arith.constant 16 : index
        %get3A_553 = tpu.vector_load %arg9[%get3A_551, %get3A_552] {strides = array<i32>} : memref<200x128xf32, #tpu.memory_space<vmem>>, vector<1x16xf32>,
        %get3A_554 = vector.shape_cast %get3A_553 : vector<1x16xf32> to vector<16xf32>
        %get3A_555 = arith.index_cast %add3A_536 : i32 to index
        %get3A_556 = arith.constant 16 : index
        %get3A_557 = tpu.vector_load %arg7[%get3A_555, %get3A_556] {strides = array<i32>} : memref<200x64xf32, #tpu.memory_space<vmem>>, vector<1x16xf32>,
        %get3A_558 = vector.shape_cast %get3A_557 : vector<1x16xf32> to vector<16xf32>
        %add3A_559 = arith.addf %get3A_554, %get3A_558 : vector<16xf32>
        %swap3A_560 = arith.index_cast %add3A_536 : i32 to index
        %swap3A_561 = arith.constant 16 : index
        %swap3A_562 = tpu.vector_load %arg10[%swap3A_560, %swap3A_561] {strides = array<i32>} : memref<200x64xf32, #tpu.memory_space<vmem>>, vector<1x16xf32>,
        %swap3A_563 = vector.shape_cast %swap3A_562 : vector<1x16xf32> to vector<16xf32>
        %swap3A_564 = vector.shape_cast %add3A_559 : vector<16xf32> to vector<1x16xf32>
        tpu.vector_store %arg10[%swap3A_560, %swap3A_561], %swap3A_564 {strides = array<i32>} : memref<200x64xf32, #tpu.memory_space<vmem>>, vector<1x16xf32>,
        %get3A_565 = arith.index_cast %add3A_536 : i32 to index
        %get3A_566 = arith.constant 32 : index
        %get3A_567 = tpu.vector_load %arg9[%get3A_565, %get3A_566] {strides = array<i32>} : memref<200x128xf32, #tpu.memory_space<vmem>>, vector<1x16xf32>,
        %get3A_568 = vector.shape_cast %get3A_567 : vector<1x16xf32> to vector<16xf32>
        %get3A_569 = arith.index_cast %add3A_536 : i32 to index
        %get3A_570 = arith.constant 32 : index
        %get3A_571 = tpu.vector_load %arg7[%get3A_569, %get3A_570] {strides = array<i32>} : memref<200x64xf32, #tpu.memory_space<vmem>>, vector<1x16xf32>,
        %get3A_572 = vector.shape_cast %get3A_571 : vector<1x16xf32> to vector<16xf32>
        %add3A_573 = arith.addf %get3A_568, %get3A_572 : vector<16xf32>
        %swap3A_574 = arith.index_cast %add3A_536 : i32 to index
        %swap3A_575 = arith.constant 32 : index
        %swap3A_576 = tpu.vector_load %arg10[%swap3A_574, %swap3A_575] {strides = array<i32>} : memref<200x64xf32, #tpu.memory_space<vmem>>, vector<1x16xf32>,
        %swap3A_577 = vector.shape_cast %swap3A_576 : vector<1x16xf32> to vector<16xf32>
        %swap3A_578 = vector.shape_cast %add3A_573 : vector<16xf32> to vector<1x16xf32>
        tpu.vector_store %arg10[%swap3A_574, %swap3A_575], %swap3A_578 {strides = array<i32>} : memref<200x64xf32, #tpu.memory_space<vmem>>, vector<1x16xf32>,
        %get3A_579 = arith.index_cast %add3A_536 : i32 to index
        %get3A_580 = arith.constant 48 : index
        %get3A_581 = tpu.vector_load %arg9[%get3A_579, %get3A_580] {strides = array<i32>} : memref<200x128xf32, #tpu.memory_space<vmem>>, vector<1x16xf32>,
        %get3A_582 = vector.shape_cast %get3A_581 : vector<1x16xf32> to vector<16xf32>
        %get3A_583 = arith.index_cast %add3A_536 : i32 to index
        %get3A_584 = arith.constant 48 : index
        %get3A_585 = tpu.vector_load %arg7[%get3A_583, %get3A_584] {strides = array<i32>} : memref<200x64xf32, #tpu.memory_space<vmem>>, vector<1x16xf32>,
        %get3A_586 = vector.shape_cast %get3A_585 : vector<1x16xf32> to vector<16xf32>
        %add3A_587 = arith.addf %get3A_582, %get3A_586 : vector<16xf32>
        %swap3A_588 = arith.index_cast %add3A_536 : i32 to index
        %swap3A_589 = arith.constant 48 : index
        %swap3A_590 = tpu.vector_load %arg10[%swap3A_588, %swap3A_589] {strides = array<i32>} : memref<200x64xf32, #tpu.memory_space<vmem>>, vector<1x16xf32>,
        %swap3A_591 = vector.shape_cast %swap3A_590 : vector<1x16xf32> to vector<16xf32>
        %swap3A_592 = vector.shape_cast %add3A_587 : vector<16xf32> to vector<1x16xf32>
        tpu.vector_store %arg10[%swap3A_588, %swap3A_589], %swap3A_592 {strides = array<i32>} : memref<200x64xf32, #tpu.memory_space<vmem>>, vector<1x16xf32>,
      }
      %scan3A_105 = arith.constant 25 : i32
      %mul3A_106 = arith.constant 200 : i32
      %mul3A_107 = arith.muli %add3A_81, %mul3A_106 : i32
      %multiple_of3A_108 = tpu.assume_multiple %mul3A_107, 8 : i32
      %add3A_109 = arith.addi %multiple_of3A, %multiple_of3A_108 : i32
      %dma_start3A_110 = arith.constant 0 : i32
      %dma_start3A_111 = tpu.memref_slice %arg5[%add3A_109, %dma_start3A_110] : memref<819200x64xf32, #tpu.memory_space<hbm>> -> memref<200x64xf32, #tpu.memory_space<hbm>>
      %dma_start3A_112 = arith.constant 0 : i32
      %dma_start3A_113 = tpu.memref_slice %arg5[%add3A_109, %dma_start3A_112] : memref<819200x64xf32, #tpu.memory_space<hbm>> -> memref<200x64xf32, #tpu.memory_space<hbm>>
      tpu.enqueue_dma source(%arg10 : memref<200x64xf32, #tpu.memory_space<vmem>>) target(%dma_start3A_113 : memref<200x64xf32, #tpu.memory_space<hbm>>) target_semaphore(%arg14 : memref<!tpu.dma_semaphore, #tpu.memory_space<semaphore_mem>>)
    }
    %scan3A_24 = arith.constant 64 : i32
    %dma_wait3A = arith.constant 0 : i32
    %dma_wait3A_25 = arith.constant 0 : i32
    %dma_wait3A_26 = tpu.memref_slice %arg5[%dma_wait3A, %dma_wait3A_25] : memref<819200x64xf32, #tpu.memory_space<hbm>> -> memref<200x64xf32, #tpu.memory_space<hbm>>
    %dma_wait3A_27 = arith.constant 0 : i32
    %dma_wait3A_28 = arith.constant 0 : i32
    %dma_wait3A_29 = tpu.memref_slice %arg5[%dma_wait3A_27, %dma_wait3A_28] : memref<819200x64xf32, #tpu.memory_space<hbm>> -> memref<200x64xf32, #tpu.memory_space<hbm>>
    tpu.wait_dma2 semaphore(%arg14 : memref<!tpu.dma_semaphore, #tpu.memory_space<semaphore_mem>>) src(%arg10 : memref<200x64xf32, #tpu.memory_space<vmem>>) dst(%dma_wait3A_29 : memref<200x64xf32, #tpu.memory_space<hbm>>)
    return
  }
}

#map = affine_map<(d0, d1) -> (0, 0)>
module attributes {stable_mosaic.version = 14 : i64} {
  func.func @_prep_kernel(%arg0: i32, %arg1: i32, %arg2: memref<50000x128xf32, #tpu.memory_space<hbm>>, %arg3: memref<2x64xf32, #tpu.memory_space<hbm>>, %arg4: memref<200000x128xf32, #tpu.memory_space<hbm>>, %arg5: memref<2x64xf32, #tpu.memory_space<vmem>>, %arg6: memref<80x128xf32, #tpu.memory_space<vmem>>, %arg7: memref<80x128xf32, #tpu.memory_space<vmem>>, %arg8: memref<160x128xf32, #tpu.memory_space<vmem>>, %arg9: memref<160x128xf32, #tpu.memory_space<vmem>>, %arg10: memref<160x128xf32, #tpu.memory_space<vmem>>, %arg11: memref<160x128xf32, #tpu.memory_space<vmem>>, %arg12: memref<!tpu.dma_semaphore, #tpu.memory_space<semaphore_mem>>, %arg13: memref<!tpu.dma_semaphore, #tpu.memory_space<semaphore_mem>>, %arg14: memref<!tpu.dma_semaphore, #tpu.memory_space<semaphore_mem>>, %arg15: memref<!tpu.dma_semaphore, #tpu.memory_space<semaphore_mem>>) attributes {dimension_semantics = [#tpu.dimension_semantics<core_parallel>, #tpu.dimension_semantics<subcore_parallel>], iteration_bounds = array<i64: 2, 16>, scalar_prefetch = 0 : i64, scratch_operands = 11 : i64, tpu.core_type = #tpu.core_type<sc_vector_subcore>, window_params = [{transform_indices = #map}, {transform_indices = #map}, {transform_indices = #map}]} {
    %mul3A = arith.constant 2 : i32
    %mul3A_0 = arith.muli %arg1, %mul3A : i32
    %add3A = arith.addi %mul3A_0, %arg0 : i32
    "tpu.region"() ({
      %run_scoped3A = tpu.sem_alloc : memref<!tpu.dma_semaphore, #tpu.memory_space<semaphore_mem>>
      tpu.enqueue_dma source(%arg3 : memref<2x64xf32, #tpu.memory_space<hbm>>) target(%arg5 : memref<2x64xf32, #tpu.memory_space<vmem>>) target_semaphore(%run_scoped3A : memref<!tpu.dma_semaphore, #tpu.memory_space<semaphore_mem>>)
      tpu.wait_dma2 semaphore(%run_scoped3A : memref<!tpu.dma_semaphore, #tpu.memory_space<semaphore_mem>>) src(%arg3 : memref<2x64xf32, #tpu.memory_space<hbm>>) dst(%arg5 : memref<2x64xf32, #tpu.memory_space<vmem>>)
      tpu.yield
    }) : () -> ()
    %lt3A = arith.constant 625 : i32
    %lt3A_1 = arith.cmpi slt, %add3A, %lt3A : i32
    %convert_element_type3A = arith.extui %lt3A_1 : i1 to i32
    %cond3A = arith.constant 0 : i32
    %cond3A_2 = arith.cmpi ne, %convert_element_type3A, %cond3A : i32
    scf.if %cond3A_2 {
      %mul3A_22 = arith.constant 80 : i32
      %mul3A_23 = arith.muli %add3A, %mul3A_22 : i32
      %multiple_of3A = tpu.assume_multiple %mul3A_23, 8 : i32
      %dma_start3A = arith.constant 0 : i32
      %dma_start3A_24 = tpu.memref_slice %arg2[%multiple_of3A, %dma_start3A] : memref<50000x128xf32, #tpu.memory_space<hbm>> -> memref<80x128xf32, #tpu.memory_space<hbm>>
      %dma_start3A_25 = arith.constant 0 : i32
      %dma_start3A_26 = tpu.memref_slice %arg2[%multiple_of3A, %dma_start3A_25] : memref<50000x128xf32, #tpu.memory_space<hbm>> -> memref<80x128xf32, #tpu.memory_space<hbm>>
      tpu.enqueue_dma source(%dma_start3A_26 : memref<80x128xf32, #tpu.memory_space<hbm>>) target(%arg6 : memref<80x128xf32, #tpu.memory_space<vmem>>) target_semaphore(%arg12 : memref<!tpu.dma_semaphore, #tpu.memory_space<semaphore_mem>>)
    } else {
    }
    %scan3A = arith.constant 0 : i32
    %scan3A_3 = arith.constant 0 : i32
    %scan3A_4 = arith.constant 10 : i32
    %scan3A_5 = arith.addi %scan3A_3, %scan3A_4 : i32
    %scan3A_6 = arith.constant 1 : i32
    scf.for %scan3A_22 = %scan3A_3 to %scan3A_5 step %scan3A_6  : i32 {
      %mul3A_23 = arith.constant 2 : i32
      %mul3A_24 = arith.muli %scan3A_22, %mul3A_23 : i32
      %add3A_25 = arith.constant 0 : i32
      %add3A_26 = arith.addi %mul3A_24, %add3A_25 : i32
      %mul3A_27 = arith.constant 32 : i32
      %mul3A_28 = arith.muli %add3A_26, %mul3A_27 : i32
      %add3A_29 = arith.addi %mul3A_28, %add3A : i32
      %add3A_30 = arith.constant 32 : i32
      %add3A_31 = arith.addi %add3A_29, %add3A_30 : i32
      %lt3A_32 = arith.constant 625 : i32
      %lt3A_33 = arith.cmpi slt, %add3A_31, %lt3A_32 : i32
      %convert_element_type3A_34 = arith.extui %lt3A_33 : i1 to i32
      %cond3A_35 = arith.constant 0 : i32
      %cond3A_36 = arith.cmpi ne, %convert_element_type3A_34, %cond3A_35 : i32
      scf.if %cond3A_36 {
        %mul3A_61 = arith.constant 80 : i32
        %mul3A_62 = arith.muli %add3A_31, %mul3A_61 : i32
        %multiple_of3A = tpu.assume_multiple %mul3A_62, 8 : i32
        %dma_start3A = arith.constant 0 : i32
        %dma_start3A_63 = tpu.memref_slice %arg2[%multiple_of3A, %dma_start3A] : memref<50000x128xf32, #tpu.memory_space<hbm>> -> memref<80x128xf32, #tpu.memory_space<hbm>>
        %dma_start3A_64 = arith.constant 0 : i32
        %dma_start3A_65 = tpu.memref_slice %arg2[%multiple_of3A, %dma_start3A_64] : memref<50000x128xf32, #tpu.memory_space<hbm>> -> memref<80x128xf32, #tpu.memory_space<hbm>>
        tpu.enqueue_dma source(%dma_start3A_65 : memref<80x128xf32, #tpu.memory_space<hbm>>) target(%arg7 : memref<80x128xf32, #tpu.memory_space<vmem>>) target_semaphore(%arg13 : memref<!tpu.dma_semaphore, #tpu.memory_space<semaphore_mem>>)
      } else {
      }
      %lt3A_37 = arith.constant 625 : i32
      %lt3A_38 = arith.cmpi slt, %add3A_29, %lt3A_37 : i32
      %convert_element_type3A_39 = arith.extui %lt3A_38 : i1 to i32
      %cond3A_40 = arith.constant 0 : i32
      %cond3A_41 = arith.cmpi ne, %convert_element_type3A_39, %cond3A_40 : i32
      scf.if %cond3A_41 {
        %dma_wait3A = arith.constant 0 : i32
        %dma_wait3A_61 = arith.constant 0 : i32
        %dma_wait3A_62 = tpu.memref_slice %arg2[%dma_wait3A, %dma_wait3A_61] : memref<50000x128xf32, #tpu.memory_space<hbm>> -> memref<80x128xf32, #tpu.memory_space<hbm>>
        %dma_wait3A_63 = arith.constant 0 : i32
        %dma_wait3A_64 = arith.constant 0 : i32
        %dma_wait3A_65 = tpu.memref_slice %arg2[%dma_wait3A_63, %dma_wait3A_64] : memref<50000x128xf32, #tpu.memory_space<hbm>> -> memref<80x128xf32, #tpu.memory_space<hbm>>
        tpu.wait_dma2 semaphore(%arg12 : memref<!tpu.dma_semaphore, #tpu.memory_space<semaphore_mem>>) src(%dma_wait3A_65 : memref<80x128xf32, #tpu.memory_space<hbm>>) dst(%arg6 : memref<80x128xf32, #tpu.memory_space<vmem>>)
        %ge3A = arith.constant 1 : i32
        %ge3A_66 = arith.cmpi sge, %scan3A_22, %ge3A : i32
        %convert_element_type3A_67 = arith.extui %ge3A_66 : i1 to i32
        %cond3A_68 = arith.constant 0 : i32
        %cond3A_69 = arith.cmpi ne, %convert_element_type3A_67, %cond3A_68 : i32
        scf.if %cond3A_69 {
          %dma_wait3A_90 = arith.constant 0 : i32
          %dma_wait3A_91 = arith.constant 0 : i32
          %dma_wait3A_92 = tpu.memref_slice %arg4[%dma_wait3A_90, %dma_wait3A_91] : memref<200000x128xf32, #tpu.memory_space<hbm>> -> memref<160x128xf32, #tpu.memory_space<hbm>>
          %dma_wait3A_93 = arith.constant 0 : i32
          %dma_wait3A_94 = arith.constant 0 : i32
          %dma_wait3A_95 = tpu.memref_slice %arg4[%dma_wait3A_93, %dma_wait3A_94] : memref<200000x128xf32, #tpu.memory_space<hbm>> -> memref<160x128xf32, #tpu.memory_space<hbm>>
          tpu.wait_dma2 semaphore(%arg14 : memref<!tpu.dma_semaphore, #tpu.memory_space<semaphore_mem>>) src(%arg8 : memref<160x128xf32, #tpu.memory_space<vmem>>) dst(%dma_wait3A_95 : memref<160x128xf32, #tpu.memory_space<hbm>>)
          %dma_wait3A_96 = arith.constant 0 : i32
          %dma_wait3A_97 = arith.constant 0 : i32
          %dma_wait3A_98 = tpu.memref_slice %arg4[%dma_wait3A_96, %dma_wait3A_97] : memref<200000x128xf32, #tpu.memory_space<hbm>> -> memref<160x128xf32, #tpu.memory_space<hbm>>
          %dma_wait3A_99 = arith.constant 0 : i32
          %dma_wait3A_100 = arith.constant 0 : i32
          %dma_wait3A_101 = tpu.memref_slice %arg4[%dma_wait3A_99, %dma_wait3A_100] : memref<200000x128xf32, #tpu.memory_space<hbm>> -> memref<160x128xf32, #tpu.memory_space<hbm>>
          tpu.wait_dma2 semaphore(%arg14 : memref<!tpu.dma_semaphore, #tpu.memory_space<semaphore_mem>>) src(%arg9 : memref<160x128xf32, #tpu.memory_space<vmem>>) dst(%dma_wait3A_101 : memref<160x128xf32, #tpu.memory_space<hbm>>)
        } else {
        }
        %scan3A_70 = arith.constant 0 : i32
        %scan3A_71 = arith.constant 0 : i32
        %scan3A_72 = arith.constant 80 : i32
        %scan3A_73 = arith.addi %scan3A_71, %scan3A_72 : i32
        %scan3A_74 = arith.constant 1 : i32
        scf.for %scan3A_90 = %scan3A_71 to %scan3A_73 step %scan3A_74  : i32 {
          %get3A = arith.index_cast %scan3A_90 : i32 to index
          %get3A_91 = arith.constant 0 : index
          %get3A_92 = tpu.vector_load %arg6[%get3A, %get3A_91] {strides = array<i32>} : memref<80x128xf32, #tpu.memory_space<vmem>>, vector<1x16xf32>,
          %get3A_93 = vector.shape_cast %get3A_92 : vector<1x16xf32> to vector<16xf32>
          %get3A_94 = arith.constant 0 : i32
          %get3A_95 = arith.index_cast %get3A_94 : i32 to index
          %get3A_96 = arith.constant 0 : index
          %get3A_97 = tpu.vector_load %arg5[%get3A_95, %get3A_96] {strides = array<i32>} : memref<2x64xf32, #tpu.memory_space<vmem>>, vector<1x16xf32>,
          %get3A_98 = vector.shape_cast %get3A_97 : vector<1x16xf32> to vector<16xf32>
          %add3A_99 = arith.addf %get3A_93, %get3A_98 : vector<16xf32>
          %mul3A_100 = arith.constant 8.000000e+00 : f32
          %mul3A_101 = vector.broadcast %mul3A_100 : f32 to vector<16xf32>
          %mul3A_102 = arith.mulf %add3A_99, %mul3A_101 : vector<16xf32>
          %mul3A_103 = arith.constant 2 : i32
          %mul3A_104 = arith.muli %scan3A_90, %mul3A_103 : i32
          %add3A_105 = arith.constant 0 : i32
          %add3A_106 = arith.addi %mul3A_104, %add3A_105 : i32
          %swap3A = arith.index_cast %add3A_106 : i32 to index
          %swap3A_107 = arith.constant 0 : index
          %swap3A_108 = tpu.vector_load %arg8[%swap3A, %swap3A_107] {strides = array<i32>} : memref<160x128xf32, #tpu.memory_space<vmem>>, vector<1x16xf32>,
          %swap3A_109 = vector.shape_cast %swap3A_108 : vector<1x16xf32> to vector<16xf32>
          %swap3A_110 = vector.shape_cast %mul3A_102 : vector<16xf32> to vector<1x16xf32>
          tpu.vector_store %arg8[%swap3A, %swap3A_107], %swap3A_110 {strides = array<i32>} : memref<160x128xf32, #tpu.memory_space<vmem>>, vector<1x16xf32>,
          %get3A_111 = arith.constant 1 : i32
          %get3A_112 = arith.index_cast %get3A_111 : i32 to index
          %get3A_113 = arith.constant 0 : index
          %get3A_114 = tpu.vector_load %arg5[%get3A_112, %get3A_113] {strides = array<i32>} : memref<2x64xf32, #tpu.memory_space<vmem>>, vector<1x16xf32>,
          %get3A_115 = vector.shape_cast %get3A_114 : vector<1x16xf32> to vector<16xf32>
          %add3A_116 = arith.addf %get3A_93, %get3A_115 : vector<16xf32>
          %mul3A_117 = arith.constant 8.000000e+00 : f32
          %mul3A_118 = vector.broadcast %mul3A_117 : f32 to vector<16xf32>
          %mul3A_119 = arith.mulf %add3A_116, %mul3A_118 : vector<16xf32>
          %mul3A_120 = arith.constant 2 : i32
          %mul3A_121 = arith.muli %scan3A_90, %mul3A_120 : i32
          %add3A_122 = arith.constant 0 : i32
          %add3A_123 = arith.addi %mul3A_121, %add3A_122 : i32
          %swap3A_124 = arith.index_cast %add3A_123 : i32 to index
          %swap3A_125 = arith.constant 0 : index
          %swap3A_126 = tpu.vector_load %arg9[%swap3A_124, %swap3A_125] {strides = array<i32>} : memref<160x128xf32, #tpu.memory_space<vmem>>, vector<1x16xf32>,
          %swap3A_127 = vector.shape_cast %swap3A_126 : vector<1x16xf32> to vector<16xf32>
          %swap3A_128 = vector.shape_cast %mul3A_119 : vector<16xf32> to vector<1x16xf32>
          tpu.vector_store %arg9[%swap3A_124, %swap3A_125], %swap3A_128 {strides = array<i32>} : memref<160x128xf32, #tpu.memory_space<vmem>>, vector<1x16xf32>,
          %get3A_129 = arith.index_cast %scan3A_90 : i32 to index
          %get3A_130 = arith.constant 16 : index
          %get3A_131 = tpu.vector_load %arg6[%get3A_129, %get3A_130] {strides = array<i32>} : memref<80x128xf32, #tpu.memory_space<vmem>>, vector<1x16xf32>,
          %get3A_132 = vector.shape_cast %get3A_131 : vector<1x16xf32> to vector<16xf32>
          %get3A_133 = arith.constant 0 : i32
          %get3A_134 = arith.index_cast %get3A_133 : i32 to index
          %get3A_135 = arith.constant 16 : index
          %get3A_136 = tpu.vector_load %arg5[%get3A_134, %get3A_135] {strides = array<i32>} : memref<2x64xf32, #tpu.memory_space<vmem>>, vector<1x16xf32>,
          %get3A_137 = vector.shape_cast %get3A_136 : vector<1x16xf32> to vector<16xf32>
          %add3A_138 = arith.addf %get3A_132, %get3A_137 : vector<16xf32>
          %mul3A_139 = arith.constant 8.000000e+00 : f32
          %mul3A_140 = vector.broadcast %mul3A_139 : f32 to vector<16xf32>
          %mul3A_141 = arith.mulf %add3A_138, %mul3A_140 : vector<16xf32>
          %mul3A_142 = arith.constant 2 : i32
          %mul3A_143 = arith.muli %scan3A_90, %mul3A_142 : i32
          %add3A_144 = arith.constant 0 : i32
          %add3A_145 = arith.addi %mul3A_143, %add3A_144 : i32
          %swap3A_146 = arith.index_cast %add3A_145 : i32 to index
          %swap3A_147 = arith.constant 16 : index
          %swap3A_148 = tpu.vector_load %arg8[%swap3A_146, %swap3A_147] {strides = array<i32>} : memref<160x128xf32, #tpu.memory_space<vmem>>, vector<1x16xf32>,
          %swap3A_149 = vector.shape_cast %swap3A_148 : vector<1x16xf32> to vector<16xf32>
          %swap3A_150 = vector.shape_cast %mul3A_141 : vector<16xf32> to vector<1x16xf32>
          tpu.vector_store %arg8[%swap3A_146, %swap3A_147], %swap3A_150 {strides = array<i32>} : memref<160x128xf32, #tpu.memory_space<vmem>>, vector<1x16xf32>,
          %get3A_151 = arith.constant 1 : i32
          %get3A_152 = arith.index_cast %get3A_151 : i32 to index
          %get3A_153 = arith.constant 16 : index
          %get3A_154 = tpu.vector_load %arg5[%get3A_152, %get3A_153] {strides = array<i32>} : memref<2x64xf32, #tpu.memory_space<vmem>>, vector<1x16xf32>,
          %get3A_155 = vector.shape_cast %get3A_154 : vector<1x16xf32> to vector<16xf32>
          %add3A_156 = arith.addf %get3A_132, %get3A_155 : vector<16xf32>
          %mul3A_157 = arith.constant 8.000000e+00 : f32
          %mul3A_158 = vector.broadcast %mul3A_157 : f32 to vector<16xf32>
          %mul3A_159 = arith.mulf %add3A_156, %mul3A_158 : vector<16xf32>
          %mul3A_160 = arith.constant 2 : i32
          %mul3A_161 = arith.muli %scan3A_90, %mul3A_160 : i32
          %add3A_162 = arith.constant 0 : i32
          %add3A_163 = arith.addi %mul3A_161, %add3A_162 : i32
          %swap3A_164 = arith.index_cast %add3A_163 : i32 to index
          %swap3A_165 = arith.constant 16 : index
          %swap3A_166 = tpu.vector_load %arg9[%swap3A_164, %swap3A_165] {strides = array<i32>} : memref<160x128xf32, #tpu.memory_space<vmem>>, vector<1x16xf32>,
          %swap3A_167 = vector.shape_cast %swap3A_166 : vector<1x16xf32> to vector<16xf32>
          %swap3A_168 = vector.shape_cast %mul3A_159 : vector<16xf32> to vector<1x16xf32>
          tpu.vector_store %arg9[%swap3A_164, %swap3A_165], %swap3A_168 {strides = array<i32>} : memref<160x128xf32, #tpu.memory_space<vmem>>, vector<1x16xf32>,
          %get3A_169 = arith.index_cast %scan3A_90 : i32 to index
          %get3A_170 = arith.constant 32 : index
          %get3A_171 = tpu.vector_load %arg6[%get3A_169, %get3A_170] {strides = array<i32>} : memref<80x128xf32, #tpu.memory_space<vmem>>, vector<1x16xf32>,
          %get3A_172 = vector.shape_cast %get3A_171 : vector<1x16xf32> to vector<16xf32>
          %get3A_173 = arith.constant 0 : i32
          %get3A_174 = arith.index_cast %get3A_173 : i32 to index
          %get3A_175 = arith.constant 32 : index
          %get3A_176 = tpu.vector_load %arg5[%get3A_174, %get3A_175] {strides = array<i32>} : memref<2x64xf32, #tpu.memory_space<vmem>>, vector<1x16xf32>,
          %get3A_177 = vector.shape_cast %get3A_176 : vector<1x16xf32> to vector<16xf32>
          %add3A_178 = arith.addf %get3A_172, %get3A_177 : vector<16xf32>
          %mul3A_179 = arith.constant 8.000000e+00 : f32
          %mul3A_180 = vector.broadcast %mul3A_179 : f32 to vector<16xf32>
          %mul3A_181 = arith.mulf %add3A_178, %mul3A_180 : vector<16xf32>
          %mul3A_182 = arith.constant 2 : i32
          %mul3A_183 = arith.muli %scan3A_90, %mul3A_182 : i32
          %add3A_184 = arith.constant 0 : i32
          %add3A_185 = arith.addi %mul3A_183, %add3A_184 : i32
          %swap3A_186 = arith.index_cast %add3A_185 : i32 to index
          %swap3A_187 = arith.constant 32 : index
          %swap3A_188 = tpu.vector_load %arg8[%swap3A_186, %swap3A_187] {strides = array<i32>} : memref<160x128xf32, #tpu.memory_space<vmem>>, vector<1x16xf32>,
          %swap3A_189 = vector.shape_cast %swap3A_188 : vector<1x16xf32> to vector<16xf32>
          %swap3A_190 = vector.shape_cast %mul3A_181 : vector<16xf32> to vector<1x16xf32>
          tpu.vector_store %arg8[%swap3A_186, %swap3A_187], %swap3A_190 {strides = array<i32>} : memref<160x128xf32, #tpu.memory_space<vmem>>, vector<1x16xf32>,
          %get3A_191 = arith.constant 1 : i32
          %get3A_192 = arith.index_cast %get3A_191 : i32 to index
          %get3A_193 = arith.constant 32 : index
          %get3A_194 = tpu.vector_load %arg5[%get3A_192, %get3A_193] {strides = array<i32>} : memref<2x64xf32, #tpu.memory_space<vmem>>, vector<1x16xf32>,
          %get3A_195 = vector.shape_cast %get3A_194 : vector<1x16xf32> to vector<16xf32>
          %add3A_196 = arith.addf %get3A_172, %get3A_195 : vector<16xf32>
          %mul3A_197 = arith.constant 8.000000e+00 : f32
          %mul3A_198 = vector.broadcast %mul3A_197 : f32 to vector<16xf32>
          %mul3A_199 = arith.mulf %add3A_196, %mul3A_198 : vector<16xf32>
          %mul3A_200 = arith.constant 2 : i32
          %mul3A_201 = arith.muli %scan3A_90, %mul3A_200 : i32
          %add3A_202 = arith.constant 0 : i32
          %add3A_203 = arith.addi %mul3A_201, %add3A_202 : i32
          %swap3A_204 = arith.index_cast %add3A_203 : i32 to index
          %swap3A_205 = arith.constant 32 : index
          %swap3A_206 = tpu.vector_load %arg9[%swap3A_204, %swap3A_205] {strides = array<i32>} : memref<160x128xf32, #tpu.memory_space<vmem>>, vector<1x16xf32>,
          %swap3A_207 = vector.shape_cast %swap3A_206 : vector<1x16xf32> to vector<16xf32>
          %swap3A_208 = vector.shape_cast %mul3A_199 : vector<16xf32> to vector<1x16xf32>
          tpu.vector_store %arg9[%swap3A_204, %swap3A_205], %swap3A_208 {strides = array<i32>} : memref<160x128xf32, #tpu.memory_space<vmem>>, vector<1x16xf32>,
          %get3A_209 = arith.index_cast %scan3A_90 : i32 to index
          %get3A_210 = arith.constant 48 : index
          %get3A_211 = tpu.vector_load %arg6[%get3A_209, %get3A_210] {strides = array<i32>} : memref<80x128xf32, #tpu.memory_space<vmem>>, vector<1x16xf32>,
          %get3A_212 = vector.shape_cast %get3A_211 : vector<1x16xf32> to vector<16xf32>
          %get3A_213 = arith.constant 0 : i32
          %get3A_214 = arith.index_cast %get3A_213 : i32 to index
          %get3A_215 = arith.constant 48 : index
          %get3A_216 = tpu.vector_load %arg5[%get3A_214, %get3A_215] {strides = array<i32>} : memref<2x64xf32, #tpu.memory_space<vmem>>, vector<1x16xf32>,
          %get3A_217 = vector.shape_cast %get3A_216 : vector<1x16xf32> to vector<16xf32>
          %add3A_218 = arith.addf %get3A_212, %get3A_217 : vector<16xf32>
          %mul3A_219 = arith.constant 8.000000e+00 : f32
          %mul3A_220 = vector.broadcast %mul3A_219 : f32 to vector<16xf32>
          %mul3A_221 = arith.mulf %add3A_218, %mul3A_220 : vector<16xf32>
          %mul3A_222 = arith.constant 2 : i32
          %mul3A_223 = arith.muli %scan3A_90, %mul3A_222 : i32
          %add3A_224 = arith.constant 0 : i32
          %add3A_225 = arith.addi %mul3A_223, %add3A_224 : i32
          %swap3A_226 = arith.index_cast %add3A_225 : i32 to index
          %swap3A_227 = arith.constant 48 : index
          %swap3A_228 = tpu.vector_load %arg8[%swap3A_226, %swap3A_227] {strides = array<i32>} : memref<160x128xf32, #tpu.memory_space<vmem>>, vector<1x16xf32>,
          %swap3A_229 = vector.shape_cast %swap3A_228 : vector<1x16xf32> to vector<16xf32>
          %swap3A_230 = vector.shape_cast %mul3A_221 : vector<16xf32> to vector<1x16xf32>
          tpu.vector_store %arg8[%swap3A_226, %swap3A_227], %swap3A_230 {strides = array<i32>} : memref<160x128xf32, #tpu.memory_space<vmem>>, vector<1x16xf32>,
          %get3A_231 = arith.constant 1 : i32
          %get3A_232 = arith.index_cast %get3A_231 : i32 to index
          %get3A_233 = arith.constant 48 : index
          %get3A_234 = tpu.vector_load %arg5[%get3A_232, %get3A_233] {strides = array<i32>} : memref<2x64xf32, #tpu.memory_space<vmem>>, vector<1x16xf32>,
          %get3A_235 = vector.shape_cast %get3A_234 : vector<1x16xf32> to vector<16xf32>
          %add3A_236 = arith.addf %get3A_212, %get3A_235 : vector<16xf32>
          %mul3A_237 = arith.constant 8.000000e+00 : f32
          %mul3A_238 = vector.broadcast %mul3A_237 : f32 to vector<16xf32>
          %mul3A_239 = arith.mulf %add3A_236, %mul3A_238 : vector<16xf32>
          %mul3A_240 = arith.constant 2 : i32
          %mul3A_241 = arith.muli %scan3A_90, %mul3A_240 : i32
          %add3A_242 = arith.constant 0 : i32
          %add3A_243 = arith.addi %mul3A_241, %add3A_242 : i32
          %swap3A_244 = arith.index_cast %add3A_243 : i32 to index
          %swap3A_245 = arith.constant 48 : index
          %swap3A_246 = tpu.vector_load %arg9[%swap3A_244, %swap3A_245] {strides = array<i32>} : memref<160x128xf32, #tpu.memory_space<vmem>>, vector<1x16xf32>,
          %swap3A_247 = vector.shape_cast %swap3A_246 : vector<1x16xf32> to vector<16xf32>
          %swap3A_248 = vector.shape_cast %mul3A_239 : vector<16xf32> to vector<1x16xf32>
          tpu.vector_store %arg9[%swap3A_244, %swap3A_245], %swap3A_248 {strides = array<i32>} : memref<160x128xf32, #tpu.memory_space<vmem>>, vector<1x16xf32>,
          %get3A_249 = arith.index_cast %scan3A_90 : i32 to index
          %get3A_250 = arith.constant 64 : index
          %get3A_251 = tpu.vector_load %arg6[%get3A_249, %get3A_250] {strides = array<i32>} : memref<80x128xf32, #tpu.memory_space<vmem>>, vector<1x16xf32>,
          %get3A_252 = vector.shape_cast %get3A_251 : vector<1x16xf32> to vector<16xf32>
          %get3A_253 = arith.constant 0 : i32
          %get3A_254 = arith.index_cast %get3A_253 : i32 to index
          %get3A_255 = arith.constant 0 : index
          %get3A_256 = tpu.vector_load %arg5[%get3A_254, %get3A_255] {strides = array<i32>} : memref<2x64xf32, #tpu.memory_space<vmem>>, vector<1x16xf32>,
          %get3A_257 = vector.shape_cast %get3A_256 : vector<1x16xf32> to vector<16xf32>
          %add3A_258 = arith.addf %get3A_252, %get3A_257 : vector<16xf32>
          %mul3A_259 = arith.constant 8.000000e+00 : f32
          %mul3A_260 = vector.broadcast %mul3A_259 : f32 to vector<16xf32>
          %mul3A_261 = arith.mulf %add3A_258, %mul3A_260 : vector<16xf32>
          %mul3A_262 = arith.constant 2 : i32
          %mul3A_263 = arith.muli %scan3A_90, %mul3A_262 : i32
          %add3A_264 = arith.constant 1 : i32
          %add3A_265 = arith.addi %mul3A_263, %add3A_264 : i32
          %swap3A_266 = arith.index_cast %add3A_265 : i32 to index
          %swap3A_267 = arith.constant 0 : index
          %swap3A_268 = tpu.vector_load %arg8[%swap3A_266, %swap3A_267] {strides = array<i32>} : memref<160x128xf32, #tpu.memory_space<vmem>>, vector<1x16xf32>,
          %swap3A_269 = vector.shape_cast %swap3A_268 : vector<1x16xf32> to vector<16xf32>
          %swap3A_270 = vector.shape_cast %mul3A_261 : vector<16xf32> to vector<1x16xf32>
          tpu.vector_store %arg8[%swap3A_266, %swap3A_267], %swap3A_270 {strides = array<i32>} : memref<160x128xf32, #tpu.memory_space<vmem>>, vector<1x16xf32>,
          %get3A_271 = arith.constant 1 : i32
          %get3A_272 = arith.index_cast %get3A_271 : i32 to index
          %get3A_273 = arith.constant 0 : index
          %get3A_274 = tpu.vector_load %arg5[%get3A_272, %get3A_273] {strides = array<i32>} : memref<2x64xf32, #tpu.memory_space<vmem>>, vector<1x16xf32>,
          %get3A_275 = vector.shape_cast %get3A_274 : vector<1x16xf32> to vector<16xf32>
          %add3A_276 = arith.addf %get3A_252, %get3A_275 : vector<16xf32>
          %mul3A_277 = arith.constant 8.000000e+00 : f32
          %mul3A_278 = vector.broadcast %mul3A_277 : f32 to vector<16xf32>
          %mul3A_279 = arith.mulf %add3A_276, %mul3A_278 : vector<16xf32>
          %mul3A_280 = arith.constant 2 : i32
          %mul3A_281 = arith.muli %scan3A_90, %mul3A_280 : i32
          %add3A_282 = arith.constant 1 : i32
          %add3A_283 = arith.addi %mul3A_281, %add3A_282 : i32
          %swap3A_284 = arith.index_cast %add3A_283 : i32 to index
          %swap3A_285 = arith.constant 0 : index
          %swap3A_286 = tpu.vector_load %arg9[%swap3A_284, %swap3A_285] {strides = array<i32>} : memref<160x128xf32, #tpu.memory_space<vmem>>, vector<1x16xf32>,
          %swap3A_287 = vector.shape_cast %swap3A_286 : vector<1x16xf32> to vector<16xf32>
          %swap3A_288 = vector.shape_cast %mul3A_279 : vector<16xf32> to vector<1x16xf32>
          tpu.vector_store %arg9[%swap3A_284, %swap3A_285], %swap3A_288 {strides = array<i32>} : memref<160x128xf32, #tpu.memory_space<vmem>>, vector<1x16xf32>,
          %get3A_289 = arith.index_cast %scan3A_90 : i32 to index
          %get3A_290 = arith.constant 80 : index
          %get3A_291 = tpu.vector_load %arg6[%get3A_289, %get3A_290] {strides = array<i32>} : memref<80x128xf32, #tpu.memory_space<vmem>>, vector<1x16xf32>,
          %get3A_292 = vector.shape_cast %get3A_291 : vector<1x16xf32> to vector<16xf32>
          %get3A_293 = arith.constant 0 : i32
          %get3A_294 = arith.index_cast %get3A_293 : i32 to index
          %get3A_295 = arith.constant 16 : index
          %get3A_296 = tpu.vector_load %arg5[%get3A_294, %get3A_295] {strides = array<i32>} : memref<2x64xf32, #tpu.memory_space<vmem>>, vector<1x16xf32>,
          %get3A_297 = vector.shape_cast %get3A_296 : vector<1x16xf32> to vector<16xf32>
          %add3A_298 = arith.addf %get3A_292, %get3A_297 : vector<16xf32>
          %mul3A_299 = arith.constant 8.000000e+00 : f32
          %mul3A_300 = vector.broadcast %mul3A_299 : f32 to vector<16xf32>
          %mul3A_301 = arith.mulf %add3A_298, %mul3A_300 : vector<16xf32>
          %mul3A_302 = arith.constant 2 : i32
          %mul3A_303 = arith.muli %scan3A_90, %mul3A_302 : i32
          %add3A_304 = arith.constant 1 : i32
          %add3A_305 = arith.addi %mul3A_303, %add3A_304 : i32
          %swap3A_306 = arith.index_cast %add3A_305 : i32 to index
          %swap3A_307 = arith.constant 16 : index
          %swap3A_308 = tpu.vector_load %arg8[%swap3A_306, %swap3A_307] {strides = array<i32>} : memref<160x128xf32, #tpu.memory_space<vmem>>, vector<1x16xf32>,
          %swap3A_309 = vector.shape_cast %swap3A_308 : vector<1x16xf32> to vector<16xf32>
          %swap3A_310 = vector.shape_cast %mul3A_301 : vector<16xf32> to vector<1x16xf32>
          tpu.vector_store %arg8[%swap3A_306, %swap3A_307], %swap3A_310 {strides = array<i32>} : memref<160x128xf32, #tpu.memory_space<vmem>>, vector<1x16xf32>,
          %get3A_311 = arith.constant 1 : i32
          %get3A_312 = arith.index_cast %get3A_311 : i32 to index
          %get3A_313 = arith.constant 16 : index
          %get3A_314 = tpu.vector_load %arg5[%get3A_312, %get3A_313] {strides = array<i32>} : memref<2x64xf32, #tpu.memory_space<vmem>>, vector<1x16xf32>,
          %get3A_315 = vector.shape_cast %get3A_314 : vector<1x16xf32> to vector<16xf32>
          %add3A_316 = arith.addf %get3A_292, %get3A_315 : vector<16xf32>
          %mul3A_317 = arith.constant 8.000000e+00 : f32
          %mul3A_318 = vector.broadcast %mul3A_317 : f32 to vector<16xf32>
          %mul3A_319 = arith.mulf %add3A_316, %mul3A_318 : vector<16xf32>
          %mul3A_320 = arith.constant 2 : i32
          %mul3A_321 = arith.muli %scan3A_90, %mul3A_320 : i32
          %add3A_322 = arith.constant 1 : i32
          %add3A_323 = arith.addi %mul3A_321, %add3A_322 : i32
          %swap3A_324 = arith.index_cast %add3A_323 : i32 to index
          %swap3A_325 = arith.constant 16 : index
          %swap3A_326 = tpu.vector_load %arg9[%swap3A_324, %swap3A_325] {strides = array<i32>} : memref<160x128xf32, #tpu.memory_space<vmem>>, vector<1x16xf32>,
          %swap3A_327 = vector.shape_cast %swap3A_326 : vector<1x16xf32> to vector<16xf32>
          %swap3A_328 = vector.shape_cast %mul3A_319 : vector<16xf32> to vector<1x16xf32>
          tpu.vector_store %arg9[%swap3A_324, %swap3A_325], %swap3A_328 {strides = array<i32>} : memref<160x128xf32, #tpu.memory_space<vmem>>, vector<1x16xf32>,
          %get3A_329 = arith.index_cast %scan3A_90 : i32 to index
          %get3A_330 = arith.constant 96 : index
          %get3A_331 = tpu.vector_load %arg6[%get3A_329, %get3A_330] {strides = array<i32>} : memref<80x128xf32, #tpu.memory_space<vmem>>, vector<1x16xf32>,
          %get3A_332 = vector.shape_cast %get3A_331 : vector<1x16xf32> to vector<16xf32>
          %get3A_333 = arith.constant 0 : i32
          %get3A_334 = arith.index_cast %get3A_333 : i32 to index
          %get3A_335 = arith.constant 32 : index
          %get3A_336 = tpu.vector_load %arg5[%get3A_334, %get3A_335] {strides = array<i32>} : memref<2x64xf32, #tpu.memory_space<vmem>>, vector<1x16xf32>,
          %get3A_337 = vector.shape_cast %get3A_336 : vector<1x16xf32> to vector<16xf32>
          %add3A_338 = arith.addf %get3A_332, %get3A_337 : vector<16xf32>
          %mul3A_339 = arith.constant 8.000000e+00 : f32
          %mul3A_340 = vector.broadcast %mul3A_339 : f32 to vector<16xf32>
          %mul3A_341 = arith.mulf %add3A_338, %mul3A_340 : vector<16xf32>
          %mul3A_342 = arith.constant 2 : i32
          %mul3A_343 = arith.muli %scan3A_90, %mul3A_342 : i32
          %add3A_344 = arith.constant 1 : i32
          %add3A_345 = arith.addi %mul3A_343, %add3A_344 : i32
          %swap3A_346 = arith.index_cast %add3A_345 : i32 to index
          %swap3A_347 = arith.constant 32 : index
          %swap3A_348 = tpu.vector_load %arg8[%swap3A_346, %swap3A_347] {strides = array<i32>} : memref<160x128xf32, #tpu.memory_space<vmem>>, vector<1x16xf32>,
          %swap3A_349 = vector.shape_cast %swap3A_348 : vector<1x16xf32> to vector<16xf32>
          %swap3A_350 = vector.shape_cast %mul3A_341 : vector<16xf32> to vector<1x16xf32>
          tpu.vector_store %arg8[%swap3A_346, %swap3A_347], %swap3A_350 {strides = array<i32>} : memref<160x128xf32, #tpu.memory_space<vmem>>, vector<1x16xf32>,
          %get3A_351 = arith.constant 1 : i32
          %get3A_352 = arith.index_cast %get3A_351 : i32 to index
          %get3A_353 = arith.constant 32 : index
          %get3A_354 = tpu.vector_load %arg5[%get3A_352, %get3A_353] {strides = array<i32>} : memref<2x64xf32, #tpu.memory_space<vmem>>, vector<1x16xf32>,
          %get3A_355 = vector.shape_cast %get3A_354 : vector<1x16xf32> to vector<16xf32>
          %add3A_356 = arith.addf %get3A_332, %get3A_355 : vector<16xf32>
          %mul3A_357 = arith.constant 8.000000e+00 : f32
          %mul3A_358 = vector.broadcast %mul3A_357 : f32 to vector<16xf32>
          %mul3A_359 = arith.mulf %add3A_356, %mul3A_358 : vector<16xf32>
          %mul3A_360 = arith.constant 2 : i32
          %mul3A_361 = arith.muli %scan3A_90, %mul3A_360 : i32
          %add3A_362 = arith.constant 1 : i32
          %add3A_363 = arith.addi %mul3A_361, %add3A_362 : i32
          %swap3A_364 = arith.index_cast %add3A_363 : i32 to index
          %swap3A_365 = arith.constant 32 : index
          %swap3A_366 = tpu.vector_load %arg9[%swap3A_364, %swap3A_365] {strides = array<i32>} : memref<160x128xf32, #tpu.memory_space<vmem>>, vector<1x16xf32>,
          %swap3A_367 = vector.shape_cast %swap3A_366 : vector<1x16xf32> to vector<16xf32>
          %swap3A_368 = vector.shape_cast %mul3A_359 : vector<16xf32> to vector<1x16xf32>
          tpu.vector_store %arg9[%swap3A_364, %swap3A_365], %swap3A_368 {strides = array<i32>} : memref<160x128xf32, #tpu.memory_space<vmem>>, vector<1x16xf32>,
          %get3A_369 = arith.index_cast %scan3A_90 : i32 to index
          %get3A_370 = arith.constant 112 : index
          %get3A_371 = tpu.vector_load %arg6[%get3A_369, %get3A_370] {strides = array<i32>} : memref<80x128xf32, #tpu.memory_space<vmem>>, vector<1x16xf32>,
          %get3A_372 = vector.shape_cast %get3A_371 : vector<1x16xf32> to vector<16xf32>
          %get3A_373 = arith.constant 0 : i32
          %get3A_374 = arith.index_cast %get3A_373 : i32 to index
          %get3A_375 = arith.constant 48 : index
          %get3A_376 = tpu.vector_load %arg5[%get3A_374, %get3A_375] {strides = array<i32>} : memref<2x64xf32, #tpu.memory_space<vmem>>, vector<1x16xf32>,
          %get3A_377 = vector.shape_cast %get3A_376 : vector<1x16xf32> to vector<16xf32>
          %add3A_378 = arith.addf %get3A_372, %get3A_377 : vector<16xf32>
          %mul3A_379 = arith.constant 8.000000e+00 : f32
          %mul3A_380 = vector.broadcast %mul3A_379 : f32 to vector<16xf32>
          %mul3A_381 = arith.mulf %add3A_378, %mul3A_380 : vector<16xf32>
          %mul3A_382 = arith.constant 2 : i32
          %mul3A_383 = arith.muli %scan3A_90, %mul3A_382 : i32
          %add3A_384 = arith.constant 1 : i32
          %add3A_385 = arith.addi %mul3A_383, %add3A_384 : i32
          %swap3A_386 = arith.index_cast %add3A_385 : i32 to index
          %swap3A_387 = arith.constant 48 : index
          %swap3A_388 = tpu.vector_load %arg8[%swap3A_386, %swap3A_387] {strides = array<i32>} : memref<160x128xf32, #tpu.memory_space<vmem>>, vector<1x16xf32>,
          %swap3A_389 = vector.shape_cast %swap3A_388 : vector<1x16xf32> to vector<16xf32>
          %swap3A_390 = vector.shape_cast %mul3A_381 : vector<16xf32> to vector<1x16xf32>
          tpu.vector_store %arg8[%swap3A_386, %swap3A_387], %swap3A_390 {strides = array<i32>} : memref<160x128xf32, #tpu.memory_space<vmem>>, vector<1x16xf32>,
          %get3A_391 = arith.constant 1 : i32
          %get3A_392 = arith.index_cast %get3A_391 : i32 to index
          %get3A_393 = arith.constant 48 : index
          %get3A_394 = tpu.vector_load %arg5[%get3A_392, %get3A_393] {strides = array<i32>} : memref<2x64xf32, #tpu.memory_space<vmem>>, vector<1x16xf32>,
          %get3A_395 = vector.shape_cast %get3A_394 : vector<1x16xf32> to vector<16xf32>
          %add3A_396 = arith.addf %get3A_372, %get3A_395 : vector<16xf32>
          %mul3A_397 = arith.constant 8.000000e+00 : f32
          %mul3A_398 = vector.broadcast %mul3A_397 : f32 to vector<16xf32>
          %mul3A_399 = arith.mulf %add3A_396, %mul3A_398 : vector<16xf32>
          %mul3A_400 = arith.constant 2 : i32
          %mul3A_401 = arith.muli %scan3A_90, %mul3A_400 : i32
          %add3A_402 = arith.constant 1 : i32
          %add3A_403 = arith.addi %mul3A_401, %add3A_402 : i32
          %swap3A_404 = arith.index_cast %add3A_403 : i32 to index
          %swap3A_405 = arith.constant 48 : index
          %swap3A_406 = tpu.vector_load %arg9[%swap3A_404, %swap3A_405] {strides = array<i32>} : memref<160x128xf32, #tpu.memory_space<vmem>>, vector<1x16xf32>,
          %swap3A_407 = vector.shape_cast %swap3A_406 : vector<1x16xf32> to vector<16xf32>
          %swap3A_408 = vector.shape_cast %mul3A_399 : vector<16xf32> to vector<1x16xf32>
          tpu.vector_store %arg9[%swap3A_404, %swap3A_405], %swap3A_408 {strides = array<i32>} : memref<160x128xf32, #tpu.memory_space<vmem>>, vector<1x16xf32>,
        }
        %scan3A_75 = arith.constant 80 : i32
        %mul3A_76 = arith.constant 160 : i32
        %mul3A_77 = arith.muli %add3A_29, %mul3A_76 : i32
        %multiple_of3A = tpu.assume_multiple %mul3A_77, 8 : i32
        %dma_start3A = arith.constant 0 : i32
        %dma_start3A_78 = tpu.memref_slice %arg4[%multiple_of3A, %dma_start3A] : memref<200000x128xf32, #tpu.memory_space<hbm>> -> memref<160x128xf32, #tpu.memory_space<hbm>>
        %dma_start3A_79 = arith.constant 0 : i32
        %dma_start3A_80 = tpu.memref_slice %arg4[%multiple_of3A, %dma_start3A_79] : memref<200000x128xf32, #tpu.memory_space<hbm>> -> memref<160x128xf32, #tpu.memory_space<hbm>>
        tpu.enqueue_dma source(%arg8 : memref<160x128xf32, #tpu.memory_space<vmem>>) target(%dma_start3A_80 : memref<160x128xf32, #tpu.memory_space<hbm>>) target_semaphore(%arg14 : memref<!tpu.dma_semaphore, #tpu.memory_space<semaphore_mem>>)
        %mul3A_81 = arith.constant 160 : i32
        %mul3A_82 = arith.muli %add3A_29, %mul3A_81 : i32
        %add3A_83 = arith.constant 100000 : i32
        %add3A_84 = arith.addi %add3A_83, %mul3A_82 : i32
        %multiple_of3A_85 = tpu.assume_multiple %add3A_84, 8 : i32
        %dma_start3A_86 = arith.constant 0 : i32
        %dma_start3A_87 = tpu.memref_slice %arg4[%multiple_of3A_85, %dma_start3A_86] : memref<200000x128xf32, #tpu.memory_space<hbm>> -> memref<160x128xf32, #tpu.memory_space<hbm>>
        %dma_start3A_88 = arith.constant 0 : i32
        %dma_start3A_89 = tpu.memref_slice %arg4[%multiple_of3A_85, %dma_start3A_88] : memref<200000x128xf32, #tpu.memory_space<hbm>> -> memref<160x128xf32, #tpu.memory_space<hbm>>
        tpu.enqueue_dma source(%arg9 : memref<160x128xf32, #tpu.memory_space<vmem>>) target(%dma_start3A_89 : memref<160x128xf32, #tpu.memory_space<hbm>>) target_semaphore(%arg14 : memref<!tpu.dma_semaphore, #tpu.memory_space<semaphore_mem>>)
      } else {
      }
      %mul3A_42 = arith.constant 2 : i32
      %mul3A_43 = arith.muli %scan3A_22, %mul3A_42 : i32
      %add3A_44 = arith.constant 1 : i32
      %add3A_45 = arith.addi %mul3A_43, %add3A_44 : i32
      %mul3A_46 = arith.constant 32 : i32
      %mul3A_47 = arith.muli %add3A_45, %mul3A_46 : i32
      %add3A_48 = arith.addi %mul3A_47, %add3A : i32
      %add3A_49 = arith.constant 32 : i32
      %add3A_50 = arith.addi %add3A_48, %add3A_49 : i32
      %lt3A_51 = arith.constant 625 : i32
      %lt3A_52 = arith.cmpi slt, %add3A_50, %lt3A_51 : i32
      %convert_element_type3A_53 = arith.extui %lt3A_52 : i1 to i32
      %cond3A_54 = arith.constant 0 : i32
      %cond3A_55 = arith.cmpi ne, %convert_element_type3A_53, %cond3A_54 : i32
      scf.if %cond3A_55 {
        %mul3A_61 = arith.constant 80 : i32
        %mul3A_62 = arith.muli %add3A_50, %mul3A_61 : i32
        %multiple_of3A = tpu.assume_multiple %mul3A_62, 8 : i32
        %dma_start3A = arith.constant 0 : i32
        %dma_start3A_63 = tpu.memref_slice %arg2[%multiple_of3A, %dma_start3A] : memref<50000x128xf32, #tpu.memory_space<hbm>> -> memref<80x128xf32, #tpu.memory_space<hbm>>
        %dma_start3A_64 = arith.constant 0 : i32
        %dma_start3A_65 = tpu.memref_slice %arg2[%multiple_of3A, %dma_start3A_64] : memref<50000x128xf32, #tpu.memory_space<hbm>> -> memref<80x128xf32, #tpu.memory_space<hbm>>
        tpu.enqueue_dma source(%dma_start3A_65 : memref<80x128xf32, #tpu.memory_space<hbm>>) target(%arg6 : memref<80x128xf32, #tpu.memory_space<vmem>>) target_semaphore(%arg12 : memref<!tpu.dma_semaphore, #tpu.memory_space<semaphore_mem>>)
      } else {
      }
      %lt3A_56 = arith.constant 625 : i32
      %lt3A_57 = arith.cmpi slt, %add3A_48, %lt3A_56 : i32
      %convert_element_type3A_58 = arith.extui %lt3A_57 : i1 to i32
      %cond3A_59 = arith.constant 0 : i32
      %cond3A_60 = arith.cmpi ne, %convert_element_type3A_58, %cond3A_59 : i32
      scf.if %cond3A_60 {
        %dma_wait3A = arith.constant 0 : i32
        %dma_wait3A_61 = arith.constant 0 : i32
        %dma_wait3A_62 = tpu.memref_slice %arg2[%dma_wait3A, %dma_wait3A_61] : memref<50000x128xf32, #tpu.memory_space<hbm>> -> memref<80x128xf32, #tpu.memory_space<hbm>>
        %dma_wait3A_63 = arith.constant 0 : i32
        %dma_wait3A_64 = arith.constant 0 : i32
        %dma_wait3A_65 = tpu.memref_slice %arg2[%dma_wait3A_63, %dma_wait3A_64] : memref<50000x128xf32, #tpu.memory_space<hbm>> -> memref<80x128xf32, #tpu.memory_space<hbm>>
        tpu.wait_dma2 semaphore(%arg13 : memref<!tpu.dma_semaphore, #tpu.memory_space<semaphore_mem>>) src(%dma_wait3A_65 : memref<80x128xf32, #tpu.memory_space<hbm>>) dst(%arg7 : memref<80x128xf32, #tpu.memory_space<vmem>>)
        %ge3A = arith.constant 1 : i32
        %ge3A_66 = arith.cmpi sge, %scan3A_22, %ge3A : i32
        %convert_element_type3A_67 = arith.extui %ge3A_66 : i1 to i32
        %cond3A_68 = arith.constant 0 : i32
        %cond3A_69 = arith.cmpi ne, %convert_element_type3A_67, %cond3A_68 : i32
        scf.if %cond3A_69 {
          %dma_wait3A_90 = arith.constant 0 : i32
          %dma_wait3A_91 = arith.constant 0 : i32
          %dma_wait3A_92 = tpu.memref_slice %arg4[%dma_wait3A_90, %dma_wait3A_91] : memref<200000x128xf32, #tpu.memory_space<hbm>> -> memref<160x128xf32, #tpu.memory_space<hbm>>
          %dma_wait3A_93 = arith.constant 0 : i32
          %dma_wait3A_94 = arith.constant 0 : i32
          %dma_wait3A_95 = tpu.memref_slice %arg4[%dma_wait3A_93, %dma_wait3A_94] : memref<200000x128xf32, #tpu.memory_space<hbm>> -> memref<160x128xf32, #tpu.memory_space<hbm>>
          tpu.wait_dma2 semaphore(%arg15 : memref<!tpu.dma_semaphore, #tpu.memory_space<semaphore_mem>>) src(%arg10 : memref<160x128xf32, #tpu.memory_space<vmem>>) dst(%dma_wait3A_95 : memref<160x128xf32, #tpu.memory_space<hbm>>)
          %dma_wait3A_96 = arith.constant 0 : i32
          %dma_wait3A_97 = arith.constant 0 : i32
          %dma_wait3A_98 = tpu.memref_slice %arg4[%dma_wait3A_96, %dma_wait3A_97] : memref<200000x128xf32, #tpu.memory_space<hbm>> -> memref<160x128xf32, #tpu.memory_space<hbm>>
          %dma_wait3A_99 = arith.constant 0 : i32
          %dma_wait3A_100 = arith.constant 0 : i32
          %dma_wait3A_101 = tpu.memref_slice %arg4[%dma_wait3A_99, %dma_wait3A_100] : memref<200000x128xf32, #tpu.memory_space<hbm>> -> memref<160x128xf32, #tpu.memory_space<hbm>>
          tpu.wait_dma2 semaphore(%arg15 : memref<!tpu.dma_semaphore, #tpu.memory_space<semaphore_mem>>) src(%arg11 : memref<160x128xf32, #tpu.memory_space<vmem>>) dst(%dma_wait3A_101 : memref<160x128xf32, #tpu.memory_space<hbm>>)
        } else {
        }
        %scan3A_70 = arith.constant 0 : i32
        %scan3A_71 = arith.constant 0 : i32
        %scan3A_72 = arith.constant 80 : i32
        %scan3A_73 = arith.addi %scan3A_71, %scan3A_72 : i32
        %scan3A_74 = arith.constant 1 : i32
        scf.for %scan3A_90 = %scan3A_71 to %scan3A_73 step %scan3A_74  : i32 {
          %get3A = arith.index_cast %scan3A_90 : i32 to index
          %get3A_91 = arith.constant 0 : index
          %get3A_92 = tpu.vector_load %arg7[%get3A, %get3A_91] {strides = array<i32>} : memref<80x128xf32, #tpu.memory_space<vmem>>, vector<1x16xf32>,
          %get3A_93 = vector.shape_cast %get3A_92 : vector<1x16xf32> to vector<16xf32>
          %get3A_94 = arith.constant 0 : i32
          %get3A_95 = arith.index_cast %get3A_94 : i32 to index
          %get3A_96 = arith.constant 0 : index
          %get3A_97 = tpu.vector_load %arg5[%get3A_95, %get3A_96] {strides = array<i32>} : memref<2x64xf32, #tpu.memory_space<vmem>>, vector<1x16xf32>,
          %get3A_98 = vector.shape_cast %get3A_97 : vector<1x16xf32> to vector<16xf32>
          %add3A_99 = arith.addf %get3A_93, %get3A_98 : vector<16xf32>
          %mul3A_100 = arith.constant 8.000000e+00 : f32
          %mul3A_101 = vector.broadcast %mul3A_100 : f32 to vector<16xf32>
          %mul3A_102 = arith.mulf %add3A_99, %mul3A_101 : vector<16xf32>
          %mul3A_103 = arith.constant 2 : i32
          %mul3A_104 = arith.muli %scan3A_90, %mul3A_103 : i32
          %add3A_105 = arith.constant 0 : i32
          %add3A_106 = arith.addi %mul3A_104, %add3A_105 : i32
          %swap3A = arith.index_cast %add3A_106 : i32 to index
          %swap3A_107 = arith.constant 0 : index
          %swap3A_108 = tpu.vector_load %arg10[%swap3A, %swap3A_107] {strides = array<i32>} : memref<160x128xf32, #tpu.memory_space<vmem>>, vector<1x16xf32>,
          %swap3A_109 = vector.shape_cast %swap3A_108 : vector<1x16xf32> to vector<16xf32>
          %swap3A_110 = vector.shape_cast %mul3A_102 : vector<16xf32> to vector<1x16xf32>
          tpu.vector_store %arg10[%swap3A, %swap3A_107], %swap3A_110 {strides = array<i32>} : memref<160x128xf32, #tpu.memory_space<vmem>>, vector<1x16xf32>,
          %get3A_111 = arith.constant 1 : i32
          %get3A_112 = arith.index_cast %get3A_111 : i32 to index
          %get3A_113 = arith.constant 0 : index
          %get3A_114 = tpu.vector_load %arg5[%get3A_112, %get3A_113] {strides = array<i32>} : memref<2x64xf32, #tpu.memory_space<vmem>>, vector<1x16xf32>,
          %get3A_115 = vector.shape_cast %get3A_114 : vector<1x16xf32> to vector<16xf32>
          %add3A_116 = arith.addf %get3A_93, %get3A_115 : vector<16xf32>
          %mul3A_117 = arith.constant 8.000000e+00 : f32
          %mul3A_118 = vector.broadcast %mul3A_117 : f32 to vector<16xf32>
          %mul3A_119 = arith.mulf %add3A_116, %mul3A_118 : vector<16xf32>
          %mul3A_120 = arith.constant 2 : i32
          %mul3A_121 = arith.muli %scan3A_90, %mul3A_120 : i32
          %add3A_122 = arith.constant 0 : i32
          %add3A_123 = arith.addi %mul3A_121, %add3A_122 : i32
          %swap3A_124 = arith.index_cast %add3A_123 : i32 to index
          %swap3A_125 = arith.constant 0 : index
          %swap3A_126 = tpu.vector_load %arg11[%swap3A_124, %swap3A_125] {strides = array<i32>} : memref<160x128xf32, #tpu.memory_space<vmem>>, vector<1x16xf32>,
          %swap3A_127 = vector.shape_cast %swap3A_126 : vector<1x16xf32> to vector<16xf32>
          %swap3A_128 = vector.shape_cast %mul3A_119 : vector<16xf32> to vector<1x16xf32>
          tpu.vector_store %arg11[%swap3A_124, %swap3A_125], %swap3A_128 {strides = array<i32>} : memref<160x128xf32, #tpu.memory_space<vmem>>, vector<1x16xf32>,
          %get3A_129 = arith.index_cast %scan3A_90 : i32 to index
          %get3A_130 = arith.constant 16 : index
          %get3A_131 = tpu.vector_load %arg7[%get3A_129, %get3A_130] {strides = array<i32>} : memref<80x128xf32, #tpu.memory_space<vmem>>, vector<1x16xf32>,
          %get3A_132 = vector.shape_cast %get3A_131 : vector<1x16xf32> to vector<16xf32>
          %get3A_133 = arith.constant 0 : i32
          %get3A_134 = arith.index_cast %get3A_133 : i32 to index
          %get3A_135 = arith.constant 16 : index
          %get3A_136 = tpu.vector_load %arg5[%get3A_134, %get3A_135] {strides = array<i32>} : memref<2x64xf32, #tpu.memory_space<vmem>>, vector<1x16xf32>,
          %get3A_137 = vector.shape_cast %get3A_136 : vector<1x16xf32> to vector<16xf32>
          %add3A_138 = arith.addf %get3A_132, %get3A_137 : vector<16xf32>
          %mul3A_139 = arith.constant 8.000000e+00 : f32
          %mul3A_140 = vector.broadcast %mul3A_139 : f32 to vector<16xf32>
          %mul3A_141 = arith.mulf %add3A_138, %mul3A_140 : vector<16xf32>
          %mul3A_142 = arith.constant 2 : i32
          %mul3A_143 = arith.muli %scan3A_90, %mul3A_142 : i32
          %add3A_144 = arith.constant 0 : i32
          %add3A_145 = arith.addi %mul3A_143, %add3A_144 : i32
          %swap3A_146 = arith.index_cast %add3A_145 : i32 to index
          %swap3A_147 = arith.constant 16 : index
          %swap3A_148 = tpu.vector_load %arg10[%swap3A_146, %swap3A_147] {strides = array<i32>} : memref<160x128xf32, #tpu.memory_space<vmem>>, vector<1x16xf32>,
          %swap3A_149 = vector.shape_cast %swap3A_148 : vector<1x16xf32> to vector<16xf32>
          %swap3A_150 = vector.shape_cast %mul3A_141 : vector<16xf32> to vector<1x16xf32>
          tpu.vector_store %arg10[%swap3A_146, %swap3A_147], %swap3A_150 {strides = array<i32>} : memref<160x128xf32, #tpu.memory_space<vmem>>, vector<1x16xf32>,
          %get3A_151 = arith.constant 1 : i32
          %get3A_152 = arith.index_cast %get3A_151 : i32 to index
          %get3A_153 = arith.constant 16 : index
          %get3A_154 = tpu.vector_load %arg5[%get3A_152, %get3A_153] {strides = array<i32>} : memref<2x64xf32, #tpu.memory_space<vmem>>, vector<1x16xf32>,
          %get3A_155 = vector.shape_cast %get3A_154 : vector<1x16xf32> to vector<16xf32>
          %add3A_156 = arith.addf %get3A_132, %get3A_155 : vector<16xf32>
          %mul3A_157 = arith.constant 8.000000e+00 : f32
          %mul3A_158 = vector.broadcast %mul3A_157 : f32 to vector<16xf32>
          %mul3A_159 = arith.mulf %add3A_156, %mul3A_158 : vector<16xf32>
          %mul3A_160 = arith.constant 2 : i32
          %mul3A_161 = arith.muli %scan3A_90, %mul3A_160 : i32
          %add3A_162 = arith.constant 0 : i32
          %add3A_163 = arith.addi %mul3A_161, %add3A_162 : i32
          %swap3A_164 = arith.index_cast %add3A_163 : i32 to index
          %swap3A_165 = arith.constant 16 : index
          %swap3A_166 = tpu.vector_load %arg11[%swap3A_164, %swap3A_165] {strides = array<i32>} : memref<160x128xf32, #tpu.memory_space<vmem>>, vector<1x16xf32>,
          %swap3A_167 = vector.shape_cast %swap3A_166 : vector<1x16xf32> to vector<16xf32>
          %swap3A_168 = vector.shape_cast %mul3A_159 : vector<16xf32> to vector<1x16xf32>
          tpu.vector_store %arg11[%swap3A_164, %swap3A_165], %swap3A_168 {strides = array<i32>} : memref<160x128xf32, #tpu.memory_space<vmem>>, vector<1x16xf32>,
          %get3A_169 = arith.index_cast %scan3A_90 : i32 to index
          %get3A_170 = arith.constant 32 : index
          %get3A_171 = tpu.vector_load %arg7[%get3A_169, %get3A_170] {strides = array<i32>} : memref<80x128xf32, #tpu.memory_space<vmem>>, vector<1x16xf32>,
          %get3A_172 = vector.shape_cast %get3A_171 : vector<1x16xf32> to vector<16xf32>
          %get3A_173 = arith.constant 0 : i32
          %get3A_174 = arith.index_cast %get3A_173 : i32 to index
          %get3A_175 = arith.constant 32 : index
          %get3A_176 = tpu.vector_load %arg5[%get3A_174, %get3A_175] {strides = array<i32>} : memref<2x64xf32, #tpu.memory_space<vmem>>, vector<1x16xf32>,
          %get3A_177 = vector.shape_cast %get3A_176 : vector<1x16xf32> to vector<16xf32>
          %add3A_178 = arith.addf %get3A_172, %get3A_177 : vector<16xf32>
          %mul3A_179 = arith.constant 8.000000e+00 : f32
          %mul3A_180 = vector.broadcast %mul3A_179 : f32 to vector<16xf32>
          %mul3A_181 = arith.mulf %add3A_178, %mul3A_180 : vector<16xf32>
          %mul3A_182 = arith.constant 2 : i32
          %mul3A_183 = arith.muli %scan3A_90, %mul3A_182 : i32
          %add3A_184 = arith.constant 0 : i32
          %add3A_185 = arith.addi %mul3A_183, %add3A_184 : i32
          %swap3A_186 = arith.index_cast %add3A_185 : i32 to index
          %swap3A_187 = arith.constant 32 : index
          %swap3A_188 = tpu.vector_load %arg10[%swap3A_186, %swap3A_187] {strides = array<i32>} : memref<160x128xf32, #tpu.memory_space<vmem>>, vector<1x16xf32>,
          %swap3A_189 = vector.shape_cast %swap3A_188 : vector<1x16xf32> to vector<16xf32>
          %swap3A_190 = vector.shape_cast %mul3A_181 : vector<16xf32> to vector<1x16xf32>
          tpu.vector_store %arg10[%swap3A_186, %swap3A_187], %swap3A_190 {strides = array<i32>} : memref<160x128xf32, #tpu.memory_space<vmem>>, vector<1x16xf32>,
          %get3A_191 = arith.constant 1 : i32
          %get3A_192 = arith.index_cast %get3A_191 : i32 to index
          %get3A_193 = arith.constant 32 : index
          %get3A_194 = tpu.vector_load %arg5[%get3A_192, %get3A_193] {strides = array<i32>} : memref<2x64xf32, #tpu.memory_space<vmem>>, vector<1x16xf32>,
          %get3A_195 = vector.shape_cast %get3A_194 : vector<1x16xf32> to vector<16xf32>
          %add3A_196 = arith.addf %get3A_172, %get3A_195 : vector<16xf32>
          %mul3A_197 = arith.constant 8.000000e+00 : f32
          %mul3A_198 = vector.broadcast %mul3A_197 : f32 to vector<16xf32>
          %mul3A_199 = arith.mulf %add3A_196, %mul3A_198 : vector<16xf32>
          %mul3A_200 = arith.constant 2 : i32
          %mul3A_201 = arith.muli %scan3A_90, %mul3A_200 : i32
          %add3A_202 = arith.constant 0 : i32
          %add3A_203 = arith.addi %mul3A_201, %add3A_202 : i32
          %swap3A_204 = arith.index_cast %add3A_203 : i32 to index
          %swap3A_205 = arith.constant 32 : index
          %swap3A_206 = tpu.vector_load %arg11[%swap3A_204, %swap3A_205] {strides = array<i32>} : memref<160x128xf32, #tpu.memory_space<vmem>>, vector<1x16xf32>,
          %swap3A_207 = vector.shape_cast %swap3A_206 : vector<1x16xf32> to vector<16xf32>
          %swap3A_208 = vector.shape_cast %mul3A_199 : vector<16xf32> to vector<1x16xf32>
          tpu.vector_store %arg11[%swap3A_204, %swap3A_205], %swap3A_208 {strides = array<i32>} : memref<160x128xf32, #tpu.memory_space<vmem>>, vector<1x16xf32>,
          %get3A_209 = arith.index_cast %scan3A_90 : i32 to index
          %get3A_210 = arith.constant 48 : index
          %get3A_211 = tpu.vector_load %arg7[%get3A_209, %get3A_210] {strides = array<i32>} : memref<80x128xf32, #tpu.memory_space<vmem>>, vector<1x16xf32>,
          %get3A_212 = vector.shape_cast %get3A_211 : vector<1x16xf32> to vector<16xf32>
          %get3A_213 = arith.constant 0 : i32
          %get3A_214 = arith.index_cast %get3A_213 : i32 to index
          %get3A_215 = arith.constant 48 : index
          %get3A_216 = tpu.vector_load %arg5[%get3A_214, %get3A_215] {strides = array<i32>} : memref<2x64xf32, #tpu.memory_space<vmem>>, vector<1x16xf32>,
          %get3A_217 = vector.shape_cast %get3A_216 : vector<1x16xf32> to vector<16xf32>
          %add3A_218 = arith.addf %get3A_212, %get3A_217 : vector<16xf32>
          %mul3A_219 = arith.constant 8.000000e+00 : f32
          %mul3A_220 = vector.broadcast %mul3A_219 : f32 to vector<16xf32>
          %mul3A_221 = arith.mulf %add3A_218, %mul3A_220 : vector<16xf32>
          %mul3A_222 = arith.constant 2 : i32
          %mul3A_223 = arith.muli %scan3A_90, %mul3A_222 : i32
          %add3A_224 = arith.constant 0 : i32
          %add3A_225 = arith.addi %mul3A_223, %add3A_224 : i32
          %swap3A_226 = arith.index_cast %add3A_225 : i32 to index
          %swap3A_227 = arith.constant 48 : index
          %swap3A_228 = tpu.vector_load %arg10[%swap3A_226, %swap3A_227] {strides = array<i32>} : memref<160x128xf32, #tpu.memory_space<vmem>>, vector<1x16xf32>,
          %swap3A_229 = vector.shape_cast %swap3A_228 : vector<1x16xf32> to vector<16xf32>
          %swap3A_230 = vector.shape_cast %mul3A_221 : vector<16xf32> to vector<1x16xf32>
          tpu.vector_store %arg10[%swap3A_226, %swap3A_227], %swap3A_230 {strides = array<i32>} : memref<160x128xf32, #tpu.memory_space<vmem>>, vector<1x16xf32>,
          %get3A_231 = arith.constant 1 : i32
          %get3A_232 = arith.index_cast %get3A_231 : i32 to index
          %get3A_233 = arith.constant 48 : index
          %get3A_234 = tpu.vector_load %arg5[%get3A_232, %get3A_233] {strides = array<i32>} : memref<2x64xf32, #tpu.memory_space<vmem>>, vector<1x16xf32>,
          %get3A_235 = vector.shape_cast %get3A_234 : vector<1x16xf32> to vector<16xf32>
          %add3A_236 = arith.addf %get3A_212, %get3A_235 : vector<16xf32>
          %mul3A_237 = arith.constant 8.000000e+00 : f32
          %mul3A_238 = vector.broadcast %mul3A_237 : f32 to vector<16xf32>
          %mul3A_239 = arith.mulf %add3A_236, %mul3A_238 : vector<16xf32>
          %mul3A_240 = arith.constant 2 : i32
          %mul3A_241 = arith.muli %scan3A_90, %mul3A_240 : i32
          %add3A_242 = arith.constant 0 : i32
          %add3A_243 = arith.addi %mul3A_241, %add3A_242 : i32
          %swap3A_244 = arith.index_cast %add3A_243 : i32 to index
          %swap3A_245 = arith.constant 48 : index
          %swap3A_246 = tpu.vector_load %arg11[%swap3A_244, %swap3A_245] {strides = array<i32>} : memref<160x128xf32, #tpu.memory_space<vmem>>, vector<1x16xf32>,
          %swap3A_247 = vector.shape_cast %swap3A_246 : vector<1x16xf32> to vector<16xf32>
          %swap3A_248 = vector.shape_cast %mul3A_239 : vector<16xf32> to vector<1x16xf32>
          tpu.vector_store %arg11[%swap3A_244, %swap3A_245], %swap3A_248 {strides = array<i32>} : memref<160x128xf32, #tpu.memory_space<vmem>>, vector<1x16xf32>,
          %get3A_249 = arith.index_cast %scan3A_90 : i32 to index
          %get3A_250 = arith.constant 64 : index
          %get3A_251 = tpu.vector_load %arg7[%get3A_249, %get3A_250] {strides = array<i32>} : memref<80x128xf32, #tpu.memory_space<vmem>>, vector<1x16xf32>,
          %get3A_252 = vector.shape_cast %get3A_251 : vector<1x16xf32> to vector<16xf32>
          %get3A_253 = arith.constant 0 : i32
          %get3A_254 = arith.index_cast %get3A_253 : i32 to index
          %get3A_255 = arith.constant 0 : index
          %get3A_256 = tpu.vector_load %arg5[%get3A_254, %get3A_255] {strides = array<i32>} : memref<2x64xf32, #tpu.memory_space<vmem>>, vector<1x16xf32>,
          %get3A_257 = vector.shape_cast %get3A_256 : vector<1x16xf32> to vector<16xf32>
          %add3A_258 = arith.addf %get3A_252, %get3A_257 : vector<16xf32>
          %mul3A_259 = arith.constant 8.000000e+00 : f32
          %mul3A_260 = vector.broadcast %mul3A_259 : f32 to vector<16xf32>
          %mul3A_261 = arith.mulf %add3A_258, %mul3A_260 : vector<16xf32>
          %mul3A_262 = arith.constant 2 : i32
          %mul3A_263 = arith.muli %scan3A_90, %mul3A_262 : i32
          %add3A_264 = arith.constant 1 : i32
          %add3A_265 = arith.addi %mul3A_263, %add3A_264 : i32
          %swap3A_266 = arith.index_cast %add3A_265 : i32 to index
          %swap3A_267 = arith.constant 0 : index
          %swap3A_268 = tpu.vector_load %arg10[%swap3A_266, %swap3A_267] {strides = array<i32>} : memref<160x128xf32, #tpu.memory_space<vmem>>, vector<1x16xf32>,
          %swap3A_269 = vector.shape_cast %swap3A_268 : vector<1x16xf32> to vector<16xf32>
          %swap3A_270 = vector.shape_cast %mul3A_261 : vector<16xf32> to vector<1x16xf32>
          tpu.vector_store %arg10[%swap3A_266, %swap3A_267], %swap3A_270 {strides = array<i32>} : memref<160x128xf32, #tpu.memory_space<vmem>>, vector<1x16xf32>,
          %get3A_271 = arith.constant 1 : i32
          %get3A_272 = arith.index_cast %get3A_271 : i32 to index
          %get3A_273 = arith.constant 0 : index
          %get3A_274 = tpu.vector_load %arg5[%get3A_272, %get3A_273] {strides = array<i32>} : memref<2x64xf32, #tpu.memory_space<vmem>>, vector<1x16xf32>,
          %get3A_275 = vector.shape_cast %get3A_274 : vector<1x16xf32> to vector<16xf32>
          %add3A_276 = arith.addf %get3A_252, %get3A_275 : vector<16xf32>
          %mul3A_277 = arith.constant 8.000000e+00 : f32
          %mul3A_278 = vector.broadcast %mul3A_277 : f32 to vector<16xf32>
          %mul3A_279 = arith.mulf %add3A_276, %mul3A_278 : vector<16xf32>
          %mul3A_280 = arith.constant 2 : i32
          %mul3A_281 = arith.muli %scan3A_90, %mul3A_280 : i32
          %add3A_282 = arith.constant 1 : i32
          %add3A_283 = arith.addi %mul3A_281, %add3A_282 : i32
          %swap3A_284 = arith.index_cast %add3A_283 : i32 to index
          %swap3A_285 = arith.constant 0 : index
          %swap3A_286 = tpu.vector_load %arg11[%swap3A_284, %swap3A_285] {strides = array<i32>} : memref<160x128xf32, #tpu.memory_space<vmem>>, vector<1x16xf32>,
          %swap3A_287 = vector.shape_cast %swap3A_286 : vector<1x16xf32> to vector<16xf32>
          %swap3A_288 = vector.shape_cast %mul3A_279 : vector<16xf32> to vector<1x16xf32>
          tpu.vector_store %arg11[%swap3A_284, %swap3A_285], %swap3A_288 {strides = array<i32>} : memref<160x128xf32, #tpu.memory_space<vmem>>, vector<1x16xf32>,
          %get3A_289 = arith.index_cast %scan3A_90 : i32 to index
          %get3A_290 = arith.constant 80 : index
          %get3A_291 = tpu.vector_load %arg7[%get3A_289, %get3A_290] {strides = array<i32>} : memref<80x128xf32, #tpu.memory_space<vmem>>, vector<1x16xf32>,
          %get3A_292 = vector.shape_cast %get3A_291 : vector<1x16xf32> to vector<16xf32>
          %get3A_293 = arith.constant 0 : i32
          %get3A_294 = arith.index_cast %get3A_293 : i32 to index
          %get3A_295 = arith.constant 16 : index
          %get3A_296 = tpu.vector_load %arg5[%get3A_294, %get3A_295] {strides = array<i32>} : memref<2x64xf32, #tpu.memory_space<vmem>>, vector<1x16xf32>,
          %get3A_297 = vector.shape_cast %get3A_296 : vector<1x16xf32> to vector<16xf32>
          %add3A_298 = arith.addf %get3A_292, %get3A_297 : vector<16xf32>
          %mul3A_299 = arith.constant 8.000000e+00 : f32
          %mul3A_300 = vector.broadcast %mul3A_299 : f32 to vector<16xf32>
          %mul3A_301 = arith.mulf %add3A_298, %mul3A_300 : vector<16xf32>
          %mul3A_302 = arith.constant 2 : i32
          %mul3A_303 = arith.muli %scan3A_90, %mul3A_302 : i32
          %add3A_304 = arith.constant 1 : i32
          %add3A_305 = arith.addi %mul3A_303, %add3A_304 : i32
          %swap3A_306 = arith.index_cast %add3A_305 : i32 to index
          %swap3A_307 = arith.constant 16 : index
          %swap3A_308 = tpu.vector_load %arg10[%swap3A_306, %swap3A_307] {strides = array<i32>} : memref<160x128xf32, #tpu.memory_space<vmem>>, vector<1x16xf32>,
          %swap3A_309 = vector.shape_cast %swap3A_308 : vector<1x16xf32> to vector<16xf32>
          %swap3A_310 = vector.shape_cast %mul3A_301 : vector<16xf32> to vector<1x16xf32>
          tpu.vector_store %arg10[%swap3A_306, %swap3A_307], %swap3A_310 {strides = array<i32>} : memref<160x128xf32, #tpu.memory_space<vmem>>, vector<1x16xf32>,
          %get3A_311 = arith.constant 1 : i32
          %get3A_312 = arith.index_cast %get3A_311 : i32 to index
          %get3A_313 = arith.constant 16 : index
          %get3A_314 = tpu.vector_load %arg5[%get3A_312, %get3A_313] {strides = array<i32>} : memref<2x64xf32, #tpu.memory_space<vmem>>, vector<1x16xf32>,
          %get3A_315 = vector.shape_cast %get3A_314 : vector<1x16xf32> to vector<16xf32>
          %add3A_316 = arith.addf %get3A_292, %get3A_315 : vector<16xf32>
          %mul3A_317 = arith.constant 8.000000e+00 : f32
          %mul3A_318 = vector.broadcast %mul3A_317 : f32 to vector<16xf32>
          %mul3A_319 = arith.mulf %add3A_316, %mul3A_318 : vector<16xf32>
          %mul3A_320 = arith.constant 2 : i32
          %mul3A_321 = arith.muli %scan3A_90, %mul3A_320 : i32
          %add3A_322 = arith.constant 1 : i32
          %add3A_323 = arith.addi %mul3A_321, %add3A_322 : i32
          %swap3A_324 = arith.index_cast %add3A_323 : i32 to index
          %swap3A_325 = arith.constant 16 : index
          %swap3A_326 = tpu.vector_load %arg11[%swap3A_324, %swap3A_325] {strides = array<i32>} : memref<160x128xf32, #tpu.memory_space<vmem>>, vector<1x16xf32>,
          %swap3A_327 = vector.shape_cast %swap3A_326 : vector<1x16xf32> to vector<16xf32>
          %swap3A_328 = vector.shape_cast %mul3A_319 : vector<16xf32> to vector<1x16xf32>
          tpu.vector_store %arg11[%swap3A_324, %swap3A_325], %swap3A_328 {strides = array<i32>} : memref<160x128xf32, #tpu.memory_space<vmem>>, vector<1x16xf32>,
          %get3A_329 = arith.index_cast %scan3A_90 : i32 to index
          %get3A_330 = arith.constant 96 : index
          %get3A_331 = tpu.vector_load %arg7[%get3A_329, %get3A_330] {strides = array<i32>} : memref<80x128xf32, #tpu.memory_space<vmem>>, vector<1x16xf32>,
          %get3A_332 = vector.shape_cast %get3A_331 : vector<1x16xf32> to vector<16xf32>
          %get3A_333 = arith.constant 0 : i32
          %get3A_334 = arith.index_cast %get3A_333 : i32 to index
          %get3A_335 = arith.constant 32 : index
          %get3A_336 = tpu.vector_load %arg5[%get3A_334, %get3A_335] {strides = array<i32>} : memref<2x64xf32, #tpu.memory_space<vmem>>, vector<1x16xf32>,
          %get3A_337 = vector.shape_cast %get3A_336 : vector<1x16xf32> to vector<16xf32>
          %add3A_338 = arith.addf %get3A_332, %get3A_337 : vector<16xf32>
          %mul3A_339 = arith.constant 8.000000e+00 : f32
          %mul3A_340 = vector.broadcast %mul3A_339 : f32 to vector<16xf32>
          %mul3A_341 = arith.mulf %add3A_338, %mul3A_340 : vector<16xf32>
          %mul3A_342 = arith.constant 2 : i32
          %mul3A_343 = arith.muli %scan3A_90, %mul3A_342 : i32
          %add3A_344 = arith.constant 1 : i32
          %add3A_345 = arith.addi %mul3A_343, %add3A_344 : i32
          %swap3A_346 = arith.index_cast %add3A_345 : i32 to index
          %swap3A_347 = arith.constant 32 : index
          %swap3A_348 = tpu.vector_load %arg10[%swap3A_346, %swap3A_347] {strides = array<i32>} : memref<160x128xf32, #tpu.memory_space<vmem>>, vector<1x16xf32>,
          %swap3A_349 = vector.shape_cast %swap3A_348 : vector<1x16xf32> to vector<16xf32>
          %swap3A_350 = vector.shape_cast %mul3A_341 : vector<16xf32> to vector<1x16xf32>
          tpu.vector_store %arg10[%swap3A_346, %swap3A_347], %swap3A_350 {strides = array<i32>} : memref<160x128xf32, #tpu.memory_space<vmem>>, vector<1x16xf32>,
          %get3A_351 = arith.constant 1 : i32
          %get3A_352 = arith.index_cast %get3A_351 : i32 to index
          %get3A_353 = arith.constant 32 : index
          %get3A_354 = tpu.vector_load %arg5[%get3A_352, %get3A_353] {strides = array<i32>} : memref<2x64xf32, #tpu.memory_space<vmem>>, vector<1x16xf32>,
          %get3A_355 = vector.shape_cast %get3A_354 : vector<1x16xf32> to vector<16xf32>
          %add3A_356 = arith.addf %get3A_332, %get3A_355 : vector<16xf32>
          %mul3A_357 = arith.constant 8.000000e+00 : f32
          %mul3A_358 = vector.broadcast %mul3A_357 : f32 to vector<16xf32>
          %mul3A_359 = arith.mulf %add3A_356, %mul3A_358 : vector<16xf32>
          %mul3A_360 = arith.constant 2 : i32
          %mul3A_361 = arith.muli %scan3A_90, %mul3A_360 : i32
          %add3A_362 = arith.constant 1 : i32
          %add3A_363 = arith.addi %mul3A_361, %add3A_362 : i32
          %swap3A_364 = arith.index_cast %add3A_363 : i32 to index
          %swap3A_365 = arith.constant 32 : index
          %swap3A_366 = tpu.vector_load %arg11[%swap3A_364, %swap3A_365] {strides = array<i32>} : memref<160x128xf32, #tpu.memory_space<vmem>>, vector<1x16xf32>,
          %swap3A_367 = vector.shape_cast %swap3A_366 : vector<1x16xf32> to vector<16xf32>
          %swap3A_368 = vector.shape_cast %mul3A_359 : vector<16xf32> to vector<1x16xf32>
          tpu.vector_store %arg11[%swap3A_364, %swap3A_365], %swap3A_368 {strides = array<i32>} : memref<160x128xf32, #tpu.memory_space<vmem>>, vector<1x16xf32>,
          %get3A_369 = arith.index_cast %scan3A_90 : i32 to index
          %get3A_370 = arith.constant 112 : index
          %get3A_371 = tpu.vector_load %arg7[%get3A_369, %get3A_370] {strides = array<i32>} : memref<80x128xf32, #tpu.memory_space<vmem>>, vector<1x16xf32>,
          %get3A_372 = vector.shape_cast %get3A_371 : vector<1x16xf32> to vector<16xf32>
          %get3A_373 = arith.constant 0 : i32
          %get3A_374 = arith.index_cast %get3A_373 : i32 to index
          %get3A_375 = arith.constant 48 : index
          %get3A_376 = tpu.vector_load %arg5[%get3A_374, %get3A_375] {strides = array<i32>} : memref<2x64xf32, #tpu.memory_space<vmem>>, vector<1x16xf32>,
          %get3A_377 = vector.shape_cast %get3A_376 : vector<1x16xf32> to vector<16xf32>
          %add3A_378 = arith.addf %get3A_372, %get3A_377 : vector<16xf32>
          %mul3A_379 = arith.constant 8.000000e+00 : f32
          %mul3A_380 = vector.broadcast %mul3A_379 : f32 to vector<16xf32>
          %mul3A_381 = arith.mulf %add3A_378, %mul3A_380 : vector<16xf32>
          %mul3A_382 = arith.constant 2 : i32
          %mul3A_383 = arith.muli %scan3A_90, %mul3A_382 : i32
          %add3A_384 = arith.constant 1 : i32
          %add3A_385 = arith.addi %mul3A_383, %add3A_384 : i32
          %swap3A_386 = arith.index_cast %add3A_385 : i32 to index
          %swap3A_387 = arith.constant 48 : index
          %swap3A_388 = tpu.vector_load %arg10[%swap3A_386, %swap3A_387] {strides = array<i32>} : memref<160x128xf32, #tpu.memory_space<vmem>>, vector<1x16xf32>,
          %swap3A_389 = vector.shape_cast %swap3A_388 : vector<1x16xf32> to vector<16xf32>
          %swap3A_390 = vector.shape_cast %mul3A_381 : vector<16xf32> to vector<1x16xf32>
          tpu.vector_store %arg10[%swap3A_386, %swap3A_387], %swap3A_390 {strides = array<i32>} : memref<160x128xf32, #tpu.memory_space<vmem>>, vector<1x16xf32>,
          %get3A_391 = arith.constant 1 : i32
          %get3A_392 = arith.index_cast %get3A_391 : i32 to index
          %get3A_393 = arith.constant 48 : index
          %get3A_394 = tpu.vector_load %arg5[%get3A_392, %get3A_393] {strides = array<i32>} : memref<2x64xf32, #tpu.memory_space<vmem>>, vector<1x16xf32>,
          %get3A_395 = vector.shape_cast %get3A_394 : vector<1x16xf32> to vector<16xf32>
          %add3A_396 = arith.addf %get3A_372, %get3A_395 : vector<16xf32>
          %mul3A_397 = arith.constant 8.000000e+00 : f32
          %mul3A_398 = vector.broadcast %mul3A_397 : f32 to vector<16xf32>
          %mul3A_399 = arith.mulf %add3A_396, %mul3A_398 : vector<16xf32>
          %mul3A_400 = arith.constant 2 : i32
          %mul3A_401 = arith.muli %scan3A_90, %mul3A_400 : i32
          %add3A_402 = arith.constant 1 : i32
          %add3A_403 = arith.addi %mul3A_401, %add3A_402 : i32
          %swap3A_404 = arith.index_cast %add3A_403 : i32 to index
          %swap3A_405 = arith.constant 48 : index
          %swap3A_406 = tpu.vector_load %arg11[%swap3A_404, %swap3A_405] {strides = array<i32>} : memref<160x128xf32, #tpu.memory_space<vmem>>, vector<1x16xf32>,
          %swap3A_407 = vector.shape_cast %swap3A_406 : vector<1x16xf32> to vector<16xf32>
          %swap3A_408 = vector.shape_cast %mul3A_399 : vector<16xf32> to vector<1x16xf32>
          tpu.vector_store %arg11[%swap3A_404, %swap3A_405], %swap3A_408 {strides = array<i32>} : memref<160x128xf32, #tpu.memory_space<vmem>>, vector<1x16xf32>,
        }
        %scan3A_75 = arith.constant 80 : i32
        %mul3A_76 = arith.constant 160 : i32
        %mul3A_77 = arith.muli %add3A_48, %mul3A_76 : i32
        %multiple_of3A = tpu.assume_multiple %mul3A_77, 8 : i32
        %dma_start3A = arith.constant 0 : i32
        %dma_start3A_78 = tpu.memref_slice %arg4[%multiple_of3A, %dma_start3A] : memref<200000x128xf32, #tpu.memory_space<hbm>> -> memref<160x128xf32, #tpu.memory_space<hbm>>
        %dma_start3A_79 = arith.constant 0 : i32
        %dma_start3A_80 = tpu.memref_slice %arg4[%multiple_of3A, %dma_start3A_79] : memref<200000x128xf32, #tpu.memory_space<hbm>> -> memref<160x128xf32, #tpu.memory_space<hbm>>
        tpu.enqueue_dma source(%arg10 : memref<160x128xf32, #tpu.memory_space<vmem>>) target(%dma_start3A_80 : memref<160x128xf32, #tpu.memory_space<hbm>>) target_semaphore(%arg15 : memref<!tpu.dma_semaphore, #tpu.memory_space<semaphore_mem>>)
        %mul3A_81 = arith.constant 160 : i32
        %mul3A_82 = arith.muli %add3A_48, %mul3A_81 : i32
        %add3A_83 = arith.constant 100000 : i32
        %add3A_84 = arith.addi %add3A_83, %mul3A_82 : i32
        %multiple_of3A_85 = tpu.assume_multiple %add3A_84, 8 : i32
        %dma_start3A_86 = arith.constant 0 : i32
        %dma_start3A_87 = tpu.memref_slice %arg4[%multiple_of3A_85, %dma_start3A_86] : memref<200000x128xf32, #tpu.memory_space<hbm>> -> memref<160x128xf32, #tpu.memory_space<hbm>>
        %dma_start3A_88 = arith.constant 0 : i32
        %dma_start3A_89 = tpu.memref_slice %arg4[%multiple_of3A_85, %dma_start3A_88] : memref<200000x128xf32, #tpu.memory_space<hbm>> -> memref<160x128xf32, #tpu.memory_space<hbm>>
        tpu.enqueue_dma source(%arg11 : memref<160x128xf32, #tpu.memory_space<vmem>>) target(%dma_start3A_89 : memref<160x128xf32, #tpu.memory_space<hbm>>) target_semaphore(%arg15 : memref<!tpu.dma_semaphore, #tpu.memory_space<semaphore_mem>>)
      } else {
      }
    }
    %scan3A_7 = arith.constant 10 : i32
    %add3A_8 = arith.constant 576 : i32
    %add3A_9 = arith.addi %add3A_8, %add3A : i32
    %lt3A_10 = arith.constant 625 : i32
    %lt3A_11 = arith.cmpi slt, %add3A_9, %lt3A_10 : i32
    %convert_element_type3A_12 = arith.extui %lt3A_11 : i1 to i32
    %cond3A_13 = arith.constant 0 : i32
    %cond3A_14 = arith.cmpi ne, %convert_element_type3A_12, %cond3A_13 : i32
    scf.if %cond3A_14 {
      %dma_wait3A = arith.constant 0 : i32
      %dma_wait3A_22 = arith.constant 0 : i32
      %dma_wait3A_23 = tpu.memref_slice %arg4[%dma_wait3A, %dma_wait3A_22] : memref<200000x128xf32, #tpu.memory_space<hbm>> -> memref<160x128xf32, #tpu.memory_space<hbm>>
      %dma_wait3A_24 = arith.constant 0 : i32
      %dma_wait3A_25 = arith.constant 0 : i32
      %dma_wait3A_26 = tpu.memref_slice %arg4[%dma_wait3A_24, %dma_wait3A_25] : memref<200000x128xf32, #tpu.memory_space<hbm>> -> memref<160x128xf32, #tpu.memory_space<hbm>>
      tpu.wait_dma2 semaphore(%arg14 : memref<!tpu.dma_semaphore, #tpu.memory_space<semaphore_mem>>) src(%arg8 : memref<160x128xf32, #tpu.memory_space<vmem>>) dst(%dma_wait3A_26 : memref<160x128xf32, #tpu.memory_space<hbm>>)
      %dma_wait3A_27 = arith.constant 0 : i32
      %dma_wait3A_28 = arith.constant 0 : i32
      %dma_wait3A_29 = tpu.memref_slice %arg4[%dma_wait3A_27, %dma_wait3A_28] : memref<200000x128xf32, #tpu.memory_space<hbm>> -> memref<160x128xf32, #tpu.memory_space<hbm>>
      %dma_wait3A_30 = arith.constant 0 : i32
      %dma_wait3A_31 = arith.constant 0 : i32
      %dma_wait3A_32 = tpu.memref_slice %arg4[%dma_wait3A_30, %dma_wait3A_31] : memref<200000x128xf32, #tpu.memory_space<hbm>> -> memref<160x128xf32, #tpu.memory_space<hbm>>
      tpu.wait_dma2 semaphore(%arg14 : memref<!tpu.dma_semaphore, #tpu.memory_space<semaphore_mem>>) src(%arg9 : memref<160x128xf32, #tpu.memory_space<vmem>>) dst(%dma_wait3A_32 : memref<160x128xf32, #tpu.memory_space<hbm>>)
    } else {
    }
    %add3A_15 = arith.constant 608 : i32
    %add3A_16 = arith.addi %add3A_15, %add3A : i32
    %lt3A_17 = arith.constant 625 : i32
    %lt3A_18 = arith.cmpi slt, %add3A_16, %lt3A_17 : i32
    %convert_element_type3A_19 = arith.extui %lt3A_18 : i1 to i32
    %cond3A_20 = arith.constant 0 : i32
    %cond3A_21 = arith.cmpi ne, %convert_element_type3A_19, %cond3A_20 : i32
    scf.if %cond3A_21 {
      %dma_wait3A = arith.constant 0 : i32
      %dma_wait3A_22 = arith.constant 0 : i32
      %dma_wait3A_23 = tpu.memref_slice %arg4[%dma_wait3A, %dma_wait3A_22] : memref<200000x128xf32, #tpu.memory_space<hbm>> -> memref<160x128xf32, #tpu.memory_space<hbm>>
      %dma_wait3A_24 = arith.constant 0 : i32
      %dma_wait3A_25 = arith.constant 0 : i32
      %dma_wait3A_26 = tpu.memref_slice %arg4[%dma_wait3A_24, %dma_wait3A_25] : memref<200000x128xf32, #tpu.memory_space<hbm>> -> memref<160x128xf32, #tpu.memory_space<hbm>>
      tpu.wait_dma2 semaphore(%arg15 : memref<!tpu.dma_semaphore, #tpu.memory_space<semaphore_mem>>) src(%arg10 : memref<160x128xf32, #tpu.memory_space<vmem>>) dst(%dma_wait3A_26 : memref<160x128xf32, #tpu.memory_space<hbm>>)
      %dma_wait3A_27 = arith.constant 0 : i32
      %dma_wait3A_28 = arith.constant 0 : i32
      %dma_wait3A_29 = tpu.memref_slice %arg4[%dma_wait3A_27, %dma_wait3A_28] : memref<200000x128xf32, #tpu.memory_space<hbm>> -> memref<160x128xf32, #tpu.memory_space<hbm>>
      %dma_wait3A_30 = arith.constant 0 : i32
      %dma_wait3A_31 = arith.constant 0 : i32
      %dma_wait3A_32 = tpu.memref_slice %arg4[%dma_wait3A_30, %dma_wait3A_31] : memref<200000x128xf32, #tpu.memory_space<hbm>> -> memref<160x128xf32, #tpu.memory_space<hbm>>
      tpu.wait_dma2 semaphore(%arg15 : memref<!tpu.dma_semaphore, #tpu.memory_space<semaphore_mem>>) src(%arg11 : memref<160x128xf32, #tpu.memory_space<vmem>>) dst(%dma_wait3A_32 : memref<160x128xf32, #tpu.memory_space<hbm>>)
    } else {
    }
    return
  }
}

</mosaic_0001>

<sc_bundles>
// kernel: kernel.4.cloned.1.call-start
scs
__scs_entry_jumppad:
0x0: {  	(pc) =	sbr.rel $0x88, $3  }
0x1: {  	(tag) =	ssettag $0x0;
	lr =	simm.s32 $0x1  }
0x2: {  	[smem:$0x3F9D] =	sst lr;
	_ =	strace $0xD0000000  }
0x3: {  	_ = 	snop  }
0x4: {  	_ = 	snop  }
0x5: {  	_ = 	snop  }
0x6: {  	_ = 	snop  }
0x7: {  	_ = 	snop  }
__scs_overlays_trampoline_lowered:
0x8: {  	[smem:$0x3FAC] =	sst s0  }
0x9: {  	[smem:$0x3FAD] =	sst s1  }
0xa: {  	[smem:$0x3FAE] =	sst s2  }
0xb: {  	[smem:$0x3FAF] =	sst s3  }
0xc: {  	[smem:$0x3FB0] =	sst s4  }
0xd: {  	[smem:$0x3FB1] =	sst s5  }
0xe: {  	[smem:$0x3FB2] =	sst s6  }
0xf: {  	[smem:$0x3FB3] =	sst s7  }
0x10: {  	[smem:$0x3FB4] =	sst s8  }
0x11: {  	[smem:$0x3FB5] =	sst s9;
	s0 =	simm.s32 @!p0 $0x0  }
0x12: {  	s1 =	sld [smem:$0x3F9B];
	s0 =	simm.s32 @p0 $0x1  }
0x13: {  	[smem:$0x3FB6] =	sst s0;
	s0 =	simm.s32 @!p1 $0x0  }
0x14: {  	s2 =	sld [smem:$0x3F9A];
	s0 =	simm.s32 @p1 $0x1  }
0x15: {  	[smem:$0x3FB7] =	sst s0;
	s0 =	simm.s32 @!p2 $0x0  }
0x16: {  	s3 =	sld [smem:$0x3FDB];
	s0 =	simm.s32 @p2 $0x1  }
0x17: {  	s4 =	simm.s32 $0x1BF5;
	[smem:$0x3FB9] =	sst s0  }
0x18: {  	s0 =	sld [smem:$0x3F9C];
	_ =	swait.ge [sflag:s4], $0x0  }
0x19: {  	s7 =	sld [smem:$0x3F9D]  }
0x1a: {  	s8 =	sadd.s32 $0xFFFFE003, lr  }
0x1b: {  	s9 =	sadd.s32 $0xFFFFFEF7, lr;
	s5 =	simm.s32 $0xFFFFFFFF;
	p2 =	slt.u32 s8, $0xFFFFF086  }
0x1c: {  	p1 =	slt.u32 s9, $0xF7A;
	s5 =	simm.s32 @!p2 $0x0  }
0x1d: {  	s5 =	simm.s32 @p1 $0x1;
	p0 =	seq.s32 s7, s2  }
0x1e: {  	s7 =	smul.u32 @!p0 $0xF7A, s2;
	p2 =	seq.s32 @!p0 s5, $0x0  }
0x1f: {  	s9 =	smul.u32 $0xF7A, s1;
	s8 =	simm.s32 @!p0 $0x1BF5;
	p2 =	por !p2, p0  }
0x20: {  	[sflag:s8] =	ssyncset.s32 @!p0 $0xFFFFF086;
	s6 =	sadd.s32 @!p0 s3, s7;
	s7 =	simm.s32 @!p0 $0x108  }
0x21: {  	s3 =	sadd.s32 s3, s9;
	s6 =	sadd.s32 @!p0 $0x88, s6;
	s7 =	simm.s32 @p2 $0x1082  }
0x22: {  	[simem:s7], [sflag:s8] =	dma.local @!p0 [hbm:s6], $0xF7A  }
0x23: {  	s9 =	sor.u32 $0xD0000000, s2;
	s6 =	simm.s32 $0x108;
	_ =	swait.ge @!p0 [sflag:s8], $0x0  }
0x24: {  	s3 =	sadd.s32 $0x88, s3;
	s6 =	simm.s32 @!p1 $0x1082;
	[sflag:s4] =	ssyncset.s32 $0xFFFFF086  }
0x25: {  	[simem:s6], [sflag:s4] =	dma.local [hbm:s3], $0xF7A  }
0x26: {  	[smem:$0x3F9D] =	sst s1;
	(tag) =	ssettag s2;
	_ =	strace s9  }
0x27: {  	s1 =	sld [smem:$0x3FAD]  }
0x28: {  	s2 =	sld [smem:$0x3FAE]  }
0x29: {  	s4 =	sld [smem:$0x3FB0]  }
0x2a: {  	p0 =	seq.s32 s5, $0x0;
	s5 =	sld [smem:$0x3FB1]  }
0x2b: {  	s6 =	sld [smem:$0x3FB2]  }
0x2c: {  	s7 =	sld [smem:$0x3FB3]  }
0x2d: {  	s3 =	simm.s32 $0x108;
	s8 =	sld [smem:$0x3FB4]  }
0x2e: {  	s3 =	simm.s32 @!p0 $0x1082;
	s9 =	sld [smem:$0x3FB5]  }
0x2f: {  	lr =	sadd.s32 s0, s3;
	s0 =	sld [smem:$0x3FAC]  }
0x30: {  	s3 =	sld [smem:$0x3FAF]  }
0x31: {  	[smem:$0x3FB8] =	sst s10  }
0x32: {  	s10 =	sld [smem:$0x3FB6];
	_ =	sdelay $0x3  }
0x33: {  	p0 =	seq.s32 s10, $0x1;
	s10 =	sld [smem:$0x3FB8];
	_ =	sdelay $0x3  }
0x34: {  	[smem:$0x3FB8] =	sst s10  }
0x35: {  	s10 =	sld [smem:$0x3FB7];
	_ =	sdelay $0x3  }
0x36: {  	p1 =	seq.s32 s10, $0x1;
	s10 =	sld [smem:$0x3FB8];
	_ =	sdelay $0x3  }
0x37: {  	[smem:$0x3FB8] =	sst s10  }
0x38: {  	s10 =	sld [smem:$0x3FB9]  }
0x39: {  	_ = 	snop;
	(pc) =	sbr.ind lr, $3  }
0x3a: {  	_ = 	snop  }
0x3b: {  	_ = 	snop  }
0x3c: {  	p2 =	seq.s32 s10, $0x1;
	s10 =	sld [smem:$0x3FB8]  }
0x3d: {  	_ =	shalt  }
0x3e: {  	_ =	shalt  }
0x3f: {  	_ =	shalt  }
0x40: {  	_ =	shalt  }
0x41: {  	_ =	shalt  }
0x42: {  	_ =	shalt  }
0x43: {  	_ =	shalt  }
0x44: {  	_ =	shalt  }
0x45: {  	_ =	shalt  }
0x46: {  	_ =	shalt  }
0x47: {  	_ =	shalt  }
0x48: {  	_ =	shalt  }
0x49: {  	_ =	shalt  }
0x4a: {  	_ =	shalt  }
0x4b: {  	_ =	shalt  }
0x4c: {  	_ =	shalt  }
0x4d: {  	_ =	shalt  }
0x4e: {  	_ =	shalt  }
0x4f: {  	_ =	shalt  }
0x50: {  	_ =	shalt  }
0x51: {  	_ =	shalt  }
0x52: {  	_ =	shalt  }
0x53: {  	_ =	shalt  }
0x54: {  	_ =	shalt  }
0x55: {  	_ =	shalt  }
0x56: {  	_ =	shalt  }
0x57: {  	_ =	shalt  }
0x58: {  	_ =	shalt  }
0x59: {  	_ =	shalt  }
0x5a: {  	_ =	shalt  }
0x5b: {  	_ =	shalt  }
0x5c: {  	_ =	shalt  }
0x5d: {  	_ =	shalt  }
0x5e: {  	_ =	shalt  }
0x5f: {  	_ =	shalt  }
0x60: {  	_ =	shalt  }
0x61: {  	_ =	shalt  }
0x62: {  	_ =	shalt  }
0x63: {  	_ =	shalt  }
0x64: {  	_ =	shalt  }
0x65: {  	_ =	shalt  }
0x66: {  	_ =	shalt  }
0x67: {  	_ =	shalt  }
0x68: {  	_ =	shalt  }
0x69: {  	_ =	shalt  }
0x6a: {  	_ =	shalt  }
0x6b: {  	_ =	shalt  }
0x6c: {  	_ =	shalt  }
0x6d: {  	_ =	shalt  }
0x6e: {  	_ =	shalt  }
0x6f: {  	_ =	shalt  }
0x70: {  	_ =	shalt  }
0x71: {  	_ =	shalt  }
0x72: {  	_ =	shalt  }
0x73: {  	_ =	shalt  }
0x74: {  	_ =	shalt  }
0x75: {  	_ =	shalt  }
0x76: {  	_ =	shalt  }
0x77: {  	_ =	shalt  }
0x78: {  	_ =	shalt  }
0x79: {  	_ =	shalt  }
0x7a: {  	_ =	shalt  }
0x7b: {  	_ =	shalt  }
0x7c: {  	_ =	shalt  }
0x7d: {  	_ =	shalt  }
0x7e: {  	_ =	shalt  }
0x7f: {  	_ =	shalt  }
0x80: {  	_ =	shalt  }
0x81: {  	_ =	shalt  }
0x82: {  	_ =	shalt  }
0x83: {  	_ =	shalt  }
0x84: {  	_ =	shalt  }
0x85: {  	_ =	shalt  }
0x86: {  	_ =	shalt  }
0x87: {  	_ =	shalt  }
.Lfunc_end0:
.L_simem_size_0:
called_computation.1_lowered:
.L_overlay_start_0:
0x88: {  	s2 =	sld [smem:$0x3FD9]  }
0x89: {  	s3 =	sld [smem:$0x3FFE];
	_ =	sdelay $0x1  }
0x8a: {  	s1 =	srdreg.scid  }
0x8b: {  	s0 =	sand.u32 $0x1, s1  }
0x8c: {  	s17 =	sshll.u32 s0, $0xA;
	s2 =	sadd.s32 s3, s2  }
0x8d: {  	s2 =	sadd.s32 s2, s17  }
0x8e: {  	[smem:$0x3FC4] =	sst s2  }
0x8f: {  	_ = 	snop  }
0x90: {  	s2 =	sld [smem:$0x3FC6]  }
0x91: {  	s18 =	sld [smem:$0x3FD0];
	(tm) =	ssettm $0x1  }
0x92: {  	s4 =	sld [smem:$0x3FFB];
	_ =	sdelay $0x3  }
0x93: {  	_ =	strace s4  }
0x94: {  	s4 =	sld [smem:$0x3FFC];
	_ =	sdelay $0x3  }
0x95: {  	_ =	strace s4  }
0x96: {  	s4 =	sld [smem:$0x3FFD];
	_ =	sdelay $0x3  }
0x97: {  	_ =	strace s4  }
0x98: {  	_ =	strace $0x8FFFFFFF  }
0x99: {  	s19 =	sld [smem:$0x3FDB];
	_ =	sdelay $0x1  }
0x9a: {  	s5 =	simm.s32 $_scs_section_size  }
0x9b: {  	s6 =	simm.s32 $_size__tile_overlayer_lowered;
	s7 =	simm.s32 $_tile_overlayer_lowered  }
0x9c: {  	s22 =	simm.s32 $0x1BFF;
	s21 =	sshll.u32 s7, $0x1;
	s4 =	sadd.s32 s5, s19  }
0x9d: {  	s8 =	simm.s32 $0x0;
	s20 =	sshll.u32 s6, $0x1;
	s6 =	sadd.s32 s21, s4  }
0x9e: {  	[timem:s8], [sflag:s22] =	dma.local [hbm:s6], s20  }
0x9f: {  	_ =	swait.ge [sflag:s22], s20  }
0xa0: {  	s5 =	ssub.s32 $0x0, s20;
	[sflag:s22] =	ssyncset.done $0x0  }
0xa1: {  	[sflag:s22] =	ssyncadd.s32 s5;
	_ =	sdelay $0x1  }
0xa2: {  	s23 =	simm.s32 $0x1B8B  }
0xa3: {  	_ =	swait.ge [sflag:s23], $0x1  }
0xa4: {  	[sflag:s23] =	ssyncset.done $0x0  }
0xa5: {  	s25 =	simm.s32 $0x1B8E;
	s24 =	sld [smem:$0x3FFE];
	[sflag:s23] =	ssyncadd.s32 $0xFFFFFFFF  }
0xa6: {  	s26 =	simm.s32 $execute0_lowered;
	[smem:$0x3FD2] =	sst s25  }
0xa7: {  	s6 =	sshll.u32 s26, $0x1;
	_ =	strace $0x80000046;
	[dreg:$0x1] =	wrdreg $0xFFFFFFFF  }
0xa8: {  	s28 =	simm.s32 $_size_execute0_lowered;
	s4 =	sadd.s32 s4, s6;
	[dreg:$0x0] =	wrdreg $0x0  }
0xa9: {  	s6 =	sshll.u32 s28, $0x1;
	[dreg:$0x2] =	wrdreg s4  }
0xaa: {  	[dreg:$0x3] =	wrdreg s6  }
0xab: {  	[dreg:$0x4] =	wrdreg $0xC0  }
0xac: {  	_ =	task [dreg:s8], $0x5FFFF  }
0xad: {  	[dreg:$0x1] =	wrdreg $0xFFFFFFFF  }
0xae: {  	[dreg:$0x0] =	wrdreg $0x60  }
0xaf: {  	[dreg:$0x2] =	wrdreg s24  }
0xb0: {  	[dreg:$0x3] =	wrdreg s2  }
0xb1: {  	[dreg:$0x4] =	wrdreg s18  }
0xb2: {  	[dreg:$0x5] =	wrdreg $0x9  }
0xb3: {  	_ =	task.clear_ibuf [dreg:s8], $0x6FFFF;
	_ =	strace $0x90000046  }
0xb4: {  	s29 =	simm.s32 $0x9;
	_ =	strace $0x80000048  }
0xb5: {  	_ =	swait.ge [sflag:s29], $0x1  }
0xb6: {  	[sflag:s29] =	ssyncadd.s32 $0xFFFFFFFF  }
0xb7: {  	_ =	strace $0x90000048  }
0xb8: {  	_ =	sfence  }
0xb9: {  	s30 =	sld [smem:$0x0];
	_ =	sdelay $0x2  }
0xba: {  	s31 =	sshll.u32 s1, $0xD;
	s1 =	sshrl.u32 s1, $0x2  }
0xbb: {  	s3 =	sand.u32 $0x4000, s31;
	s1 =	sadd.s32 s1, s30  }
0xbc: {  	s0 =	sor.u32 s3, s0;
	s1 =	sshll.u32 s1, $0x11  }
0xbd: {  	s0 =	sor.u32 s1, s0  }
0xbe: {  	s0 =	sadd.s32 $0x8F2B, s0  }
0xbf: {  	[sflag:s0] =	ssyncadd.remote.s32 $0x1  }
0xc0: {  	_ =	sfence.sel $0xFFFF  }
0xc1: {  	[dreg:$0x0] =	wrdreg $0xFFFFFFFF;
	(pc) =	sbr.abs _section_cstart, $3  }
0xc2: {  	[dreg:$0x1] =	wrdreg $0xFFFFFFFF  }
0xc3: {  	_ =	task.clear_ibuf [dreg:s8], $0x2FFFF;
	_ =	strace $0x9FFFFFFF  }
0xc4: {  	(tm) =	ssettm $0x7FFFFFFF  }
0xc5: {  	_ =	shalt  }
tec
execute0_lowered:
.L_overlay_start_1:
0x0: {  	(tag) =	ssettag $0x1  }
0x1: {  	s6 =	rddreg [dreg:$0x0]  }
0x2: {  	s2 =	rddreg [dreg:$0x1]  }
0x3: {  	s1 =	srdreg.scid;
	s0 =	stileid.u32  }
0x4: {  	s3 =	rddreg [dreg:$0x2];
	s5 =	simm.s32 $0x0;
	s10 =	simm.s32 $0x100  }
0x5: {  	s11 =	simm.s32 $0x1;
	s12 =	simm.s32 $0x5100;
	s13 =	simm.s32 $0xA100  }
0x6: {  	s14 =	simm.s32 $0x2;
	s15 =	simm.s32 $0xF100;
	s16 =	simm.s32 $0x14100  }
0x7: {  	s17 =	simm.s32 $0x3;
	s18 =	simm.s32 $0x0;
	s7 =	sand.u32 $0x1, s1  }
.Ltmp0:
0x8: {  	s4 =	sshll.u32 s0, $0x1;
	s1 =	rddreg [dreg:$0x3];
	(pc) =	sbr.rel .LBB2_1-.Ltmp0, $4  }
0x9: {  	[smem:$0x7FF] =	sst s5;
	s4 =	sor.u32 s7, s4;
	s7 =	ssub.s32 $0x2, s7  }
0xa: {  	s6 =	sadd.s32 $0x1000, s6;
	s8 =	smul.u32 $0x500, s4;
	s9 =	sshrl.u32 s7, $0x1  }
0xb: {  	_ =	strace $0x80000047;
	p0 =	sgt.u32 s4, $0x10;
	s9 =	ssub.s32 s7, s9  }
0xc: {  	s7 =	sadd.s32 s6, s8;
	s8 =	smax.u32 s9, $0x1;
	s9 =	simm.s32 $0x5  }
.LBB2_11:
0xd: {  	_ =	swait.ge [sflag:s17], $0x5000  }
0xe: {  	[sflag:s17] =	ssyncset.done $0x0  }
0xf: {  	[sflag:s17] =	ssyncadd.s32 $0xFFFFB000  }
0x10: {  	_ =	swait.ge [sflag:s17], $0x5000  }
0x11: {  	[sflag:s17] =	ssyncset.done $0x0  }
0x12: {  	s19 =	simm.s32 @!p0 $0x4;
	s18 =	sadd.s32 $0x1, s18;
	[sflag:s17] =	ssyncadd.s32 $0xFFFFB000  }
0x13: {  	p1 =	sne.s32 s18, s8;
	_ =	swait.ge @!p0 [sflag:s19], $0x5000  }
.Ltmp1:
0x14: {  	[sflag:s19] =	ssyncset.done @!p0 $0x0;
	(pc) =	sbr.rel @!p1 .LBB2_12-.Ltmp1, $4  }
0x15: {  	[sflag:s19] =	ssyncadd.s32 @!p0 $0xFFFFB000  }
0x16: {  	_ =	swait.ge @!p0 [sflag:s19], $0x5000  }
0x17: {  	[sflag:s19] =	ssyncset.done @!p0 $0x0  }
0x18: {  	[sflag:s19] =	ssyncadd.s32 @!p0 $0xFFFFB000  }
.LBB2_1:
0x19: {  	[tilespmem:s5], [sflag:$0x5] =	stream.linear.gather [hbm4b:s2+s5], $0x100, $0x38;
	[tilespmem:$0x19100] =	vst v63  }
.Ltmp2:
0x1a: {  	_ = 	snop;
	(pc) =	sbr.rel .LBB2_2-.Ltmp2, $4  }
0x1b: {  	_ =	swait.ge [sflag:s9], $0x100  }
0x1c: {  	[sflag:s9] =	ssyncset.done $0x0  }
0x1d: {  	s19 =	simm.s32 $0x0;
	[sflag:s9] =	ssyncadd.s32 $0xFFFFFF00  }
0x1e: {  	[tilespmem:s10], [sflag:$0x1] =	stream.linear.gather [hbm4b:s7+s5], $0x2800, $0x38;
	[tilespmem:$0x19100] =	vst v63  }
.LBB2_10:
0x1f: {  	s19 =	sadd.s32 $0x1, s19  }
0x20: {  	p1 =	sne.s32 s19, $0xA  }
.Ltmp3:
0x21: {  	_ = 	snop;
	(pc) =	sbr.rel @!p1 .LBB2_11-.Ltmp3, $1  }
0x22: {  	_ =	sdelay $0x3  }
.LBB2_2:
0x23: {  	s20 =	sshll.u32 s19, $0x6  }
0x24: {  	s21 =	sor.u32 s4, s20  }
0x25: {  	s20 =	sor.u32 $0x20, s21  }
0x26: {  	p2 =	sgt.u32 s20, $0x270  }
0x27: {  	s22 =	smul.u32 @!p2 $0x500, s20;
	_ =	sdelay $0x1  }
0x28: {  	s23 =	simm.s32 @!p2 $0x0;
	s24 =	simm.s32 @!p2 $0x2900;
	s22 =	sadd.s32 @!p2 s6, s22  }
0x29: {  	[tilespmem:s24], [sflag:$0x2] =	stream.linear.gather @!p2 [hbm4b:s22+s23], $0x2800, $0x38;
	[tilespmem:$0x19100] =	vst v63  }
0x2a: {  	_ =	swait.ge [sflag:s11], $0x2800  }
0x2b: {  	p1 =	seq.s32 s19, $0x0;
	[sflag:s11] =	ssyncset.done $0x0  }
0x2c: {  	s22 =	simm.s32 @!p1 $0x3;
	[sflag:s11] =	ssyncadd.s32 $0xFFFFD800  }
0x2d: {  	_ =	swait.ge @!p1 [sflag:s22], $0x5000  }
0x2e: {  	[sflag:s22] =	ssyncset.done @!p1 $0x0  }
0x2f: {  	[sflag:s22] =	ssyncadd.s32 @!p1 $0xFFFFB000  }
0x30: {  	_ =	swait.ge @!p1 [sflag:s22], $0x5000  }
0x31: {  	[sflag:s22] =	ssyncset.done @!p1 $0x0  }
0x32: {  	[sflag:s22] =	ssyncadd.s32 @!p1 $0xFFFFB000;
	s22 =	simm.s32 $0x140  }
0x33: {  	v0 =	vld [tilespmem:s22+$0xFFFFFFC0]  }
0x34: {  	v1 =	vld [tilespmem:$0x0];
	_ =	sdelay $0x4  }
0x35: {  	v1 =	vadd.f32 v1, v0;
	_ =	sdelay $0x1  }
0x36: {  	v1 =	vmul.f32 $8.000000000e+00, v1  }
0x37: {  	s23 =	simm.s32 $0xB0  }
0x38: {  	[tilespmem:s23+$0x5050] =	vst v1  }
0x39: {  	v1 =	vld [tilespmem:$0x80];
	_ =	sdelay $0x4  }
0x3a: {  	v0 =	vadd.f32 v1, v0;
	_ =	sdelay $0x1  }
0x3b: {  	v0 =	vmul.f32 $8.000000000e+00, v0;
	_ =	sdelay $0x1  }
0x3c: {  	[tilespmem:s23+$0xA050] =	vst v0  }
0x3d: {  	v0 =	vld [tilespmem:$0x10]  }
0x3e: {  	v1 =	vld [tilespmem:s22+$0xFFFFFFD0];
	_ =	sdelay $0x4  }
0x3f: {  	v0 =	vadd.f32 v0, v1;
	_ =	sdelay $0x1  }
0x40: {  	v0 =	vmul.f32 $8.000000000e+00, v0;
	_ =	sdelay $0x1  }
0x41: {  	[tilespmem:s23+$0x5060] =	vst v0  }
0x42: {  	v0 =	vld [tilespmem:$0x90];
	_ =	sdelay $0x4  }
0x43: {  	v0 =	vadd.f32 v0, v1;
	_ =	sdelay $0x1  }
0x44: {  	v0 =	vmul.f32 $8.000000000e+00, v0;
	_ =	sdelay $0x1  }
0x45: {  	[tilespmem:s23+$0xA060] =	vst v0  }
0x46: {  	v0 =	vld [tilespmem:s22+$0xFFFFFFE0]  }
0x47: {  	v1 =	vld [tilespmem:$0x20];
	_ =	sdelay $0x4  }
0x48: {  	v1 =	vadd.f32 v1, v0;
	_ =	sdelay $0x1  }
0x49: {  	v1 =	vmul.f32 $8.000000000e+00, v1;
	_ =	sdelay $0x1  }
0x4a: {  	[tilespmem:s23+$0x5070] =	vst v1  }
0x4b: {  	v1 =	vld [tilespmem:$0xA0];
	_ =	sdelay $0x4  }
0x4c: {  	v0 =	vadd.f32 v1, v0;
	_ =	sdelay $0x1  }
0x4d: {  	v0 =	vmul.f32 $8.000000000e+00, v0;
	_ =	sdelay $0x1  }
0x4e: {  	[tilespmem:s23+$0xA070] =	vst v0  }
0x4f: {  	v0 =	vld [tilespmem:s22+$0xFFFFFFF0]  }
0x50: {  	v1 =	vld [tilespmem:$0x30];
	_ =	sdelay $0x4  }
0x51: {  	v1 =	vadd.f32 v1, v0;
	_ =	sdelay $0x1  }
0x52: {  	v1 =	vmul.f32 $8.000000000e+00, v1;
	_ =	sdelay $0x1  }
0x53: {  	[tilespmem:s23+$0x5080] =	vst v1  }
0x54: {  	v1 =	vld [tilespmem:$0xB0];
	_ =	sdelay $0x4  }
0x55: {  	v0 =	vadd.f32 v1, v0;
	_ =	sdelay $0x1  }
0x56: {  	v0 =	vmul.f32 $8.000000000e+00, v0;
	_ =	sdelay $0x1  }
0x57: {  	[tilespmem:s23+$0xA080] =	vst v0  }
0x58: {  	v0 =	vld [tilespmem:s22+$0x0]  }
0x59: {  	v1 =	vld [tilespmem:$0x0];
	_ =	sdelay $0x4  }
0x5a: {  	v1 =	vadd.f32 v1, v0;
	_ =	sdelay $0x1  }
0x5b: {  	v1 =	vmul.f32 $8.000000000e+00, v1;
	_ =	sdelay $0x1  }
0x5c: {  	[tilespmem:s23+$0x50D0] =	vst v1  }
0x5d: {  	v1 =	vld [tilespmem:$0x80];
	_ =	sdelay $0x4  }
0x5e: {  	v0 =	vadd.f32 v1, v0;
	_ =	sdelay $0x1  }
0x5f: {  	v0 =	vmul.f32 $8.000000000e+00, v0;
	_ =	sdelay $0x1  }
0x60: {  	[tilespmem:s23+$0xA0D0] =	vst v0  }
0x61: {  	v0 =	vld [tilespmem:s22+$0x10]  }
0x62: {  	v1 =	vld [tilespmem:$0x10];
	_ =	sdelay $0x4  }
0x63: {  	v1 =	vadd.f32 v1, v0;
	_ =	sdelay $0x1  }
0x64: {  	v1 =	vmul.f32 $8.000000000e+00, v1;
	_ =	sdelay $0x1  }
0x65: {  	[tilespmem:s23+$0x50E0] =	vst v1  }
0x66: {  	v1 =	vld [tilespmem:$0x90];
	_ =	sdelay $0x4  }
0x67: {  	v0 =	vadd.f32 v1, v0;
	_ =	sdelay $0x1  }
0x68: {  	v0 =	vmul.f32 $8.000000000e+00, v0;
	_ =	sdelay $0x1  }
0x69: {  	[tilespmem:s23+$0xA0E0] =	vst v0  }
0x6a: {  	v0 =	vld [tilespmem:s22+$0x20]  }
0x6b: {  	v1 =	vld [tilespmem:$0x20];
	_ =	sdelay $0x4  }
0x6c: {  	v1 =	vadd.f32 v1, v0;
	_ =	sdelay $0x1  }
0x6d: {  	v1 =	vmul.f32 $8.000000000e+00, v1;
	_ =	sdelay $0x1  }
0x6e: {  	[tilespmem:s23+$0x50F0] =	vst v1  }
0x6f: {  	v1 =	vld [tilespmem:$0xA0];
	_ =	sdelay $0x4  }
0x70: {  	v0 =	vadd.f32 v1, v0;
	_ =	sdelay $0x1  }
0x71: {  	v0 =	vmul.f32 $8.000000000e+00, v0;
	_ =	sdelay $0x1  }
0x72: {  	[tilespmem:s23+$0xA0F0] =	vst v0  }
0x73: {  	v0 =	vld [tilespmem:s22+$0x30]  }
0x74: {  	v1 =	vld [tilespmem:$0x30];
	_ =	sdelay $0x4  }
0x75: {  	v1 =	vadd.f32 v1, v0;
	_ =	sdelay $0x1  }
0x76: {  	v1 =	vmul.f32 $8.000000000e+00, v1;
	_ =	sdelay $0x1  }
0x77: {  	[tilespmem:s23+$0x5100] =	vst v1  }
0x78: {  	s24 =	simm.s32 $0x6C0;
	v1 =	vld [tilespmem:$0xB0]  }
.LBB2_3:
0x79: {  	p3 =	sne.s32 s24, $0x13EC0  }
0x7a: {  	s22 =	sadd.s32 $0x80, s22;
	s25 =	smov.u32 s24;
	s24 =	sadd.s32 $0x400, s24  }
0x7b: {  	_ =	sdelay $0x1  }
0x7c: {  	v0 =	vadd.f32 v1, v0;
	_ =	sdelay $0x1  }
0x7d: {  	v0 =	vmul.f32 $8.000000000e+00, v0;
	_ =	sdelay $0x1  }
0x7e: {  	[tilespmem:s23+$0xA100] =	vst v0  }
0x7f: {  	v0 =	vld [tilespmem:s22+$0xFFFFFFC0]  }
0x80: {  	v1 =	vld [tilespmem:$0x0];
	_ =	sdelay $0x4  }
0x81: {  	v1 =	vadd.f32 v1, v0;
	_ =	sdelay $0x1  }
0x82: {  	v1 =	vmul.f32 $8.000000000e+00, v1  }
0x83: {  	s23 =	sshra.s32 s25, $0x2  }
0x84: {  	[tilespmem:s23+$0x5050] =	vst v1  }
0x85: {  	v1 =	vld [tilespmem:$0x80];
	_ =	sdelay $0x4  }
0x86: {  	v0 =	vadd.f32 v1, v0;
	_ =	sdelay $0x1  }
0x87: {  	v0 =	vmul.f32 $8.000000000e+00, v0;
	_ =	sdelay $0x1  }
0x88: {  	[tilespmem:s23+$0xA050] =	vst v0  }
0x89: {  	v0 =	vld [tilespmem:$0x10]  }
0x8a: {  	v1 =	vld [tilespmem:s22+$0xFFFFFFD0];
	_ =	sdelay $0x4  }
0x8b: {  	v0 =	vadd.f32 v0, v1;
	_ =	sdelay $0x1  }
0x8c: {  	v0 =	vmul.f32 $8.000000000e+00, v0;
	_ =	sdelay $0x1  }
0x8d: {  	[tilespmem:s23+$0x5060] =	vst v0  }
0x8e: {  	v0 =	vld [tilespmem:$0x90];
	_ =	sdelay $0x4  }
0x8f: {  	v0 =	vadd.f32 v0, v1;
	_ =	sdelay $0x1  }
0x90: {  	v0 =	vmul.f32 $8.000000000e+00, v0;
	_ =	sdelay $0x1  }
0x91: {  	[tilespmem:s23+$0xA060] =	vst v0  }
0x92: {  	v0 =	vld [tilespmem:s22+$0xFFFFFFE0]  }
0x93: {  	v1 =	vld [tilespmem:$0x20];
	_ =	sdelay $0x4  }
0x94: {  	v1 =	vadd.f32 v1, v0;
	_ =	sdelay $0x1  }
0x95: {  	v1 =	vmul.f32 $8.000000000e+00, v1;
	_ =	sdelay $0x1  }
0x96: {  	[tilespmem:s23+$0x5070] =	vst v1  }
0x97: {  	v1 =	vld [tilespmem:$0xA0];
	_ =	sdelay $0x4  }
0x98: {  	v0 =	vadd.f32 v1, v0;
	_ =	sdelay $0x1  }
0x99: {  	v0 =	vmul.f32 $8.000000000e+00, v0;
	_ =	sdelay $0x1  }
0x9a: {  	[tilespmem:s23+$0xA070] =	vst v0  }
0x9b: {  	v0 =	vld [tilespmem:s22+$0xFFFFFFF0]  }
0x9c: {  	v1 =	vld [tilespmem:$0x30];
	_ =	sdelay $0x4  }
0x9d: {  	v1 =	vadd.f32 v1, v0;
	_ =	sdelay $0x1  }
0x9e: {  	v1 =	vmul.f32 $8.000000000e+00, v1;
	_ =	sdelay $0x1  }
0x9f: {  	[tilespmem:s23+$0x5080] =	vst v1  }
0xa0: {  	v1 =	vld [tilespmem:$0xB0];
	_ =	sdelay $0x4  }
0xa1: {  	v0 =	vadd.f32 v1, v0;
	_ =	sdelay $0x1  }
0xa2: {  	v0 =	vmul.f32 $8.000000000e+00, v0;
	_ =	sdelay $0x1  }
0xa3: {  	[tilespmem:s23+$0xA080] =	vst v0  }
0xa4: {  	v0 =	vld [tilespmem:s22+$0x0]  }
0xa5: {  	v1 =	vld [tilespmem:$0x0];
	_ =	sdelay $0x4  }
0xa6: {  	v1 =	vadd.f32 v1, v0;
	_ =	sdelay $0x1  }
0xa7: {  	v1 =	vmul.f32 $8.000000000e+00, v1;
	_ =	sdelay $0x1  }
0xa8: {  	[tilespmem:s23+$0x50D0] =	vst v1  }
0xa9: {  	v1 =	vld [tilespmem:$0x80];
	_ =	sdelay $0x4  }
0xaa: {  	v0 =	vadd.f32 v1, v0;
	_ =	sdelay $0x1  }
0xab: {  	v0 =	vmul.f32 $8.000000000e+00, v0;
	_ =	sdelay $0x1  }
0xac: {  	[tilespmem:s23+$0xA0D0] =	vst v0  }
0xad: {  	v0 =	vld [tilespmem:s22+$0x10]  }
0xae: {  	v1 =	vld [tilespmem:$0x10];
	_ =	sdelay $0x4  }
0xaf: {  	v1 =	vadd.f32 v1, v0;
	_ =	sdelay $0x1  }
0xb0: {  	v1 =	vmul.f32 $8.000000000e+00, v1;
	_ =	sdelay $0x1  }
0xb1: {  	[tilespmem:s23+$0x50E0] =	vst v1  }
0xb2: {  	v1 =	vld [tilespmem:$0x90];
	_ =	sdelay $0x4  }
0xb3: {  	v0 =	vadd.f32 v1, v0;
	_ =	sdelay $0x1  }
0xb4: {  	v0 =	vmul.f32 $8.000000000e+00, v0;
	_ =	sdelay $0x1  }
0xb5: {  	[tilespmem:s23+$0xA0E0] =	vst v0  }
0xb6: {  	v0 =	vld [tilespmem:s22+$0x20]  }
0xb7: {  	v1 =	vld [tilespmem:$0x20];
	_ =	sdelay $0x4  }
0xb8: {  	v1 =	vadd.f32 v1, v0;
	_ =	sdelay $0x1  }
0xb9: {  	v1 =	vmul.f32 $8.000000000e+00, v1;
	_ =	sdelay $0x1  }
0xba: {  	[tilespmem:s23+$0x50F0] =	vst v1  }
0xbb: {  	v1 =	vld [tilespmem:$0xA0];
	_ =	sdelay $0x4  }
0xbc: {  	v0 =	vadd.f32 v1, v0;
	_ =	sdelay $0x1  }
0xbd: {  	v0 =	vmul.f32 $8.000000000e+00, v0;
	_ =	sdelay $0x1  }
0xbe: {  	[tilespmem:s23+$0xA0F0] =	vst v0  }
0xbf: {  	v0 =	vld [tilespmem:s22+$0x30]  }
0xc0: {  	v1 =	vld [tilespmem:$0x30];
	_ =	sdelay $0x4  }
0xc1: {  	v1 =	vadd.f32 v1, v0  }
.Ltmp4:
0xc2: {  	(pc) =	sbr.rel @p3 .LBB2_3-.Ltmp4, $3  }
0xc3: {  	v1 =	vmul.f32 $8.000000000e+00, v1;
	_ =	sdelay $0x1  }
0xc4: {  	[tilespmem:s23+$0x5100] =	vst v1  }
0xc5: {  	v1 =	vld [tilespmem:$0xB0]  }
0xc6: {  	_ =	sdelay $0x3  }
0xc7: {  	v0 =	vadd.f32 v1, v0  }
0xc8: {  	s22 =	smul.u32 $0xA00, s21  }
0xc9: {  	s30 =	smul.u32 $0x5000, s21;
	v0 =	vmul.f32 $8.000000000e+00, v0  }
0xca: {  	p3 =	sgt.u32 s21, $0x230  }
.Ltmp5:
0xcb: {  	s22 =	sadd.s32 s3, s22;
	s31 =	sshrl.u32 s30, $0x3;
	[tilespmem:s23+$0xA100] =	vst v0;
	(pc) =	sbr.rel @p3 .LBB2_6-.Ltmp5, $4  }
0xcc: {  	[hbm4b:s22+s5] =	stream.linear.scatter [tilespmem:s12], [sflag:$0x3], $0x5000, $0x38;
	[tilespmem:$0x19100] =	vst v63  }
0xcd: {  	s22 =	sadd.s32 s3, s31  }
0xce: {  	s22 =	sadd.s32 $0x186A00, s22  }
0xcf: {  	[hbm4b:s22+s5] =	stream.linear.scatter [tilespmem:s13], [sflag:$0x3], $0x5000, $0x38;
	[tilespmem:$0x19100] =	vst v63  }
0xd0: {  	s21 =	smul.u32 $0x2800, s21  }
.Ltmp6:
0xd1: {  	_ = 	snop;
	(pc) =	sbr.rel .LBB2_7-.Ltmp6, $4  }
0xd2: {  	s21 =	sshrl.u32 s21, $0x3  }
0xd3: {  	s21 =	sadd.s32 s6, s21  }
0xd4: {  	s21 =	sadd.s32 $0x14000, s21  }
0xd5: {  	[tilespmem:s10], [sflag:$0x1] =	stream.linear.gather [hbm4b:s21+s5], $0x2800, $0x38;
	[tilespmem:$0x19100] =	vst v63  }
.LBB2_6:
.Ltmp7:
0xd6: {  	(pc) =	sbr.rel @p2 .LBB2_10-.Ltmp7, $1  }
0xd7: {  	_ =	sdelay $0x3  }
.LBB2_7:
0xd8: {  	_ =	swait.ge [sflag:s14], $0x2800  }
0xd9: {  	[sflag:s14] =	ssyncset.done $0x0  }
0xda: {  	s21 =	simm.s32 @!p1 $0x4;
	[sflag:s14] =	ssyncadd.s32 $0xFFFFD800  }
0xdb: {  	_ =	swait.ge @!p1 [sflag:s21], $0x5000  }
0xdc: {  	[sflag:s21] =	ssyncset.done @!p1 $0x0  }
0xdd: {  	[sflag:s21] =	ssyncadd.s32 @!p1 $0xFFFFB000  }
0xde: {  	_ =	swait.ge @!p1 [sflag:s21], $0x5000  }
0xdf: {  	[sflag:s21] =	ssyncset.done @!p1 $0x0  }
0xe0: {  	[sflag:s21] =	ssyncadd.s32 @!p1 $0xFFFFB000;
	s21 =	simm.s32 $0x2940  }
0xe1: {  	v0 =	vld [tilespmem:s21+$0xFFFFFFC0]  }
0xe2: {  	v1 =	vld [tilespmem:$0x0];
	_ =	sdelay $0x4  }
0xe3: {  	v1 =	vadd.f32 v1, v0;
	_ =	sdelay $0x1  }
0xe4: {  	v1 =	vmul.f32 $8.000000000e+00, v1  }
0xe5: {  	s22 =	simm.s32 $0xB0  }
0xe6: {  	[tilespmem:s22+$0xF050] =	vst v1  }
0xe7: {  	v1 =	vld [tilespmem:$0x80];
	_ =	sdelay $0x4  }
0xe8: {  	v0 =	vadd.f32 v1, v0;
	_ =	sdelay $0x1  }
0xe9: {  	v0 =	vmul.f32 $8.000000000e+00, v0;
	_ =	sdelay $0x1  }
0xea: {  	[tilespmem:s22+$0x14050] =	vst v0  }
0xeb: {  	v0 =	vld [tilespmem:$0x10]  }
0xec: {  	v1 =	vld [tilespmem:s21+$0xFFFFFFD0];
	_ =	sdelay $0x4  }
0xed: {  	v0 =	vadd.f32 v0, v1;
	_ =	sdelay $0x1  }
0xee: {  	v0 =	vmul.f32 $8.000000000e+00, v0;
	_ =	sdelay $0x1  }
0xef: {  	[tilespmem:s22+$0xF060] =	vst v0  }
0xf0: {  	v0 =	vld [tilespmem:$0x90];
	_ =	sdelay $0x4  }
0xf1: {  	v0 =	vadd.f32 v0, v1;
	_ =	sdelay $0x1  }
0xf2: {  	v0 =	vmul.f32 $8.000000000e+00, v0;
	_ =	sdelay $0x1  }
0xf3: {  	[tilespmem:s22+$0x14060] =	vst v0  }
0xf4: {  	v0 =	vld [tilespmem:s21+$0xFFFFFFE0]  }
0xf5: {  	v1 =	vld [tilespmem:$0x20];
	_ =	sdelay $0x4  }
0xf6: {  	v1 =	vadd.f32 v1, v0;
	_ =	sdelay $0x1  }
0xf7: {  	v1 =	vmul.f32 $8.000000000e+00, v1;
	_ =	sdelay $0x1  }
0xf8: {  	[tilespmem:s22+$0xF070] =	vst v1  }
0xf9: {  	v1 =	vld [tilespmem:$0xA0];
	_ =	sdelay $0x4  }
0xfa: {  	v0 =	vadd.f32 v1, v0;
	_ =	sdelay $0x1  }
0xfb: {  	v0 =	vmul.f32 $8.000000000e+00, v0;
	_ =	sdelay $0x1  }
0xfc: {  	[tilespmem:s22+$0x14070] =	vst v0  }
0xfd: {  	v0 =	vld [tilespmem:s21+$0xFFFFFFF0]  }
0xfe: {  	v1 =	vld [tilespmem:$0x30];
	_ =	sdelay $0x4  }
0xff: {  	v1 =	vadd.f32 v1, v0;
	_ =	sdelay $0x1  }
0x100: {  	v1 =	vmul.f32 $8.000000000e+00, v1;
	_ =	sdelay $0x1  }
0x101: {  	[tilespmem:s22+$0xF080] =	vst v1  }
0x102: {  	v1 =	vld [tilespmem:$0xB0];
	_ =	sdelay $0x4  }
0x103: {  	v0 =	vadd.f32 v1, v0;
	_ =	sdelay $0x1  }
0x104: {  	v0 =	vmul.f32 $8.000000000e+00, v0;
	_ =	sdelay $0x1  }
0x105: {  	[tilespmem:s22+$0x14080] =	vst v0  }
0x106: {  	v0 =	vld [tilespmem:s21+$0x0]  }
0x107: {  	v1 =	vld [tilespmem:$0x0];
	_ =	sdelay $0x4  }
0x108: {  	v1 =	vadd.f32 v1, v0;
	_ =	sdelay $0x1  }
0x109: {  	v1 =	vmul.f32 $8.000000000e+00, v1;
	_ =	sdelay $0x1  }
0x10a: {  	[tilespmem:s22+$0xF0D0] =	vst v1  }
0x10b: {  	v1 =	vld [tilespmem:$0x80];
	_ =	sdelay $0x4  }
0x10c: {  	v0 =	vadd.f32 v1, v0;
	_ =	sdelay $0x1  }
0x10d: {  	v0 =	vmul.f32 $8.000000000e+00, v0;
	_ =	sdelay $0x1  }
0x10e: {  	[tilespmem:s22+$0x140D0] =	vst v0  }
0x10f: {  	v0 =	vld [tilespmem:s21+$0x10]  }
0x110: {  	v1 =	vld [tilespmem:$0x10];
	_ =	sdelay $0x4  }
0x111: {  	v1 =	vadd.f32 v1, v0;
	_ =	sdelay $0x1  }
0x112: {  	v1 =	vmul.f32 $8.000000000e+00, v1;
	_ =	sdelay $0x1  }
0x113: {  	[tilespmem:s22+$0xF0E0] =	vst v1  }
0x114: {  	v1 =	vld [tilespmem:$0x90];
	_ =	sdelay $0x4  }
0x115: {  	v0 =	vadd.f32 v1, v0;
	_ =	sdelay $0x1  }
0x116: {  	v0 =	vmul.f32 $8.000000000e+00, v0;
	_ =	sdelay $0x1  }
0x117: {  	[tilespmem:s22+$0x140E0] =	vst v0  }
0x118: {  	v0 =	vld [tilespmem:s21+$0x20]  }
0x119: {  	v1 =	vld [tilespmem:$0x20];
	_ =	sdelay $0x4  }
0x11a: {  	v1 =	vadd.f32 v1, v0;
	_ =	sdelay $0x1  }
0x11b: {  	v1 =	vmul.f32 $8.000000000e+00, v1;
	_ =	sdelay $0x1  }
0x11c: {  	[tilespmem:s22+$0xF0F0] =	vst v1  }
0x11d: {  	v1 =	vld [tilespmem:$0xA0];
	_ =	sdelay $0x4  }
0x11e: {  	v0 =	vadd.f32 v1, v0;
	_ =	sdelay $0x1  }
0x11f: {  	v0 =	vmul.f32 $8.000000000e+00, v0;
	_ =	sdelay $0x1  }
0x120: {  	[tilespmem:s22+$0x140F0] =	vst v0  }
0x121: {  	v0 =	vld [tilespmem:s21+$0x30]  }
0x122: {  	v1 =	vld [tilespmem:$0x30];
	_ =	sdelay $0x4  }
0x123: {  	v1 =	vadd.f32 v1, v0;
	_ =	sdelay $0x1  }
0x124: {  	v1 =	vmul.f32 $8.000000000e+00, v1;
	_ =	sdelay $0x1  }
0x125: {  	[tilespmem:s22+$0xF100] =	vst v1  }
0x126: {  	s23 =	simm.s32 $0x6C0;
	v1 =	vld [tilespmem:$0xB0]  }
.LBB2_8:
0x127: {  	p1 =	sne.s32 s23, $0x13EC0  }
0x128: {  	s21 =	sadd.s32 $0x80, s21;
	s24 =	smov.u32 s23;
	s23 =	sadd.s32 $0x400, s23  }
0x129: {  	_ =	sdelay $0x1  }
0x12a: {  	v0 =	vadd.f32 v1, v0;
	_ =	sdelay $0x1  }
0x12b: {  	v0 =	vmul.f32 $8.000000000e+00, v0;
	_ =	sdelay $0x1  }
0x12c: {  	[tilespmem:s22+$0x14100] =	vst v0  }
0x12d: {  	v0 =	vld [tilespmem:s21+$0xFFFFFFC0]  }
0x12e: {  	v1 =	vld [tilespmem:$0x0];
	_ =	sdelay $0x4  }
0x12f: {  	v1 =	vadd.f32 v1, v0;
	_ =	sdelay $0x1  }
0x130: {  	v1 =	vmul.f32 $8.000000000e+00, v1  }
0x131: {  	s22 =	sshra.s32 s24, $0x2  }
0x132: {  	[tilespmem:s22+$0xF050] =	vst v1  }
0x133: {  	v1 =	vld [tilespmem:$0x80];
	_ =	sdelay $0x4  }
0x134: {  	v0 =	vadd.f32 v1, v0;
	_ =	sdelay $0x1  }
0x135: {  	v0 =	vmul.f32 $8.000000000e+00, v0;
	_ =	sdelay $0x1  }
0x136: {  	[tilespmem:s22+$0x14050] =	vst v0  }
0x137: {  	v0 =	vld [tilespmem:$0x10]  }
0x138: {  	v1 =	vld [tilespmem:s21+$0xFFFFFFD0];
	_ =	sdelay $0x4  }
0x139: {  	v0 =	vadd.f32 v0, v1;
	_ =	sdelay $0x1  }
0x13a: {  	v0 =	vmul.f32 $8.000000000e+00, v0;
	_ =	sdelay $0x1  }
0x13b: {  	[tilespmem:s22+$0xF060] =	vst v0  }
0x13c: {  	v0 =	vld [tilespmem:$0x90];
	_ =	sdelay $0x4  }
0x13d: {  	v0 =	vadd.f32 v0, v1;
	_ =	sdelay $0x1  }
0x13e: {  	v0 =	vmul.f32 $8.000000000e+00, v0;
	_ =	sdelay $0x1  }
0x13f: {  	[tilespmem:s22+$0x14060] =	vst v0  }
0x140: {  	v0 =	vld [tilespmem:s21+$0xFFFFFFE0]  }
0x141: {  	v1 =	vld [tilespmem:$0x20];
	_ =	sdelay $0x4  }
0x142: {  	v1 =	vadd.f32 v1, v0;
	_ =	sdelay $0x1  }
0x143: {  	v1 =	vmul.f32 $8.000000000e+00, v1;
	_ =	sdelay $0x1  }
0x144: {  	[tilespmem:s22+$0xF070] =	vst v1  }
0x145: {  	v1 =	vld [tilespmem:$0xA0];
	_ =	sdelay $0x4  }
0x146: {  	v0 =	vadd.f32 v1, v0;
	_ =	sdelay $0x1  }
0x147: {  	v0 =	vmul.f32 $8.000000000e+00, v0;
	_ =	sdelay $0x1  }
0x148: {  	[tilespmem:s22+$0x14070] =	vst v0  }
0x149: {  	v0 =	vld [tilespmem:s21+$0xFFFFFFF0]  }
0x14a: {  	v1 =	vld [tilespmem:$0x30];
	_ =	sdelay $0x4  }
0x14b: {  	v1 =	vadd.f32 v1, v0;
	_ =	sdelay $0x1  }
0x14c: {  	v1 =	vmul.f32 $8.000000000e+00, v1;
	_ =	sdelay $0x1  }
0x14d: {  	[tilespmem:s22+$0xF080] =	vst v1  }
0x14e: {  	v1 =	vld [tilespmem:$0xB0];
	_ =	sdelay $0x4  }
0x14f: {  	v0 =	vadd.f32 v1, v0;
	_ =	sdelay $0x1  }
0x150: {  	v0 =	vmul.f32 $8.000000000e+00, v0;
	_ =	sdelay $0x1  }
0x151: {  	[tilespmem:s22+$0x14080] =	vst v0  }
0x152: {  	v0 =	vld [tilespmem:s21+$0x0]  }
0x153: {  	v1 =	vld [tilespmem:$0x0];
	_ =	sdelay $0x4  }
0x154: {  	v1 =	vadd.f32 v1, v0;
	_ =	sdelay $0x1  }
0x155: {  	v1 =	vmul.f32 $8.000000000e+00, v1;
	_ =	sdelay $0x1  }
0x156: {  	[tilespmem:s22+$0xF0D0] =	vst v1  }
0x157: {  	v1 =	vld [tilespmem:$0x80];
	_ =	sdelay $0x4  }
0x158: {  	v0 =	vadd.f32 v1, v0;
	_ =	sdelay $0x1  }
0x159: {  	v0 =	vmul.f32 $8.000000000e+00, v0;
	_ =	sdelay $0x1  }
0x15a: {  	[tilespmem:s22+$0x140D0] =	vst v0  }
0x15b: {  	v0 =	vld [tilespmem:s21+$0x10]  }
0x15c: {  	v1 =	vld [tilespmem:$0x10];
	_ =	sdelay $0x4  }
0x15d: {  	v1 =	vadd.f32 v1, v0;
	_ =	sdelay $0x1  }
0x15e: {  	v1 =	vmul.f32 $8.000000000e+00, v1;
	_ =	sdelay $0x1  }
0x15f: {  	[tilespmem:s22+$0xF0E0] =	vst v1  }
0x160: {  	v1 =	vld [tilespmem:$0x90];
	_ =	sdelay $0x4  }
0x161: {  	v0 =	vadd.f32 v1, v0;
	_ =	sdelay $0x1  }
0x162: {  	v0 =	vmul.f32 $8.000000000e+00, v0;
	_ =	sdelay $0x1  }
0x163: {  	[tilespmem:s22+$0x140E0] =	vst v0  }
0x164: {  	v0 =	vld [tilespmem:s21+$0x20]  }
0x165: {  	v1 =	vld [tilespmem:$0x20];
	_ =	sdelay $0x4  }
0x166: {  	v1 =	vadd.f32 v1, v0;
	_ =	sdelay $0x1  }
0x167: {  	v1 =	vmul.f32 $8.000000000e+00, v1;
	_ =	sdelay $0x1  }
0x168: {  	[tilespmem:s22+$0xF0F0] =	vst v1  }
0x169: {  	v1 =	vld [tilespmem:$0xA0];
	_ =	sdelay $0x4  }
0x16a: {  	v0 =	vadd.f32 v1, v0;
	_ =	sdelay $0x1  }
0x16b: {  	v0 =	vmul.f32 $8.000000000e+00, v0;
	_ =	sdelay $0x1  }
0x16c: {  	[tilespmem:s22+$0x140F0] =	vst v0  }
0x16d: {  	v0 =	vld [tilespmem:s21+$0x30]  }
0x16e: {  	v1 =	vld [tilespmem:$0x30];
	_ =	sdelay $0x4  }
0x16f: {  	v1 =	vadd.f32 v1, v0  }
.Ltmp8:
0x170: {  	(pc) =	sbr.rel @p1 .LBB2_8-.Ltmp8, $3  }
0x171: {  	v1 =	vmul.f32 $8.000000000e+00, v1;
	_ =	sdelay $0x1  }
0x172: {  	[tilespmem:s22+$0xF100] =	vst v1  }
0x173: {  	v1 =	vld [tilespmem:$0xB0]  }
0x174: {  	_ =	sdelay $0x3  }
0x175: {  	v0 =	vadd.f32 v1, v0  }
0x176: {  	s31 =	smul.u32 $0x5000, s20  }
0x177: {  	s21 =	smul.u32 $0xA00, s20;
	v0 =	vmul.f32 $8.000000000e+00, v0  }
.Ltmp9:
0x178: {  	s20 =	sshrl.u32 s31, $0x3;
	(pc) =	sbr.rel .LBB2_10-.Ltmp9, $4  }
0x179: {  	s21 =	sadd.s32 s3, s21;
	s20 =	sadd.s32 s3, s20;
	[tilespmem:s22+$0x14100] =	vst v0  }
0x17a: {  	[hbm4b:s21+s5] =	stream.linear.scatter [tilespmem:s15], [sflag:$0x4], $0x5000, $0x38;
	[tilespmem:$0x19100] =	vst v63  }
0x17b: {  	s20 =	sadd.s32 $0x186A00, s20  }
0x17c: {  	[hbm4b:s20+s5] =	stream.linear.scatter [tilespmem:s16], [sflag:$0x4], $0x5000, $0x38;
	[tilespmem:$0x19100] =	vst v63  }
.LBB2_12:
0x17d: {  	_ =	sfence.sel $0x180000  }
0x17e: {  	[bflag:$0x0] =	sbarrier.arrive $0xFFFF  }
0x17f: {  	p0 =	sne.s32 s0, $0x0;
	_ =	strace $0x90000047  }
0x180: {  	s0 =	sadd.s32 @!p0 $0x100000, s1;
	[bflag:$0x2] =	sbarrier.arrive $0xFFFF  }
0x181: {  	[sflag:s0] =	ssyncadd.tile.s32 @!p0 $0x1;
	_ =	shalt  }
.Lfunc_end2:
_tile_overlayer_lowered:
.L_overlay_start_2:
0x182: {  	(tag) =	ssettag $0x2  }
0x183: {  	s0 =	rddreg [dreg:$0x0];
	s2 =	stileid.u32  }
0x184: {  	s1 =	rddreg [dreg:$0x1];
	p0 =	sne.s32 s2, $0x0  }
0x185: {  	s3 =	rddreg [dreg:$0x2];
	[bflag:$0x3] =	sbarrier.arrive $0xFFFF;
	s2 =	simm.s32 @!p0 $0x1C05  }
0x186: {  	[timem:s3], [sflag:s2] =	dma.local @!p0 [hbm:s0], s1  }
0x187: {  	s0 =	simm.s32 @!p0 $0x5  }
0x188: {  	_ =	swait.ge @!p0 [sflag:s0], s1  }
0x189: {  	s1 =	ssub.s32 @!p0 $0x0, s1;
	[sflag:s0] =	ssyncset.done @!p0 $0x0  }
0x18a: {  	[sflag:s0] =	ssyncadd.s32 @!p0 s1  }
0x18b: {  	[bflag:$0x3] =	sbarrier.arrive $0xFFFF  }
0x18c: {  	_ =	shalt  }

// kernel: kernel.7.cloned.1.call-start
scs
__scs_entry_jumppad:
0x0: {  	(pc) =	sbr.rel $0x88, $3  }
0x1: {  	(tag) =	ssettag $0x0;
	lr =	simm.s32 $0x1  }
0x2: {  	[smem:$0x3F9D] =	sst lr;
	_ =	strace $0xD0000000  }
0x3: {  	_ = 	snop  }
0x4: {  	_ = 	snop  }
0x5: {  	_ = 	snop  }
0x6: {  	_ = 	snop  }
0x7: {  	_ = 	snop  }
__scs_overlays_trampoline_lowered:
0x8: {  	[smem:$0x3FAC] =	sst s0  }
0x9: {  	[smem:$0x3FAD] =	sst s1  }
0xa: {  	[smem:$0x3FAE] =	sst s2  }
0xb: {  	[smem:$0x3FAF] =	sst s3  }
0xc: {  	[smem:$0x3FB0] =	sst s4  }
0xd: {  	[smem:$0x3FB1] =	sst s5  }
0xe: {  	[smem:$0x3FB2] =	sst s6  }
0xf: {  	[smem:$0x3FB3] =	sst s7  }
0x10: {  	[smem:$0x3FB4] =	sst s8  }
0x11: {  	[smem:$0x3FB5] =	sst s9;
	s0 =	simm.s32 @!p0 $0x0  }
0x12: {  	s1 =	sld [smem:$0x3F9B];
	s0 =	simm.s32 @p0 $0x1  }
0x13: {  	[smem:$0x3FB6] =	sst s0;
	s0 =	simm.s32 @!p1 $0x0  }
0x14: {  	s2 =	sld [smem:$0x3F9A];
	s0 =	simm.s32 @p1 $0x1  }
0x15: {  	[smem:$0x3FB7] =	sst s0;
	s0 =	simm.s32 @!p2 $0x0  }
0x16: {  	s3 =	sld [smem:$0x3FDB];
	s0 =	simm.s32 @p2 $0x1  }
0x17: {  	s4 =	simm.s32 $0x1BF5;
	[smem:$0x3FB9] =	sst s0  }
0x18: {  	s0 =	sld [smem:$0x3F9C];
	_ =	swait.ge [sflag:s4], $0x0  }
0x19: {  	s7 =	sld [smem:$0x3F9D]  }
0x1a: {  	s8 =	sadd.s32 $0xFFFFE003, lr  }
0x1b: {  	s9 =	sadd.s32 $0xFFFFFEF7, lr;
	s5 =	simm.s32 $0xFFFFFFFF;
	p2 =	slt.u32 s8, $0xFFFFF086  }
0x1c: {  	p1 =	slt.u32 s9, $0xF7A;
	s5 =	simm.s32 @!p2 $0x0  }
0x1d: {  	s5 =	simm.s32 @p1 $0x1;
	p0 =	seq.s32 s7, s2  }
0x1e: {  	s7 =	smul.u32 @!p0 $0xF7A, s2;
	p2 =	seq.s32 @!p0 s5, $0x0  }
0x1f: {  	s9 =	smul.u32 $0xF7A, s1;
	s8 =	simm.s32 @!p0 $0x1BF5;
	p2 =	por !p2, p0  }
0x20: {  	[sflag:s8] =	ssyncset.s32 @!p0 $0xFFFFF086;
	s6 =	sadd.s32 @!p0 s3, s7;
	s7 =	simm.s32 @!p0 $0x108  }
0x21: {  	s3 =	sadd.s32 s3, s9;
	s6 =	sadd.s32 @!p0 $0x88, s6;
	s7 =	simm.s32 @p2 $0x1082  }
0x22: {  	[simem:s7], [sflag:s8] =	dma.local @!p0 [hbm:s6], $0xF7A  }
0x23: {  	s9 =	sor.u32 $0xD0000000, s2;
	s6 =	simm.s32 $0x108;
	_ =	swait.ge @!p0 [sflag:s8], $0x0  }
0x24: {  	s3 =	sadd.s32 $0x88, s3;
	s6 =	simm.s32 @!p1 $0x1082;
	[sflag:s4] =	ssyncset.s32 $0xFFFFF086  }
0x25: {  	[simem:s6], [sflag:s4] =	dma.local [hbm:s3], $0xF7A  }
0x26: {  	[smem:$0x3F9D] =	sst s1;
	(tag) =	ssettag s2;
	_ =	strace s9  }
0x27: {  	s1 =	sld [smem:$0x3FAD]  }
0x28: {  	s2 =	sld [smem:$0x3FAE]  }
0x29: {  	s4 =	sld [smem:$0x3FB0]  }
0x2a: {  	p0 =	seq.s32 s5, $0x0;
	s5 =	sld [smem:$0x3FB1]  }
0x2b: {  	s6 =	sld [smem:$0x3FB2]  }
0x2c: {  	s7 =	sld [smem:$0x3FB3]  }
0x2d: {  	s3 =	simm.s32 $0x108;
	s8 =	sld [smem:$0x3FB4]  }
0x2e: {  	s3 =	simm.s32 @!p0 $0x1082;
	s9 =	sld [smem:$0x3FB5]  }
0x2f: {  	lr =	sadd.s32 s0, s3;
	s0 =	sld [smem:$0x3FAC]  }
0x30: {  	s3 =	sld [smem:$0x3FAF]  }
0x31: {  	[smem:$0x3FB8] =	sst s10  }
0x32: {  	s10 =	sld [smem:$0x3FB6];
	_ =	sdelay $0x3  }
0x33: {  	p0 =	seq.s32 s10, $0x1;
	s10 =	sld [smem:$0x3FB8];
	_ =	sdelay $0x3  }
0x34: {  	[smem:$0x3FB8] =	sst s10  }
0x35: {  	s10 =	sld [smem:$0x3FB7];
	_ =	sdelay $0x3  }
0x36: {  	p1 =	seq.s32 s10, $0x1;
	s10 =	sld [smem:$0x3FB8];
	_ =	sdelay $0x3  }
0x37: {  	[smem:$0x3FB8] =	sst s10  }
0x38: {  	s10 =	sld [smem:$0x3FB9]  }
0x39: {  	_ = 	snop;
	(pc) =	sbr.ind lr, $3  }
0x3a: {  	_ = 	snop  }
0x3b: {  	_ = 	snop  }
0x3c: {  	p2 =	seq.s32 s10, $0x1;
	s10 =	sld [smem:$0x3FB8]  }
0x3d: {  	_ =	shalt  }
0x3e: {  	_ =	shalt  }
0x3f: {  	_ =	shalt  }
0x40: {  	_ =	shalt  }
0x41: {  	_ =	shalt  }
0x42: {  	_ =	shalt  }
0x43: {  	_ =	shalt  }
0x44: {  	_ =	shalt  }
0x45: {  	_ =	shalt  }
0x46: {  	_ =	shalt  }
0x47: {  	_ =	shalt  }
0x48: {  	_ =	shalt  }
0x49: {  	_ =	shalt  }
0x4a: {  	_ =	shalt  }
0x4b: {  	_ =	shalt  }
0x4c: {  	_ =	shalt  }
0x4d: {  	_ =	shalt  }
0x4e: {  	_ =	shalt  }
0x4f: {  	_ =	shalt  }
0x50: {  	_ =	shalt  }
0x51: {  	_ =	shalt  }
0x52: {  	_ =	shalt  }
0x53: {  	_ =	shalt  }
0x54: {  	_ =	shalt  }
0x55: {  	_ =	shalt  }
0x56: {  	_ =	shalt  }
0x57: {  	_ =	shalt  }
0x58: {  	_ =	shalt  }
0x59: {  	_ =	shalt  }
0x5a: {  	_ =	shalt  }
0x5b: {  	_ =	shalt  }
0x5c: {  	_ =	shalt  }
0x5d: {  	_ =	shalt  }
0x5e: {  	_ =	shalt  }
0x5f: {  	_ =	shalt  }
0x60: {  	_ =	shalt  }
0x61: {  	_ =	shalt  }
0x62: {  	_ =	shalt  }
0x63: {  	_ =	shalt  }
0x64: {  	_ =	shalt  }
0x65: {  	_ =	shalt  }
0x66: {  	_ =	shalt  }
0x67: {  	_ =	shalt  }
0x68: {  	_ =	shalt  }
0x69: {  	_ =	shalt  }
0x6a: {  	_ =	shalt  }
0x6b: {  	_ =	shalt  }
0x6c: {  	_ =	shalt  }
0x6d: {  	_ =	shalt  }
0x6e: {  	_ =	shalt  }
0x6f: {  	_ =	shalt  }
0x70: {  	_ =	shalt  }
0x71: {  	_ =	shalt  }
0x72: {  	_ =	shalt  }
0x73: {  	_ =	shalt  }
0x74: {  	_ =	shalt  }
0x75: {  	_ =	shalt  }
0x76: {  	_ =	shalt  }
0x77: {  	_ =	shalt  }
0x78: {  	_ =	shalt  }
0x79: {  	_ =	shalt  }
0x7a: {  	_ =	shalt  }
0x7b: {  	_ =	shalt  }
0x7c: {  	_ =	shalt  }
0x7d: {  	_ =	shalt  }
0x7e: {  	_ =	shalt  }
0x7f: {  	_ =	shalt  }
0x80: {  	_ =	shalt  }
0x81: {  	_ =	shalt  }
0x82: {  	_ =	shalt  }
0x83: {  	_ =	shalt  }
0x84: {  	_ =	shalt  }
0x85: {  	_ =	shalt  }
0x86: {  	_ =	shalt  }
0x87: {  	_ =	shalt  }
.Lfunc_end0:
.L_simem_size_0:
called_computation.2_lowered:
.L_overlay_start_0:
0x88: {  	s2 =	sld [smem:$0x3FD9]  }
0x89: {  	s3 =	sld [smem:$0x3FFE];
	_ =	sdelay $0x1  }
0x8a: {  	s1 =	srdreg.scid  }
0x8b: {  	s0 =	sand.u32 $0x1, s1  }
0x8c: {  	s17 =	sshll.u32 s0, $0xA;
	s2 =	sadd.s32 s3, s2  }
0x8d: {  	s2 =	sadd.s32 s2, s17  }
0x8e: {  	[smem:$0x3FC4] =	sst s2  }
0x8f: {  	_ = 	snop  }
0x90: {  	s2 =	sld [smem:$0x3FD0];
	(tm) =	ssettm $0x1  }
0x91: {  	s18 =	sld [smem:$0x3FFB];
	_ =	sdelay $0x3  }
0x92: {  	_ =	strace s18  }
0x93: {  	s3 =	sld [smem:$0x3FFC];
	_ =	sdelay $0x3  }
0x94: {  	_ =	strace s3  }
0x95: {  	s3 =	sld [smem:$0x3FFD];
	_ =	sdelay $0x3  }
0x96: {  	_ =	strace s3  }
0x97: {  	_ =	strace $0x8FFFFFFF  }
0x98: {  	s19 =	sld [smem:$0x3FDB];
	_ =	sdelay $0x1  }
0x99: {  	s4 =	simm.s32 $_scs_section_size  }
0x9a: {  	s5 =	simm.s32 $_size__tile_overlayer_lowered;
	s6 =	simm.s32 $_tile_overlayer_lowered  }
0x9b: {  	s22 =	simm.s32 $0x1BFF;
	s21 =	sshll.u32 s6, $0x1;
	s3 =	sadd.s32 s4, s19  }
0x9c: {  	s7 =	simm.s32 $0x0;
	s20 =	sshll.u32 s5, $0x1;
	s5 =	sadd.s32 s21, s3  }
0x9d: {  	[timem:s7], [sflag:s22] =	dma.local [hbm:s5], s20  }
0x9e: {  	_ =	swait.ge [sflag:s22], s20  }
0x9f: {  	s4 =	ssub.s32 $0x0, s20;
	[sflag:s22] =	ssyncset.done $0x0  }
0xa0: {  	[sflag:s22] =	ssyncadd.s32 s4;
	_ =	sdelay $0x1  }
0xa1: {  	s23 =	simm.s32 $0x1B8B  }
0xa2: {  	_ =	swait.ge [sflag:s23], $0x1  }
0xa3: {  	[sflag:s23] =	ssyncset.done $0x0  }
0xa4: {  	s25 =	simm.s32 $0x1B8E;
	s24 =	sld [smem:$0x3FFE];
	[sflag:s23] =	ssyncadd.s32 $0xFFFFFFFF  }
0xa5: {  	s26 =	simm.s32 $execute0_lowered;
	[smem:$0x3FD2] =	sst s25  }
0xa6: {  	s5 =	sshll.u32 s26, $0x1;
	_ =	strace $0x80000049;
	[dreg:$0x1] =	wrdreg $0xFFFFFFFF  }
0xa7: {  	s28 =	simm.s32 $_size_execute0_lowered;
	s3 =	sadd.s32 s3, s5;
	[dreg:$0x0] =	wrdreg $0x0  }
0xa8: {  	s5 =	sshll.u32 s28, $0x1;
	[dreg:$0x2] =	wrdreg s3  }
0xa9: {  	[dreg:$0x3] =	wrdreg s5  }
0xaa: {  	[dreg:$0x4] =	wrdreg $0xC0  }
0xab: {  	_ =	task [dreg:s7], $0x5FFFF  }
0xac: {  	[dreg:$0x1] =	wrdreg $0xFFFFFFFF  }
0xad: {  	[dreg:$0x0] =	wrdreg $0x60  }
0xae: {  	[dreg:$0x2] =	wrdreg s24  }
0xaf: {  	[dreg:$0x3] =	wrdreg s2  }
0xb0: {  	[dreg:$0x4] =	wrdreg $0x9  }
0xb1: {  	_ =	task.clear_ibuf [dreg:s7], $0x5FFFF;
	_ =	strace $0x90000049  }
0xb2: {  	s29 =	simm.s32 $0x9;
	_ =	strace $0x8000004B  }
0xb3: {  	_ =	swait.ge [sflag:s29], $0x1  }
0xb4: {  	[sflag:s29] =	ssyncadd.s32 $0xFFFFFFFF  }
0xb5: {  	_ =	strace $0x9000004B  }
0xb6: {  	_ =	sfence  }
0xb7: {  	s30 =	sld [smem:$0x0];
	_ =	sdelay $0x2  }
0xb8: {  	s31 =	sshll.u32 s1, $0xD;
	s1 =	sshrl.u32 s1, $0x2  }
0xb9: {  	s3 =	sand.u32 $0x4000, s31;
	s1 =	sadd.s32 s1, s30  }
0xba: {  	s0 =	sor.u32 s3, s0;
	s1 =	sshll.u32 s1, $0x11  }
0xbb: {  	s0 =	sor.u32 s1, s0  }
0xbc: {  	s0 =	sadd.s32 $0x8F2B, s0  }
0xbd: {  	[sflag:s0] =	ssyncadd.remote.s32 $0x1  }
0xbe: {  	_ =	sfence.sel $0xFFFF  }
0xbf: {  	[dreg:$0x0] =	wrdreg $0xFFFFFFFF;
	(pc) =	sbr.abs _section_cstart, $3  }
0xc0: {  	[dreg:$0x1] =	wrdreg $0xFFFFFFFF  }
0xc1: {  	_ =	task.clear_ibuf [dreg:s7], $0x2FFFF;
	_ =	strace $0x9FFFFFFF  }
0xc2: {  	(tm) =	ssettm $0x7FFFFFFF  }
0xc3: {  	_ =	shalt  }
tec
execute0_lowered:
.L_overlay_start_1:
0x0: {  	(tag) =	ssettag $0x1  }
0x1: {  	s1 =	srdreg.scid;
	s6 =	rddreg [dreg:$0x0]  }
0x2: {  	s0 =	stileid.u32;
	s2 =	rddreg [dreg:$0x1];
	s3 =	simm.s32 $0x0  }
0x3: {  	s10 =	simm.s32 $0x6400;
	s11 =	simm.s32 $0x80;
	s12 =	simm.s32 $0xC800  }
0x4: {  	s13 =	simm.s32 $0x48;
	s14 =	simm.s32 $0x10800;
	s15 =	simm.s32 $0x12C00  }
0x5: {  	s16 =	simm.s32 $0x16C00;
	s17 =	simm.s32 $0x1;
	s18 =	simm.s32 $0x19000  }
0x6: {  	s19 =	simm.s32 $0x3;
	s5 =	sand.u32 $0x1, s1;
	s31 =	sshll.u32 s0, $0x1  }
0x7: {  	s20 =	simm.s32 $0x2;
	s21 =	simm.s32 $0x4;
	s4 =	sor.u32 s5, s31  }
0x8: {  	s22 =	simm.s32 $0x0;
	[smem:$0x7FF] =	sst s3;
	s4 =	smul.u32 $0x6400, s4  }
0x9: {  	s1 =	rddreg [dreg:$0x2];
	_ =	strace $0x8000004A;
	s8 =	ssub.s32 $0x2, s5  }
0xa: {  	s5 =	sadd.s32 $0xDD600, s6;
	s9 =	sshrl.u32 s8, $0x1;
	s7 =	sshrl.u32 s4, $0x3  }
0xb: {  	s8 =	ssub.s32 s8, s9;
	s9 =	simm.s32 $0x5;
	s7 =	sadd.s32 s7, s6  }
0xc: {  	s8 =	smax.u32 s8, $0x1;
	s6 =	sadd.s32 $0xDE400, s6;
	s7 =	sadd.s32 $0xC4600, s7  }
.LBB2_1:
0xd: {  	[tilespmem:s3], [sflag:$0x5] =	stream.linear.gather [hbm4b:s7+s3], $0x6400, $0x38;
	[tilespmem:$0x1F400] =	vst v63  }
0xe: {  	_ =	swait.ge [sflag:s9], $0x6400  }
0xf: {  	[sflag:s9] =	ssyncset.done $0x0  }
0x10: {  	[sflag:s9] =	ssyncadd.s32 $0xFFFF9C00  }
0x11: {  	[tilespmem:s10], [sflag:$0x5] =	stream.linear.gather [hbm4b:s5+s3], $0x6400, $0x38;
	[tilespmem:$0x1F400] =	vst v63  }
0x12: {  	_ =	swait.ge [sflag:s9], $0x6400  }
0x13: {  	[sflag:s9] =	ssyncset.done $0x0  }
0x14: {  	[sflag:s9] =	ssyncadd.s32 $0xFFFF9C00  }
0x15: {  	[tilespmem:s12], [sflag:$0x1] =	stream.indirect.gather [hbm4b:s2+s11], $0x80, s3, s11, $0xb8;
	[tilespmem:$0x1F400] =	vst v63  }
0x16: {  	s24 =	simm.s32 $0x0  }
0x17: {  	[tilespmem:s14], [sflag:$0x1] =	stream.indirect.gather [hbm4b:s2+s13], $0x80, s11, s13, $0xb8;
	[tilespmem:$0x1F400] =	vst v63  }
.LBB2_2:
0x18: {  	p0 =	seq.s32 s24, $0x0  }
0x19: {  	s23 =	simm.s32 @!p0 $0x4  }
0x1a: {  	s25 =	smul.u32 $0x190, s24;
	_ =	swait.ge @!p0 [sflag:s23], $0x6400  }
0x1b: {  	[sflag:s23] =	ssyncset.done @!p0 $0x0  }
0x1c: {  	[sflag:s23] =	ssyncadd.s32 @!p0 $0xFFFF9C00;
	s23 =	sadd.s32 $0xC8, s25  }
0x1d: {  	[tilespmem:s15], [sflag:$0x2] =	stream.indirect.gather [hbm4b:s2+s11], $0x80, s23, s11, $0xb8;
	[tilespmem:$0x1F400] =	vst v63  }
0x1e: {  	s26 =	sadd.s32 $0x148, s25  }
0x1f: {  	[tilespmem:s16], [sflag:$0x2] =	stream.indirect.gather [hbm4b:s2+s13], $0x80, s26, s13, $0xb8;
	[tilespmem:$0x1F400] =	vst v63  }
0x20: {  	_ =	swait.ge [sflag:s17], $0x6400  }
0x21: {  	[sflag:s17] =	ssyncset.done $0x0  }
0x22: {  	s26 =	simm.s32 $0x0;
	[sflag:s17] =	ssyncadd.s32 $0xFFFF9C00  }
0x23: {  	v0 =	vld [tilespmem:s26+$0xCBB0]  }
0x24: {  	v1 =	vld [tilespmem:s26+$0x67B0]  }
0x25: {  	v2 =	vld [tilespmem:s26+$0xC800]  }
0x26: {  	v3 =	vld [tilespmem:s26+$0x6400]  }
0x27: {  	v4 =	vld [tilespmem:s26+$0xC810]  }
0x28: {  	v5 =	vld [tilespmem:s26+$0x6410]  }
0x29: {  	v6 =	vld [tilespmem:s26+$0xC820]  }
0x2a: {  	v7 =	vld [tilespmem:s26+$0xC830];
	v0 =	vadd.f32 v1, v0  }
0x2b: {  	v1 =	vld [tilespmem:s26+$0x6420]  }
0x2c: {  	v2 =	vadd.f32 v3, v2;
	[tilespmem:s26+$0x193B0] =	vst v0;
	v0 =	vld [tilespmem:s26+$0x6430]  }
0x2d: {  	v3 =	vld [tilespmem:s26+$0xC880]  }
0x2e: {  	[tilespmem:s26+$0x19000] =	vst v2;
	v2 =	vadd.f32 v5, v4;
	v4 =	vld [tilespmem:s26+$0x6480]  }
0x2f: {  	v5 =	vld [tilespmem:s26+$0x6490]  }
0x30: {  	[tilespmem:s26+$0x19010] =	vst v2;
	v2 =	vld [tilespmem:s26+$0xC890];
	v1 =	vadd.f32 v1, v6  }
0x31: {  	v6 =	vld [tilespmem:s26+$0x64A0];
	v0 =	vadd.f32 v0, v7  }
0x32: {  	[tilespmem:s26+$0x19020] =	vst v1;
	v1 =	vld [tilespmem:s26+$0xC8A0]  }
0x33: {  	[tilespmem:s26+$0x19030] =	vst v0;
	v0 =	vadd.f32 v4, v3;
	v3 =	vld [tilespmem:s26+$0xC8B0]  }
0x34: {  	v4 =	vld [tilespmem:s26+$0x64B0]  }
0x35: {  	[tilespmem:s26+$0x19080] =	vst v0;
	v0 =	vadd.f32 v5, v2;
	v2 =	vld [tilespmem:s26+$0xC900]  }
0x36: {  	v5 =	vld [tilespmem:s26+$0x6500]  }
0x37: {  	[tilespmem:s26+$0x19090] =	vst v0;
	v0 =	vadd.f32 v6, v1;
	v1 =	vld [tilespmem:s26+$0xC910]  }
0x38: {  	v6 =	vld [tilespmem:s26+$0x6510]  }
0x39: {  	[tilespmem:s26+$0x190A0] =	vst v0;
	v0 =	vadd.f32 v4, v3;
	v3 =	vld [tilespmem:s26+$0xC920]  }
0x3a: {  	v4 =	vld [tilespmem:s26+$0x6520]  }
0x3b: {  	[tilespmem:s26+$0x190B0] =	vst v0;
	v0 =	vadd.f32 v5, v2;
	v2 =	vld [tilespmem:s26+$0xC930]  }
0x3c: {  	v5 =	vld [tilespmem:s26+$0x6530]  }
0x3d: {  	[tilespmem:s26+$0x19100] =	vst v0;
	v0 =	vadd.f32 v6, v1;
	v1 =	vld [tilespmem:s26+$0xC980]  }
0x3e: {  	v6 =	vld [tilespmem:s26+$0x6580]  }
0x3f: {  	[tilespmem:s26+$0x19110] =	vst v0;
	v0 =	vadd.f32 v4, v3;
	v3 =	vld [tilespmem:s26+$0xC990]  }
0x40: {  	v4 =	vld [tilespmem:s26+$0x6590]  }
0x41: {  	[tilespmem:s26+$0x19120] =	vst v0;
	v0 =	vadd.f32 v5, v2;
	v2 =	vld [tilespmem:s26+$0xC9A0]  }
0x42: {  	v5 =	vld [tilespmem:s26+$0x65A0]  }
0x43: {  	[tilespmem:s26+$0x19130] =	vst v0;
	v0 =	vadd.f32 v6, v1;
	v1 =	vld [tilespmem:s26+$0xC9B0]  }
0x44: {  	v6 =	vld [tilespmem:s26+$0x65B0]  }
0x45: {  	[tilespmem:s26+$0x19180] =	vst v0;
	v0 =	vadd.f32 v4, v3;
	v3 =	vld [tilespmem:s26+$0xCA00]  }
0x46: {  	v4 =	vld [tilespmem:s26+$0x6600]  }
0x47: {  	[tilespmem:s26+$0x19190] =	vst v0;
	v0 =	vadd.f32 v5, v2;
	v2 =	vld [tilespmem:s26+$0xCA10]  }
0x48: {  	v5 =	vld [tilespmem:s26+$0x6610]  }
0x49: {  	[tilespmem:s26+$0x191A0] =	vst v0;
	v0 =	vadd.f32 v6, v1;
	v1 =	vld [tilespmem:s26+$0xCA20]  }
0x4a: {  	v6 =	vld [tilespmem:s26+$0x6620]  }
0x4b: {  	[tilespmem:s26+$0x191B0] =	vst v0;
	v0 =	vadd.f32 v4, v3;
	v3 =	vld [tilespmem:s26+$0xCA30]  }
0x4c: {  	v4 =	vld [tilespmem:s26+$0x6630]  }
0x4d: {  	[tilespmem:s26+$0x19200] =	vst v0;
	v0 =	vadd.f32 v5, v2;
	v2 =	vld [tilespmem:s26+$0xCA80]  }
0x4e: {  	v5 =	vld [tilespmem:s26+$0x6680]  }
0x4f: {  	[tilespmem:s26+$0x19210] =	vst v0;
	v0 =	vadd.f32 v6, v1;
	v1 =	vld [tilespmem:s26+$0xCA90]  }
0x50: {  	v6 =	vld [tilespmem:s26+$0x6690]  }
0x51: {  	[tilespmem:s26+$0x19220] =	vst v0;
	v0 =	vadd.f32 v4, v3;
	v3 =	vld [tilespmem:s26+$0xCAA0]  }
0x52: {  	v4 =	vld [tilespmem:s26+$0x66A0]  }
0x53: {  	[tilespmem:s26+$0x19230] =	vst v0;
	v0 =	vadd.f32 v5, v2;
	v2 =	vld [tilespmem:s26+$0xCAB0]  }
0x54: {  	v5 =	vld [tilespmem:s26+$0x66B0]  }
0x55: {  	[tilespmem:s26+$0x19280] =	vst v0;
	v0 =	vadd.f32 v6, v1;
	v1 =	vld [tilespmem:s26+$0xCB00]  }
0x56: {  	v6 =	vld [tilespmem:s26+$0x6700]  }
0x57: {  	[tilespmem:s26+$0x19290] =	vst v0;
	v0 =	vadd.f32 v4, v3;
	v3 =	vld [tilespmem:s26+$0xCB10]  }
0x58: {  	v4 =	vld [tilespmem:s26+$0x6710]  }
0x59: {  	[tilespmem:s26+$0x192A0] =	vst v0;
	v0 =	vadd.f32 v5, v2;
	v2 =	vld [tilespmem:s26+$0xCB20]  }
0x5a: {  	v5 =	vld [tilespmem:s26+$0x6720]  }
0x5b: {  	[tilespmem:s26+$0x192B0] =	vst v0;
	v0 =	vadd.f32 v6, v1;
	v1 =	vld [tilespmem:s26+$0xCB30]  }
0x5c: {  	v6 =	vld [tilespmem:s26+$0x6730]  }
0x5d: {  	v8 =	vld [tilespmem:s26+$0x6780]  }
0x5e: {  	v7 =	vld [tilespmem:s26+$0xCB80];
	[tilespmem:s26+$0x19300] =	vst v0;
	v0 =	vadd.f32 v4, v3  }
0x5f: {  	v3 =	vld [tilespmem:s26+$0x6790]  }
0x60: {  	[tilespmem:s26+$0x19310] =	vst v0;
	v0 =	vadd.f32 v5, v2;
	v2 =	vld [tilespmem:s26+$0xCB90]  }
0x61: {  	v4 =	vld [tilespmem:s26+$0x67A0];
	v5 =	vadd.f32 v6, v1  }
0x62: {  	s29 =	simm.s32 $0x400;
	[tilespmem:s26+$0x19320] =	vst v0;
	v0 =	vld [tilespmem:s26+$0xCBA0]  }
0x63: {  	s28 =	simm.s32 $0x2000;
	v1 =	vld [tilespmem:s29+$0xCBB0];
	[tilespmem:s26+$0x19330] =	vst v5;
	v5 =	vadd.f32 v8, v7  }
.LBB2_3:
0x64: {  	p0 =	sne.s32 s28, $0x18000;
	v6 =	vld [tilespmem:s29+$0x67B0]  }
0x65: {  	v7 =	vld [tilespmem:s29+$0xC800];
	[tilespmem:s26+$0x19380] =	vst v5;
	v2 =	vadd.f32 v3, v2  }
0x66: {  	v3 =	vld [tilespmem:s29+$0x6400]  }
0x67: {  	v5 =	vld [tilespmem:s29+$0xC810];
	[tilespmem:s26+$0x19390] =	vst v2;
	v0 =	vadd.f32 v4, v0  }
0x68: {  	v2 =	vld [tilespmem:s29+$0x6410]  }
0x69: {  	v4 =	vld [tilespmem:s29+$0xC820];
	v1 =	vadd.f32 v6, v1;
	[tilespmem:s26+$0x193A0] =	vst v0;
	s26 =	smov.u32 s29  }
0x6a: {  	v0 =	vld [tilespmem:s26+$0x6420]  }
0x6b: {  	v3 =	vadd.f32 v3, v7;
	v6 =	vld [tilespmem:s26+$0xC830];
	[tilespmem:s26+$0x193B0] =	vst v1  }
0x6c: {  	v1 =	vld [tilespmem:s26+$0x6430]  }
0x6d: {  	[tilespmem:s26+$0x19000] =	vst v3;
	v2 =	vadd.f32 v2, v5;
	v3 =	vld [tilespmem:s26+$0xC880]  }
0x6e: {  	v5 =	vld [tilespmem:s26+$0x6480]  }
0x6f: {  	[tilespmem:s26+$0x19010] =	vst v2;
	v0 =	vadd.f32 v0, v4;
	v2 =	vld [tilespmem:s26+$0xC890]  }
0x70: {  	v4 =	vld [tilespmem:s26+$0x6490]  }
0x71: {  	[tilespmem:s26+$0x19020] =	vst v0;
	v0 =	vadd.f32 v1, v6;
	v1 =	vld [tilespmem:s26+$0xC8A0]  }
0x72: {  	v6 =	vld [tilespmem:s26+$0x64A0]  }
0x73: {  	[tilespmem:s26+$0x19030] =	vst v0;
	v0 =	vadd.f32 v5, v3;
	v3 =	vld [tilespmem:s26+$0xC8B0]  }
0x74: {  	v5 =	vld [tilespmem:s26+$0x64B0]  }
0x75: {  	[tilespmem:s26+$0x19080] =	vst v0;
	v0 =	vadd.f32 v4, v2;
	v2 =	vld [tilespmem:s26+$0xC900]  }
0x76: {  	v4 =	vld [tilespmem:s26+$0x6500]  }
0x77: {  	[tilespmem:s26+$0x19090] =	vst v0;
	v0 =	vadd.f32 v6, v1;
	v1 =	vld [tilespmem:s26+$0xC910]  }
0x78: {  	v6 =	vld [tilespmem:s26+$0x6510]  }
0x79: {  	[tilespmem:s26+$0x190A0] =	vst v0;
	v0 =	vadd.f32 v5, v3;
	v3 =	vld [tilespmem:s26+$0xC920]  }
0x7a: {  	v5 =	vld [tilespmem:s26+$0x6520]  }
0x7b: {  	[tilespmem:s26+$0x190B0] =	vst v0;
	v0 =	vadd.f32 v4, v2;
	v2 =	vld [tilespmem:s26+$0xC930]  }
0x7c: {  	v4 =	vld [tilespmem:s26+$0x6530]  }
0x7d: {  	[tilespmem:s26+$0x19100] =	vst v0;
	v0 =	vadd.f32 v6, v1;
	v1 =	vld [tilespmem:s26+$0xC980]  }
0x7e: {  	v6 =	vld [tilespmem:s26+$0x6580]  }
0x7f: {  	[tilespmem:s26+$0x19110] =	vst v0;
	v0 =	vadd.f32 v5, v3;
	v3 =	vld [tilespmem:s26+$0xC990]  }
0x80: {  	v5 =	vld [tilespmem:s26+$0x6590]  }
0x81: {  	[tilespmem:s26+$0x19120] =	vst v0;
	v0 =	vadd.f32 v4, v2;
	v2 =	vld [tilespmem:s26+$0xC9A0]  }
0x82: {  	v4 =	vld [tilespmem:s26+$0x65A0]  }
0x83: {  	[tilespmem:s26+$0x19130] =	vst v0;
	v0 =	vadd.f32 v6, v1;
	v1 =	vld [tilespmem:s26+$0xC9B0]  }
0x84: {  	v6 =	vld [tilespmem:s26+$0x65B0]  }
0x85: {  	[tilespmem:s26+$0x19180] =	vst v0;
	v0 =	vadd.f32 v5, v3;
	v3 =	vld [tilespmem:s26+$0xCA00]  }
0x86: {  	v5 =	vld [tilespmem:s26+$0x6600]  }
0x87: {  	[tilespmem:s26+$0x19190] =	vst v0;
	v0 =	vadd.f32 v4, v2;
	v2 =	vld [tilespmem:s26+$0xCA10]  }
0x88: {  	v4 =	vld [tilespmem:s26+$0x6610]  }
0x89: {  	[tilespmem:s26+$0x191A0] =	vst v0;
	v0 =	vadd.f32 v6, v1;
	v1 =	vld [tilespmem:s26+$0xCA20]  }
0x8a: {  	v6 =	vld [tilespmem:s26+$0x6620]  }
0x8b: {  	[tilespmem:s26+$0x191B0] =	vst v0;
	v0 =	vadd.f32 v5, v3;
	v3 =	vld [tilespmem:s26+$0xCA30]  }
0x8c: {  	v5 =	vld [tilespmem:s26+$0x6630]  }
0x8d: {  	[tilespmem:s26+$0x19200] =	vst v0;
	v0 =	vadd.f32 v4, v2;
	v2 =	vld [tilespmem:s26+$0xCA80]  }
0x8e: {  	v4 =	vld [tilespmem:s26+$0x6680]  }
0x8f: {  	[tilespmem:s26+$0x19210] =	vst v0;
	v0 =	vadd.f32 v6, v1;
	v1 =	vld [tilespmem:s26+$0xCA90]  }
0x90: {  	v6 =	vld [tilespmem:s26+$0x6690]  }
0x91: {  	[tilespmem:s26+$0x19220] =	vst v0;
	v0 =	vadd.f32 v5, v3;
	v3 =	vld [tilespmem:s26+$0xCAA0]  }
0x92: {  	v5 =	vld [tilespmem:s26+$0x66A0]  }
0x93: {  	[tilespmem:s26+$0x19230] =	vst v0;
	v0 =	vadd.f32 v4, v2;
	v2 =	vld [tilespmem:s26+$0xCAB0]  }
0x94: {  	v4 =	vld [tilespmem:s26+$0x66B0]  }
0x95: {  	[tilespmem:s26+$0x19280] =	vst v0;
	v0 =	vadd.f32 v6, v1;
	v1 =	vld [tilespmem:s26+$0xCB00]  }
0x96: {  	v6 =	vld [tilespmem:s26+$0x6700]  }
0x97: {  	[tilespmem:s26+$0x19290] =	vst v0;
	v0 =	vadd.f32 v5, v3;
	v3 =	vld [tilespmem:s26+$0xCB10]  }
0x98: {  	v5 =	vld [tilespmem:s26+$0x6710]  }
0x99: {  	[tilespmem:s26+$0x192A0] =	vst v0;
	v0 =	vadd.f32 v4, v2;
	v2 =	vld [tilespmem:s26+$0xCB20]  }
0x9a: {  	v4 =	vld [tilespmem:s26+$0x6720]  }
0x9b: {  	[tilespmem:s26+$0x192B0] =	vst v0;
	v0 =	vadd.f32 v6, v1;
	v1 =	vld [tilespmem:s26+$0xCB30]  }
0x9c: {  	v6 =	vld [tilespmem:s26+$0x6730]  }
0x9d: {  	[tilespmem:s26+$0x19300] =	vst v0;
	v0 =	vadd.f32 v5, v3;
	v5 =	vld [tilespmem:s26+$0xCB80]  }
0x9e: {  	v7 =	vld [tilespmem:s26+$0x6780]  }
.Ltmp0:
0x9f: {  	[tilespmem:s26+$0x19310] =	vst v0;
	v0 =	vadd.f32 v4, v2;
	v2 =	vld [tilespmem:s26+$0xCB90];
	(pc) =	sbr.rel @p0 .LBB2_3-.Ltmp0, $4  }
0xa0: {  	v3 =	vld [tilespmem:s26+$0x6790]  }
0xa1: {  	[tilespmem:s26+$0x19320] =	vst v0;
	v6 =	vadd.f32 v6, v1;
	v0 =	vld [tilespmem:s26+$0xCBA0]  }
0xa2: {  	s29 =	sshra.s32 s28, $0x2;
	v4 =	vld [tilespmem:s26+$0x67A0]  }
0xa3: {  	s28 =	sadd.s32 $0x1000, s28;
	v1 =	vld [tilespmem:s29+$0xCBB0];
	[tilespmem:s26+$0x19330] =	vst v6;
	v5 =	vadd.f32 v7, v5  }
0xa4: {  	v6 =	vld [tilespmem:s29+$0x67B0]  }
0xa5: {  	v7 =	vld [tilespmem:s29+$0xC800];
	[tilespmem:s26+$0x19380] =	vst v5;
	v2 =	vadd.f32 v3, v2  }
0xa6: {  	v3 =	vld [tilespmem:s29+$0x6400]  }
0xa7: {  	v5 =	vld [tilespmem:s29+$0xC810];
	[tilespmem:s26+$0x19390] =	vst v2;
	v0 =	vadd.f32 v4, v0  }
0xa8: {  	v2 =	vld [tilespmem:s29+$0x6410]  }
0xa9: {  	v4 =	vld [tilespmem:s29+$0xC820];
	[tilespmem:s26+$0x193A0] =	vst v0  }
0xaa: {  	v0 =	vadd.f32 v6, v1;
	v1 =	vld [tilespmem:s29+$0x6420]  }
0xab: {  	v6 =	vld [tilespmem:s29+$0xC830]  }
0xac: {  	v3 =	vadd.f32 v3, v7;
	[tilespmem:s29+$0x193B0] =	vst v0;
	v0 =	vld [tilespmem:s29+$0x6430]  }
0xad: {  	v7 =	vld [tilespmem:s29+$0x67A0]  }
0xae: {  	[tilespmem:s29+$0x19000] =	vst v3;
	v2 =	vadd.f32 v2, v5;
	v3 =	vld [tilespmem:s29+$0xC880]  }
0xaf: {  	v5 =	vld [tilespmem:s29+$0x6480]  }
0xb0: {  	[tilespmem:s29+$0x19010] =	vst v2;
	v2 =	vld [tilespmem:s29+$0xC890]  }
0xb1: {  	v1 =	vadd.f32 v1, v4;
	v4 =	vld [tilespmem:s29+$0x6490]  }
0xb2: {  	v0 =	vadd.f32 v0, v6;
	v6 =	vld [tilespmem:s29+$0x64A0]  }
0xb3: {  	[tilespmem:s29+$0x19020] =	vst v1;
	v1 =	vld [tilespmem:s29+$0xC8A0]  }
0xb4: {  	[tilespmem:s29+$0x19030] =	vst v0;
	v0 =	vadd.f32 v5, v3;
	v3 =	vld [tilespmem:s29+$0xC8B0]  }
0xb5: {  	v5 =	vld [tilespmem:s29+$0x64B0]  }
0xb6: {  	[tilespmem:s29+$0x19080] =	vst v0;
	v0 =	vadd.f32 v4, v2;
	v2 =	vld [tilespmem:s29+$0xC900]  }
0xb7: {  	v4 =	vld [tilespmem:s29+$0x6500]  }
0xb8: {  	[tilespmem:s29+$0x19090] =	vst v0;
	v0 =	vadd.f32 v6, v1;
	v1 =	vld [tilespmem:s29+$0xC910]  }
0xb9: {  	v6 =	vld [tilespmem:s29+$0x6510]  }
0xba: {  	[tilespmem:s29+$0x190A0] =	vst v0;
	v0 =	vadd.f32 v5, v3;
	v3 =	vld [tilespmem:s29+$0xC920]  }
0xbb: {  	v5 =	vld [tilespmem:s29+$0x6520]  }
0xbc: {  	[tilespmem:s29+$0x190B0] =	vst v0;
	v0 =	vadd.f32 v4, v2;
	v2 =	vld [tilespmem:s29+$0xC930]  }
0xbd: {  	v4 =	vld [tilespmem:s29+$0x6530]  }
0xbe: {  	[tilespmem:s29+$0x19100] =	vst v0;
	v0 =	vadd.f32 v6, v1;
	v1 =	vld [tilespmem:s29+$0xC980]  }
0xbf: {  	v6 =	vld [tilespmem:s29+$0x6580]  }
0xc0: {  	[tilespmem:s29+$0x19110] =	vst v0;
	v0 =	vadd.f32 v5, v3;
	v3 =	vld [tilespmem:s29+$0xC990]  }
0xc1: {  	v5 =	vld [tilespmem:s29+$0x6590]  }
0xc2: {  	[tilespmem:s29+$0x19120] =	vst v0;
	v0 =	vadd.f32 v4, v2;
	v2 =	vld [tilespmem:s29+$0xC9A0]  }
0xc3: {  	v4 =	vld [tilespmem:s29+$0x65A0]  }
0xc4: {  	[tilespmem:s29+$0x19130] =	vst v0;
	v0 =	vadd.f32 v6, v1;
	v1 =	vld [tilespmem:s29+$0xC9B0]  }
0xc5: {  	v6 =	vld [tilespmem:s29+$0x65B0]  }
0xc6: {  	[tilespmem:s29+$0x19180] =	vst v0;
	v0 =	vadd.f32 v5, v3;
	v3 =	vld [tilespmem:s29+$0xCA00]  }
0xc7: {  	v5 =	vld [tilespmem:s29+$0x6600]  }
0xc8: {  	[tilespmem:s29+$0x19190] =	vst v0;
	v0 =	vadd.f32 v4, v2;
	v2 =	vld [tilespmem:s29+$0xCA10]  }
0xc9: {  	v4 =	vld [tilespmem:s29+$0x6610]  }
0xca: {  	[tilespmem:s29+$0x191A0] =	vst v0;
	v0 =	vadd.f32 v6, v1;
	v1 =	vld [tilespmem:s29+$0xCA20]  }
0xcb: {  	v6 =	vld [tilespmem:s29+$0x6620]  }
0xcc: {  	[tilespmem:s29+$0x191B0] =	vst v0;
	v0 =	vadd.f32 v5, v3;
	v3 =	vld [tilespmem:s29+$0xCA30]  }
0xcd: {  	v5 =	vld [tilespmem:s29+$0x6630]  }
0xce: {  	[tilespmem:s29+$0x19200] =	vst v0;
	v0 =	vadd.f32 v4, v2;
	v2 =	vld [tilespmem:s29+$0xCA80]  }
0xcf: {  	v4 =	vld [tilespmem:s29+$0x6680]  }
0xd0: {  	[tilespmem:s29+$0x19210] =	vst v0;
	v0 =	vadd.f32 v6, v1;
	v1 =	vld [tilespmem:s29+$0xCA90]  }
0xd1: {  	v6 =	vld [tilespmem:s29+$0x6690]  }
0xd2: {  	[tilespmem:s29+$0x19220] =	vst v0;
	v0 =	vadd.f32 v5, v3;
	v3 =	vld [tilespmem:s29+$0xCAA0]  }
0xd3: {  	v5 =	vld [tilespmem:s29+$0x66A0]  }
0xd4: {  	[tilespmem:s29+$0x19230] =	vst v0;
	v0 =	vadd.f32 v4, v2;
	v2 =	vld [tilespmem:s29+$0xCAB0]  }
0xd5: {  	v4 =	vld [tilespmem:s29+$0x66B0]  }
0xd6: {  	[tilespmem:s29+$0x19280] =	vst v0;
	v0 =	vadd.f32 v6, v1;
	v1 =	vld [tilespmem:s29+$0xCB00]  }
0xd7: {  	v6 =	vld [tilespmem:s29+$0x6700]  }
0xd8: {  	[tilespmem:s29+$0x19290] =	vst v0;
	v0 =	vadd.f32 v5, v3;
	v3 =	vld [tilespmem:s29+$0xCB10]  }
0xd9: {  	v5 =	vld [tilespmem:s29+$0x6710]  }
0xda: {  	[tilespmem:s29+$0x192A0] =	vst v0;
	v0 =	vadd.f32 v4, v2;
	v2 =	vld [tilespmem:s29+$0xCB20]  }
0xdb: {  	v4 =	vld [tilespmem:s29+$0x6720]  }
0xdc: {  	[tilespmem:s29+$0x192B0] =	vst v0;
	v0 =	vadd.f32 v6, v1;
	v1 =	vld [tilespmem:s29+$0xCB30]  }
0xdd: {  	v6 =	vld [tilespmem:s29+$0x6730]  }
0xde: {  	[tilespmem:s29+$0x19300] =	vst v0;
	v0 =	vadd.f32 v5, v3;
	v3 =	vld [tilespmem:s29+$0xCB80]  }
0xdf: {  	v5 =	vld [tilespmem:s29+$0x6780]  }
0xe0: {  	[tilespmem:s29+$0x19310] =	vst v0;
	v0 =	vadd.f32 v4, v2;
	v2 =	vld [tilespmem:s29+$0xCB90]  }
0xe1: {  	v4 =	vld [tilespmem:s29+$0x6790]  }
0xe2: {  	[tilespmem:s29+$0x19320] =	vst v0;
	v0 =	vld [tilespmem:s29+$0xCBA0];
	_ =	sdelay $0x1  }
0xe3: {  	v1 =	vadd.f32 v6, v1  }
0xe4: {  	v3 =	vadd.f32 v5, v3  }
0xe5: {  	[tilespmem:s29+$0x19330] =	vst v1;
	v1 =	vadd.f32 v4, v2  }
0xe6: {  	s31 =	sadd.s32 s4, s25;
	[tilespmem:s29+$0x19380] =	vst v3;
	v0 =	vadd.f32 v7, v0  }
0xe7: {  	s26 =	sshll.u32 s31, $0x4;
	[tilespmem:s29+$0x19390] =	vst v1  }
0xe8: {  	s26 =	sadd.s32 s6, s26;
	[tilespmem:s29+$0x193A0] =	vst v0  }
0xe9: {  	[hbm4b:s26+s3] =	stream.linear.scatter [tilespmem:s18], [sflag:$0x3], $0x6400, $0x38;
	[tilespmem:$0x1F400] =	vst v63  }
0xea: {  	p0 =	seq.s32 s24, $0x3F;
	_ =	swait.ge [sflag:s19], $0x6400  }
0xeb: {  	s28 =	simm.s32 @!p0 $0x80;
	[sflag:s19] =	ssyncset.done $0x0  }
0xec: {  	s29 =	simm.s32 @!p0 $0xC800;
	s26 =	sadd.s32 @!p0 $0x190, s25;
	[sflag:s19] =	ssyncadd.s32 $0xFFFF9C00  }
0xed: {  	[tilespmem:s29], [sflag:$0x1] =	stream.indirect.gather @!p0 [hbm4b:s2+s28], $0x80, s26, s28, $0xb8;
	[tilespmem:$0x1F400] =	vst v63  }
0xee: {  	s25 =	sadd.s32 @!p0 $0x210, s25;
	s26 =	simm.s32 @!p0 $0x48;
	s28 =	simm.s32 @!p0 $0x10800  }
0xef: {  	[tilespmem:s28], [sflag:$0x1] =	stream.indirect.gather @!p0 [hbm4b:s2+s26], $0x80, s25, s26, $0xb8;
	[tilespmem:$0x1F400] =	vst v63  }
0xf0: {  	_ =	swait.ge [sflag:s20], $0x6400  }
0xf1: {  	[sflag:s20] =	ssyncset.done $0x0  }
0xf2: {  	s25 =	simm.s32 $0x0;
	[sflag:s20] =	ssyncadd.s32 $0xFFFF9C00  }
0xf3: {  	v0 =	vld [tilespmem:s25+$0x12FB0]  }
0xf4: {  	v1 =	vld [tilespmem:s25+$0x67B0]  }
0xf5: {  	v2 =	vld [tilespmem:s25+$0x12C00]  }
0xf6: {  	v3 =	vld [tilespmem:s25+$0x6400]  }
0xf7: {  	v4 =	vld [tilespmem:s25+$0x12C10]  }
0xf8: {  	v5 =	vld [tilespmem:s25+$0x6410]  }
0xf9: {  	v6 =	vld [tilespmem:s25+$0x12C20]  }
0xfa: {  	v7 =	vld [tilespmem:s25+$0x12C30];
	v0 =	vadd.f32 v1, v0  }
0xfb: {  	v1 =	vld [tilespmem:s25+$0x6420]  }
0xfc: {  	v2 =	vadd.f32 v3, v2;
	[tilespmem:s25+$0x193B0] =	vst v0;
	v0 =	vld [tilespmem:s25+$0x6430]  }
0xfd: {  	v3 =	vld [tilespmem:s25+$0x12C80]  }
0xfe: {  	[tilespmem:s25+$0x19000] =	vst v2;
	v2 =	vadd.f32 v5, v4;
	v4 =	vld [tilespmem:s25+$0x6480]  }
0xff: {  	v5 =	vld [tilespmem:s25+$0x6490]  }
0x100: {  	[tilespmem:s25+$0x19010] =	vst v2;
	v2 =	vld [tilespmem:s25+$0x12C90];
	v1 =	vadd.f32 v1, v6  }
0x101: {  	v6 =	vld [tilespmem:s25+$0x64A0];
	v0 =	vadd.f32 v0, v7  }
0x102: {  	[tilespmem:s25+$0x19020] =	vst v1;
	v1 =	vld [tilespmem:s25+$0x12CA0]  }
0x103: {  	[tilespmem:s25+$0x19030] =	vst v0;
	v0 =	vadd.f32 v4, v3;
	v3 =	vld [tilespmem:s25+$0x12CB0]  }
0x104: {  	v4 =	vld [tilespmem:s25+$0x64B0]  }
0x105: {  	[tilespmem:s25+$0x19080] =	vst v0;
	v0 =	vadd.f32 v5, v2;
	v2 =	vld [tilespmem:s25+$0x12D00]  }
0x106: {  	v5 =	vld [tilespmem:s25+$0x6500]  }
0x107: {  	[tilespmem:s25+$0x19090] =	vst v0;
	v0 =	vadd.f32 v6, v1;
	v1 =	vld [tilespmem:s25+$0x12D10]  }
0x108: {  	v6 =	vld [tilespmem:s25+$0x6510]  }
0x109: {  	[tilespmem:s25+$0x190A0] =	vst v0;
	v0 =	vadd.f32 v4, v3;
	v3 =	vld [tilespmem:s25+$0x12D20]  }
0x10a: {  	v4 =	vld [tilespmem:s25+$0x6520]  }
0x10b: {  	[tilespmem:s25+$0x190B0] =	vst v0;
	v0 =	vadd.f32 v5, v2;
	v2 =	vld [tilespmem:s25+$0x12D30]  }
0x10c: {  	v5 =	vld [tilespmem:s25+$0x6530]  }
0x10d: {  	[tilespmem:s25+$0x19100] =	vst v0;
	v0 =	vadd.f32 v6, v1;
	v1 =	vld [tilespmem:s25+$0x12D80]  }
0x10e: {  	v6 =	vld [tilespmem:s25+$0x6580]  }
0x10f: {  	[tilespmem:s25+$0x19110] =	vst v0;
	v0 =	vadd.f32 v4, v3;
	v3 =	vld [tilespmem:s25+$0x12D90]  }
0x110: {  	v4 =	vld [tilespmem:s25+$0x6590]  }
0x111: {  	[tilespmem:s25+$0x19120] =	vst v0;
	v0 =	vadd.f32 v5, v2;
	v2 =	vld [tilespmem:s25+$0x12DA0]  }
0x112: {  	v5 =	vld [tilespmem:s25+$0x65A0]  }
0x113: {  	[tilespmem:s25+$0x19130] =	vst v0;
	v0 =	vadd.f32 v6, v1;
	v1 =	vld [tilespmem:s25+$0x12DB0]  }
0x114: {  	v6 =	vld [tilespmem:s25+$0x65B0]  }
0x115: {  	[tilespmem:s25+$0x19180] =	vst v0;
	v0 =	vadd.f32 v4, v3;
	v3 =	vld [tilespmem:s25+$0x12E00]  }
0x116: {  	v4 =	vld [tilespmem:s25+$0x6600]  }
0x117: {  	[tilespmem:s25+$0x19190] =	vst v0;
	v0 =	vadd.f32 v5, v2;
	v2 =	vld [tilespmem:s25+$0x12E10]  }
0x118: {  	v5 =	vld [tilespmem:s25+$0x6610]  }
0x119: {  	[tilespmem:s25+$0x191A0] =	vst v0;
	v0 =	vadd.f32 v6, v1;
	v1 =	vld [tilespmem:s25+$0x12E20]  }
0x11a: {  	v6 =	vld [tilespmem:s25+$0x6620]  }
0x11b: {  	[tilespmem:s25+$0x191B0] =	vst v0;
	v0 =	vadd.f32 v4, v3;
	v3 =	vld [tilespmem:s25+$0x12E30]  }
0x11c: {  	v4 =	vld [tilespmem:s25+$0x6630]  }
0x11d: {  	[tilespmem:s25+$0x19200] =	vst v0;
	v0 =	vadd.f32 v5, v2;
	v2 =	vld [tilespmem:s25+$0x12E80]  }
0x11e: {  	v5 =	vld [tilespmem:s25+$0x6680]  }
0x11f: {  	[tilespmem:s25+$0x19210] =	vst v0;
	v0 =	vadd.f32 v6, v1;
	v1 =	vld [tilespmem:s25+$0x12E90]  }
0x120: {  	v6 =	vld [tilespmem:s25+$0x6690]  }
0x121: {  	[tilespmem:s25+$0x19220] =	vst v0;
	v0 =	vadd.f32 v4, v3;
	v3 =	vld [tilespmem:s25+$0x12EA0]  }
0x122: {  	v4 =	vld [tilespmem:s25+$0x66A0]  }
0x123: {  	[tilespmem:s25+$0x19230] =	vst v0;
	v0 =	vadd.f32 v5, v2;
	v2 =	vld [tilespmem:s25+$0x12EB0]  }
0x124: {  	v5 =	vld [tilespmem:s25+$0x66B0]  }
0x125: {  	[tilespmem:s25+$0x19280] =	vst v0;
	v0 =	vadd.f32 v6, v1;
	v1 =	vld [tilespmem:s25+$0x12F00]  }
0x126: {  	v6 =	vld [tilespmem:s25+$0x6700]  }
0x127: {  	[tilespmem:s25+$0x19290] =	vst v0;
	v0 =	vadd.f32 v4, v3;
	v3 =	vld [tilespmem:s25+$0x12F10]  }
0x128: {  	v4 =	vld [tilespmem:s25+$0x6710]  }
0x129: {  	[tilespmem:s25+$0x192A0] =	vst v0;
	v0 =	vadd.f32 v5, v2;
	v2 =	vld [tilespmem:s25+$0x12F20]  }
0x12a: {  	v5 =	vld [tilespmem:s25+$0x6720]  }
0x12b: {  	[tilespmem:s25+$0x192B0] =	vst v0;
	v0 =	vadd.f32 v6, v1;
	v1 =	vld [tilespmem:s25+$0x12F30]  }
0x12c: {  	v6 =	vld [tilespmem:s25+$0x6730]  }
0x12d: {  	v8 =	vld [tilespmem:s25+$0x6780]  }
0x12e: {  	v7 =	vld [tilespmem:s25+$0x12F80];
	[tilespmem:s25+$0x19300] =	vst v0;
	v0 =	vadd.f32 v4, v3  }
0x12f: {  	v3 =	vld [tilespmem:s25+$0x6790]  }
0x130: {  	[tilespmem:s25+$0x19310] =	vst v0;
	v0 =	vadd.f32 v5, v2;
	v2 =	vld [tilespmem:s25+$0x12F90]  }
0x131: {  	v4 =	vld [tilespmem:s25+$0x67A0];
	v5 =	vadd.f32 v6, v1  }
0x132: {  	s28 =	simm.s32 $0x400;
	[tilespmem:s25+$0x19320] =	vst v0;
	v0 =	vld [tilespmem:s25+$0x12FA0]  }
0x133: {  	s24 =	sadd.s32 $0x1, s24;
	s26 =	simm.s32 $0x2000;
	v1 =	vld [tilespmem:s28+$0x12FB0];
	[tilespmem:s25+$0x19330] =	vst v5;
	v5 =	vadd.f32 v8, v7  }
.LBB2_5:
0x134: {  	p0 =	sne.s32 s26, $0x18000;
	v6 =	vld [tilespmem:s28+$0x67B0]  }
0x135: {  	v7 =	vld [tilespmem:s28+$0x12C00];
	[tilespmem:s25+$0x19380] =	vst v5;
	v2 =	vadd.f32 v3, v2  }
0x136: {  	v3 =	vld [tilespmem:s28+$0x6400]  }
0x137: {  	v5 =	vld [tilespmem:s28+$0x12C10];
	[tilespmem:s25+$0x19390] =	vst v2;
	v0 =	vadd.f32 v4, v0  }
0x138: {  	v2 =	vld [tilespmem:s28+$0x6410]  }
0x139: {  	v4 =	vld [tilespmem:s28+$0x12C20];
	v1 =	vadd.f32 v6, v1;
	[tilespmem:s25+$0x193A0] =	vst v0;
	s25 =	smov.u32 s28  }
0x13a: {  	v0 =	vld [tilespmem:s25+$0x6420]  }
0x13b: {  	v3 =	vadd.f32 v3, v7;
	v6 =	vld [tilespmem:s25+$0x12C30];
	[tilespmem:s25+$0x193B0] =	vst v1  }
0x13c: {  	v1 =	vld [tilespmem:s25+$0x6430]  }
0x13d: {  	[tilespmem:s25+$0x19000] =	vst v3;
	v2 =	vadd.f32 v2, v5;
	v3 =	vld [tilespmem:s25+$0x12C80]  }
0x13e: {  	v5 =	vld [tilespmem:s25+$0x6480]  }
0x13f: {  	[tilespmem:s25+$0x19010] =	vst v2;
	v0 =	vadd.f32 v0, v4;
	v2 =	vld [tilespmem:s25+$0x12C90]  }
0x140: {  	v4 =	vld [tilespmem:s25+$0x6490]  }
0x141: {  	[tilespmem:s25+$0x19020] =	vst v0;
	v0 =	vadd.f32 v1, v6;
	v1 =	vld [tilespmem:s25+$0x12CA0]  }
0x142: {  	v6 =	vld [tilespmem:s25+$0x64A0]  }
0x143: {  	[tilespmem:s25+$0x19030] =	vst v0;
	v0 =	vadd.f32 v5, v3;
	v3 =	vld [tilespmem:s25+$0x12CB0]  }
0x144: {  	v5 =	vld [tilespmem:s25+$0x64B0]  }
0x145: {  	[tilespmem:s25+$0x19080] =	vst v0;
	v0 =	vadd.f32 v4, v2;
	v2 =	vld [tilespmem:s25+$0x12D00]  }
0x146: {  	v4 =	vld [tilespmem:s25+$0x6500]  }
0x147: {  	[tilespmem:s25+$0x19090] =	vst v0;
	v0 =	vadd.f32 v6, v1;
	v1 =	vld [tilespmem:s25+$0x12D10]  }
0x148: {  	v6 =	vld [tilespmem:s25+$0x6510]  }
0x149: {  	[tilespmem:s25+$0x190A0] =	vst v0;
	v0 =	vadd.f32 v5, v3;
	v3 =	vld [tilespmem:s25+$0x12D20]  }
0x14a: {  	v5 =	vld [tilespmem:s25+$0x6520]  }
0x14b: {  	[tilespmem:s25+$0x190B0] =	vst v0;
	v0 =	vadd.f32 v4, v2;
	v2 =	vld [tilespmem:s25+$0x12D30]  }
0x14c: {  	v4 =	vld [tilespmem:s25+$0x6530]  }
0x14d: {  	[tilespmem:s25+$0x19100] =	vst v0;
	v0 =	vadd.f32 v6, v1;
	v1 =	vld [tilespmem:s25+$0x12D80]  }
0x14e: {  	v6 =	vld [tilespmem:s25+$0x6580]  }
0x14f: {  	[tilespmem:s25+$0x19110] =	vst v0;
	v0 =	vadd.f32 v5, v3;
	v3 =	vld [tilespmem:s25+$0x12D90]  }
0x150: {  	v5 =	vld [tilespmem:s25+$0x6590]  }
0x151: {  	[tilespmem:s25+$0x19120] =	vst v0;
	v0 =	vadd.f32 v4, v2;
	v2 =	vld [tilespmem:s25+$0x12DA0]  }
0x152: {  	v4 =	vld [tilespmem:s25+$0x65A0]  }
0x153: {  	[tilespmem:s25+$0x19130] =	vst v0;
	v0 =	vadd.f32 v6, v1;
	v1 =	vld [tilespmem:s25+$0x12DB0]  }
0x154: {  	v6 =	vld [tilespmem:s25+$0x65B0]  }
0x155: {  	[tilespmem:s25+$0x19180] =	vst v0;
	v0 =	vadd.f32 v5, v3;
	v3 =	vld [tilespmem:s25+$0x12E00]  }
0x156: {  	v5 =	vld [tilespmem:s25+$0x6600]  }
0x157: {  	[tilespmem:s25+$0x19190] =	vst v0;
	v0 =	vadd.f32 v4, v2;
	v2 =	vld [tilespmem:s25+$0x12E10]  }
0x158: {  	v4 =	vld [tilespmem:s25+$0x6610]  }
0x159: {  	[tilespmem:s25+$0x191A0] =	vst v0;
	v0 =	vadd.f32 v6, v1;
	v1 =	vld [tilespmem:s25+$0x12E20]  }
0x15a: {  	v6 =	vld [tilespmem:s25+$0x6620]  }
0x15b: {  	[tilespmem:s25+$0x191B0] =	vst v0;
	v0 =	vadd.f32 v5, v3;
	v3 =	vld [tilespmem:s25+$0x12E30]  }
0x15c: {  	v5 =	vld [tilespmem:s25+$0x6630]  }
0x15d: {  	[tilespmem:s25+$0x19200] =	vst v0;
	v0 =	vadd.f32 v4, v2;
	v2 =	vld [tilespmem:s25+$0x12E80]  }
0x15e: {  	v4 =	vld [tilespmem:s25+$0x6680]  }
0x15f: {  	[tilespmem:s25+$0x19210] =	vst v0;
	v0 =	vadd.f32 v6, v1;
	v1 =	vld [tilespmem:s25+$0x12E90]  }
0x160: {  	v6 =	vld [tilespmem:s25+$0x6690]  }
0x161: {  	[tilespmem:s25+$0x19220] =	vst v0;
	v0 =	vadd.f32 v5, v3;
	v3 =	vld [tilespmem:s25+$0x12EA0]  }
0x162: {  	v5 =	vld [tilespmem:s25+$0x66A0]  }
0x163: {  	[tilespmem:s25+$0x19230] =	vst v0;
	v0 =	vadd.f32 v4, v2;
	v2 =	vld [tilespmem:s25+$0x12EB0]  }
0x164: {  	v4 =	vld [tilespmem:s25+$0x66B0]  }
0x165: {  	[tilespmem:s25+$0x19280] =	vst v0;
	v0 =	vadd.f32 v6, v1;
	v1 =	vld [tilespmem:s25+$0x12F00]  }
0x166: {  	v6 =	vld [tilespmem:s25+$0x6700]  }
0x167: {  	[tilespmem:s25+$0x19290] =	vst v0;
	v0 =	vadd.f32 v5, v3;
	v3 =	vld [tilespmem:s25+$0x12F10]  }
0x168: {  	v5 =	vld [tilespmem:s25+$0x6710]  }
0x169: {  	[tilespmem:s25+$0x192A0] =	vst v0;
	v0 =	vadd.f32 v4, v2;
	v2 =	vld [tilespmem:s25+$0x12F20]  }
0x16a: {  	v4 =	vld [tilespmem:s25+$0x6720]  }
0x16b: {  	[tilespmem:s25+$0x192B0] =	vst v0;
	v0 =	vadd.f32 v6, v1;
	v1 =	vld [tilespmem:s25+$0x12F30]  }
0x16c: {  	v6 =	vld [tilespmem:s25+$0x6730]  }
0x16d: {  	[tilespmem:s25+$0x19300] =	vst v0;
	v0 =	vadd.f32 v5, v3;
	v5 =	vld [tilespmem:s25+$0x12F80]  }
0x16e: {  	v7 =	vld [tilespmem:s25+$0x6780]  }
.Ltmp1:
0x16f: {  	[tilespmem:s25+$0x19310] =	vst v0;
	v0 =	vadd.f32 v4, v2;
	v2 =	vld [tilespmem:s25+$0x12F90];
	(pc) =	sbr.rel @p0 .LBB2_5-.Ltmp1, $4  }
0x170: {  	v3 =	vld [tilespmem:s25+$0x6790]  }
0x171: {  	[tilespmem:s25+$0x19320] =	vst v0;
	v6 =	vadd.f32 v6, v1;
	v0 =	vld [tilespmem:s25+$0x12FA0]  }
0x172: {  	s28 =	sshra.s32 s26, $0x2;
	v4 =	vld [tilespmem:s25+$0x67A0]  }
0x173: {  	s26 =	sadd.s32 $0x1000, s26;
	v1 =	vld [tilespmem:s28+$0x12FB0];
	[tilespmem:s25+$0x19330] =	vst v6;
	v5 =	vadd.f32 v7, v5  }
0x174: {  	v6 =	vld [tilespmem:s28+$0x67B0]  }
0x175: {  	v7 =	vld [tilespmem:s28+$0x12C00];
	[tilespmem:s25+$0x19380] =	vst v5;
	v2 =	vadd.f32 v3, v2  }
0x176: {  	v35 =	vld [tilespmem:s28+$0x6400]  }
0x177: {  	v5 =	vld [tilespmem:s28+$0x12C10];
	[tilespmem:s25+$0x19390] =	vst v2;
	v0 =	vadd.f32 v4, v0  }
0x178: {  	v2 =	vld [tilespmem:s28+$0x6410]  }
0x179: {  	v36 =	vld [tilespmem:s28+$0x12C20];
	[tilespmem:s25+$0x193A0] =	vst v0  }
0x17a: {  	v38 =	vld [tilespmem:s28+$0x6420]  }
0x17b: {  	v39 =	vld [tilespmem:s28+$0x12C30]  }
0x17c: {  	v40 =	vld [tilespmem:s28+$0x6430]  }
0x17d: {  	v41 =	vld [tilespmem:s28+$0x12C80]  }
0x17e: {  	v42 =	vld [tilespmem:s28+$0x6480]  }
0x17f: {  	v43 =	vld [tilespmem:s28+$0x12C90]  }
0x180: {  	v44 =	vld [tilespmem:s28+$0x6490]  }
0x181: {  	v45 =	vld [tilespmem:s28+$0x12CA0]  }
0x182: {  	v46 =	vld [tilespmem:s28+$0x64A0]  }
0x183: {  	v48 =	vld [tilespmem:s28+$0x12CB0]  }
0x184: {  	v49 =	vld [tilespmem:s28+$0x64B0]  }
0x185: {  	v51 =	vld [tilespmem:s28+$0x12D00]  }
0x186: {  	v52 =	vld [tilespmem:s28+$0x6500]  }
0x187: {  	v54 =	vld [tilespmem:s28+$0x12D10]  }
0x188: {  	v55 =	vld [tilespmem:s28+$0x6510]  }
0x189: {  	v57 =	vld [tilespmem:s28+$0x12D20]  }
0x18a: {  	v58 =	vld [tilespmem:s28+$0x6520]  }
0x18b: {  	v60 =	vld [tilespmem:s28+$0x12D30]  }
0x18c: {  	v61 =	vld [tilespmem:s28+$0x6530]  }
0x18d: {  	v63 =	vld [tilespmem:s28+$0x12D80]  }
0x18e: {  	v9 =	vld [tilespmem:s28+$0x6580]  }
0x18f: {  	v11 =	vld [tilespmem:s28+$0x12D90]  }
0x190: {  	v12 =	vld [tilespmem:s28+$0x6590]  }
0x191: {  	v14 =	vld [tilespmem:s28+$0x12DA0]  }
0x192: {  	v15 =	vld [tilespmem:s28+$0x65A0]  }
0x193: {  	v17 =	vld [tilespmem:s28+$0x12DB0]  }
0x194: {  	v18 =	vld [tilespmem:s28+$0x65B0]  }
0x195: {  	v20 =	vld [tilespmem:s28+$0x12E00]  }
0x196: {  	v21 =	vld [tilespmem:s28+$0x6600]  }
0x197: {  	v23 =	vld [tilespmem:s28+$0x12E10]  }
0x198: {  	v37 =	vadd.f32 v6, v1;
	v24 =	vld [tilespmem:s28+$0x6610]  }
0x199: {  	v26 =	vld [tilespmem:s28+$0x12E20];
	v3 =	vadd.f32 v35, v7  }
0x19a: {  	v27 =	vld [tilespmem:s28+$0x6620];
	[tilespmem:s28+$0x193B0] =	vst v37;
	v2 =	vadd.f32 v2, v5  }
0x19b: {  	v29 =	vld [tilespmem:s28+$0x12E30];
	[tilespmem:s28+$0x19000] =	vst v3;
	v1 =	vadd.f32 v38, v36  }
0x19c: {  	v30 =	vld [tilespmem:s28+$0x6630];
	[tilespmem:s28+$0x19010] =	vst v2;
	v0 =	vadd.f32 v40, v39  }
0x19d: {  	v32 =	vld [tilespmem:s28+$0x12E80];
	v47 =	vadd.f32 v42, v41;
	[tilespmem:s28+$0x19020] =	vst v1  }
0x19e: {  	v33 =	vld [tilespmem:s28+$0x6680];
	v50 =	vadd.f32 v44, v43;
	[tilespmem:s28+$0x19030] =	vst v0  }
0x19f: {  	v35 =	vld [tilespmem:s28+$0x12E90];
	v53 =	vadd.f32 v46, v45;
	[tilespmem:s28+$0x19080] =	vst v47  }
0x1a0: {  	v56 =	vadd.f32 v49, v48;
	v36 =	vld [tilespmem:s28+$0x6690];
	[tilespmem:s28+$0x19090] =	vst v50  }
0x1a1: {  	v59 =	vadd.f32 v52, v51;
	v38 =	vld [tilespmem:s28+$0x12EA0];
	[tilespmem:s28+$0x190A0] =	vst v53  }
0x1a2: {  	v62 =	vadd.f32 v55, v54;
	v39 =	vld [tilespmem:s28+$0x66A0];
	[tilespmem:s28+$0x190B0] =	vst v56  }
0x1a3: {  	v10 =	vadd.f32 v58, v57;
	v41 =	vld [tilespmem:s28+$0x12EB0];
	[tilespmem:s28+$0x19100] =	vst v59  }
0x1a4: {  	v13 =	vadd.f32 v61, v60;
	v42 =	vld [tilespmem:s28+$0x66B0];
	[tilespmem:s28+$0x19110] =	vst v62  }
0x1a5: {  	v16 =	vadd.f32 v9, v63;
	v44 =	vld [tilespmem:s28+$0x12F00];
	[tilespmem:s28+$0x19120] =	vst v10  }
0x1a6: {  	v19 =	vadd.f32 v12, v11;
	v45 =	vld [tilespmem:s28+$0x6700];
	[tilespmem:s28+$0x19130] =	vst v13  }
0x1a7: {  	v22 =	vadd.f32 v15, v14;
	v48 =	vld [tilespmem:s28+$0x6710];
	[tilespmem:s28+$0x19180] =	vst v16  }
0x1a8: {  	v25 =	vadd.f32 v18, v17;
	v51 =	vld [tilespmem:s28+$0x6720];
	[tilespmem:s28+$0x19190] =	vst v19  }
0x1a9: {  	v28 =	vadd.f32 v21, v20;
	v54 =	vld [tilespmem:s28+$0x6730];
	[tilespmem:s28+$0x191A0] =	vst v22  }
0x1aa: {  	v31 =	vadd.f32 v24, v23;
	v57 =	vld [tilespmem:s28+$0x6780];
	[tilespmem:s28+$0x191B0] =	vst v25  }
0x1ab: {  	v34 =	vadd.f32 v27, v26;
	v60 =	vld [tilespmem:s28+$0x6790];
	[tilespmem:s28+$0x19200] =	vst v28  }
0x1ac: {  	v37 =	vadd.f32 v30, v29;
	v61 =	vld [tilespmem:s28+$0x12FA0];
	[tilespmem:s28+$0x19210] =	vst v31  }
0x1ad: {  	v40 =	vadd.f32 v33, v32;
	[tilespmem:s28+$0x19220] =	vst v34;
	v47 =	vld [tilespmem:s28+$0x12F10]  }
0x1ae: {  	[tilespmem:s28+$0x19230] =	vst v37;
	v50 =	vld [tilespmem:s28+$0x12F20];
	v43 =	vadd.f32 v36, v35  }
0x1af: {  	[tilespmem:s28+$0x19280] =	vst v40;
	v53 =	vld [tilespmem:s28+$0x12F30];
	v46 =	vadd.f32 v39, v38  }
0x1b0: {  	v56 =	vld [tilespmem:s28+$0x12F80];
	v49 =	vadd.f32 v42, v41;
	[tilespmem:s28+$0x19290] =	vst v43  }
0x1b1: {  	v59 =	vld [tilespmem:s28+$0x12F90];
	v52 =	vadd.f32 v45, v44;
	[tilespmem:s28+$0x192A0] =	vst v46  }
0x1b2: {  	v62 =	vld [tilespmem:s28+$0x67A0];
	[tilespmem:s28+$0x192B0] =	vst v49;
	v55 =	vadd.f32 v48, v47  }
0x1b3: {  	[tilespmem:s28+$0x19300] =	vst v52;
	v58 =	vadd.f32 v51, v50  }
0x1b4: {  	v1 =	vadd.f32 v54, v53;
	[tilespmem:s28+$0x19310] =	vst v55  }
0x1b5: {  	p0 =	sne.s32 s24, $0x40;
	v3 =	vadd.f32 v57, v56;
	[tilespmem:s28+$0x19320] =	vst v58  }
.Ltmp2:
0x1b6: {  	v63 =	vadd.f32 v60, v59;
	[tilespmem:s28+$0x19330] =	vst v1;
	(pc) =	sbr.rel @p0 .LBB2_2-.Ltmp2, $4  }
0x1b7: {  	s23 =	sadd.s32 s4, s23;
	v0 =	vadd.f32 v62, v61;
	[tilespmem:s28+$0x19380] =	vst v3  }
0x1b8: {  	s23 =	sshll.u32 s23, $0x4;
	[tilespmem:s28+$0x19390] =	vst v63  }
0x1b9: {  	s23 =	sadd.s32 s6, s23;
	[tilespmem:s28+$0x193A0] =	vst v0  }
0x1ba: {  	[hbm4b:s23+s3] =	stream.linear.scatter [tilespmem:s18], [sflag:$0x4], $0x6400, $0x38;
	[tilespmem:$0x1F400] =	vst v63  }
0x1bb: {  	s22 =	sadd.s32 $0x1, s22  }
0x1bc: {  	p0 =	sne.s32 s22, s8  }
.Ltmp3:
0x1bd: {  	_ = 	snop;
	(pc) =	sbr.rel @p0 .LBB2_1-.Ltmp3, $4  }
0x1be: {  	_ = 	snop  }
0x1bf: {  	_ =	swait.ge [sflag:s21], $0x6400  }
0x1c0: {  	[sflag:s21] =	ssyncset.done $0x0  }
0x1c1: {  	[sflag:s21] =	ssyncadd.s32 $0xFFFF9C00  }
0x1c2: {  	_ =	sfence.sel $0x180000  }
0x1c3: {  	[bflag:$0x0] =	sbarrier.arrive $0xFFFF  }
0x1c4: {  	p0 =	sne.s32 s0, $0x0;
	_ =	strace $0x9000004A  }
0x1c5: {  	s0 =	sadd.s32 @!p0 $0x100000, s1;
	[bflag:$0x2] =	sbarrier.arrive $0xFFFF  }
0x1c6: {  	[sflag:s0] =	ssyncadd.tile.s32 @!p0 $0x1;
	_ =	shalt  }
.Lfunc_end2:
_tile_overlayer_lowered:
.L_overlay_start_2:
0x1c7: {  	(tag) =	ssettag $0x2  }
0x1c8: {  	s0 =	rddreg [dreg:$0x0];
	s2 =	stileid.u32  }
0x1c9: {  	s1 =	rddreg [dreg:$0x1];
	p0 =	sne.s32 s2, $0x0  }
0x1ca: {  	s3 =	rddreg [dreg:$0x2];
	[bflag:$0x3] =	sbarrier.arrive $0xFFFF;
	s2 =	simm.s32 @!p0 $0x1C05  }
0x1cb: {  	[timem:s3], [sflag:s2] =	dma.local @!p0 [hbm:s0], s1  }
0x1cc: {  	s0 =	simm.s32 @!p0 $0x5  }
0x1cd: {  	_ =	swait.ge @!p0 [sflag:s0], s1  }
0x1ce: {  	s1 =	ssub.s32 @!p0 $0x0, s1;
	[sflag:s0] =	ssyncset.done @!p0 $0x0  }
0x1cf: {  	[sflag:s0] =	ssyncadd.s32 @!p0 s1  }
0x1d0: {  	[bflag:$0x3] =	sbarrier.arrive $0xFFFF  }
0x1d1: {  	_ =	shalt  }

// kernel: sparse-core-data-format-call.cloned.1.call-start
scs
called_computation_lowered:
.L_overlay_start_0:
0x0: {  	s2 =	sld [smem:$0x3FD9]  }
0x1: {  	s3 =	sld [smem:$0x3FFE];
	_ =	sdelay $0x1  }
0x2: {  	s1 =	srdreg.scid  }
0x3: {  	s0 =	sand.u32 $0x1, s1  }
0x4: {  	s18 =	sshll.u32 s0, $0xA;
	s2 =	sadd.s32 s3, s2  }
0x5: {  	s2 =	sadd.s32 s2, s18  }
0x6: {  	[smem:$0x3FC4] =	sst s2  }
0x7: {  	_ = 	snop  }
0x8: {  	s2 =	sld [smem:$0x3FD0];
	(tm) =	ssettm $0x1  }
0x9: {  	s19 =	sld [smem:$0x3FFB];
	_ =	sdelay $0x3  }
0xa: {  	_ =	strace s19  }
0xb: {  	s3 =	sld [smem:$0x3FFC];
	_ =	sdelay $0x3  }
0xc: {  	_ =	strace s3  }
0xd: {  	s3 =	sld [smem:$0x3FFD];
	_ =	sdelay $0x3  }
0xe: {  	_ =	strace s3  }
0xf: {  	_ =	strace $0x8FFFFFFF  }
0x10: {  	s20 =	sld [smem:$0x3FDB];
	_ =	sdelay $0x1  }
0x11: {  	s4 =	simm.s32 $_scs_section_size  }
0x12: {  	s5 =	simm.s32 $_size__tile_overlayer_lowered;
	s6 =	simm.s32 $_tile_overlayer_lowered  }
0x13: {  	s23 =	simm.s32 $0x1BFF;
	s22 =	sshll.u32 s6, $0x1;
	s3 =	sadd.s32 s4, s20  }
0x14: {  	s7 =	simm.s32 $0x0;
	s21 =	sshll.u32 s5, $0x1;
	s5 =	sadd.s32 s22, s3  }
0x15: {  	[timem:s7], [sflag:s23] =	dma.local [hbm:s5], s21  }
0x16: {  	_ =	swait.ge [sflag:s23], s21  }
0x17: {  	s4 =	ssub.s32 $0x0, s21;
	[sflag:s23] =	ssyncset.done $0x0  }
0x18: {  	[sflag:s23] =	ssyncadd.s32 s4;
	_ =	sdelay $0x1  }
0x19: {  	s24 =	simm.s32 $0x1B8B  }
0x1a: {  	_ =	swait.ge [sflag:s24], $0x1  }
0x1b: {  	[sflag:s24] =	ssyncset.done $0x0  }
0x1c: {  	s26 =	simm.s32 $0x1B8E;
	s25 =	sld [smem:$0x3FFE];
	[sflag:s24] =	ssyncadd.s32 $0xFFFFFFFF  }
0x1d: {  	s27 =	simm.s32 $execute0_lowered;
	[smem:$0x3FD2] =	sst s26  }
0x1e: {  	s5 =	sshll.u32 s27, $0x1;
	_ =	strace $0x8000004C;
	[dreg:$0x1] =	wrdreg $0xFFFFFFFF  }
0x1f: {  	s28 =	simm.s32 $_size_execute0_lowered;
	s3 =	sadd.s32 s3, s5;
	[dreg:$0x0] =	wrdreg $0x0  }
0x20: {  	s5 =	sshll.u32 s28, $0x1;
	[dreg:$0x2] =	wrdreg s3  }
0x21: {  	[dreg:$0x3] =	wrdreg s5  }
0x22: {  	[dreg:$0x4] =	wrdreg $0xC0  }
0x23: {  	_ =	task [dreg:s7], $0x5FFFF  }
0x24: {  	[dreg:$0x1] =	wrdreg $0xFFFFFFFF  }
0x25: {  	[dreg:$0x0] =	wrdreg $0x60  }
0x26: {  	[dreg:$0x2] =	wrdreg s25  }
0x27: {  	[dreg:$0x3] =	wrdreg s2  }
0x28: {  	[dreg:$0x4] =	wrdreg $0x9  }
0x29: {  	_ =	task.clear_ibuf [dreg:s7], $0x5FFFF;
	_ =	strace $0x9000004C  }
0x2a: {  	s29 =	simm.s32 $0x9;
	_ =	strace $0x8000004E  }
0x2b: {  	_ =	swait.ge [sflag:s29], $0x1  }
0x2c: {  	[sflag:s29] =	ssyncadd.s32 $0xFFFFFFFF  }
0x2d: {  	_ =	strace $0x9000004E  }
0x2e: {  	_ =	sfence  }
0x2f: {  	s30 =	sld [smem:$0x0];
	_ =	sdelay $0x2  }
0x30: {  	s31 =	sshll.u32 s1, $0xD;
	s1 =	sshrl.u32 s1, $0x2  }
0x31: {  	s3 =	sand.u32 $0x4000, s31;
	s1 =	sadd.s32 s1, s30  }
0x32: {  	s0 =	sor.u32 s3, s0;
	s1 =	sshll.u32 s1, $0x11  }
0x33: {  	s0 =	sor.u32 s1, s0  }
0x34: {  	s0 =	sadd.s32 $0x8F2B, s0  }
0x35: {  	[sflag:s0] =	ssyncadd.remote.s32 $0x1  }
0x36: {  	_ =	sfence.sel $0xFFFF  }
0x37: {  	[dreg:$0x0] =	wrdreg $0xFFFFFFFF;
	(pc) =	sbr.abs _section_cstart, $3  }
0x38: {  	[dreg:$0x1] =	wrdreg $0xFFFFFFFF  }
0x39: {  	_ =	task.clear_ibuf [dreg:s7], $0x2FFFF;
	_ =	strace $0x9FFFFFFF  }
0x3a: {  	(tm) =	ssettm $0x7FFFFFFF  }
0x3b: {  	_ =	shalt  }
tec
execute0_lowered:
.L_overlay_start_1:
0x0: {  	(tag) =	ssettag $0x1  }
0x1: {  	s0 =	srdreg.scid  }
0x2: {  	s1 =	sshll.u32 s0, $0x4  }
0x3: {  	s0 =	stileid.u32;
	s1 =	sand.u32 $0x10, s1  }
0x4: {  	s1 =	sor.u32 s0, s1  }
0x5: {  	s6 =	rddreg [dreg:$0x0];
	s4 =	simm.s32 $0x1;
	s2 =	sshll.u32 s1, $0x7  }
0x6: {  	s7 =	simm.s32 $0x2;
	s12 =	simm.s32 $0x0;
	s1 =	ssub.s32 $0x1000, s2  }
0x7: {  	s8 =	simm.s32 $0x8000;
	s13 =	simm.s32 $0x0;
	s3 =	sand.u32 $0xF80, s1  }
0x8: {  	s9 =	simm.s32 $0x0;
	s5 =	sshrl.u32 s1, $0xC;
	p0 =	sne.s32 s3, $0x0  }
.Ltmp0:
0x9: {  	s1 =	rddreg [dreg:$0x2];
	s4 =	simm.s32 @!p0 $0x0;
	(pc) =	sbr.rel .LBB1_1-.Ltmp0, $4  }
0xa: {  	s11 =	simm.s32 $0x0;
	s3 =	rddreg [dreg:$0x1];
	s5 =	sadd.s32 s4, s5  }
0xb: {  	_ =	strace $0x8000004D;
	s4 =	simm.s32 $0x1;
	s5 =	smul.u32 $0xC8, s5  }
0xc: {  	s6 =	sadd.s32 $0xDE400, s6;
	s10 =	smov.u32 s2;
	[sflag:s4] =	ssyncpa.u1 $0x0  }
0xd: {  	p0 =	por $0x0, $0x0;
	[sflag:s7] =	ssyncpa.u1 $0x0;
	s7 =	sor.u32 $0x1, s5  }
.LBB1_4:
0xe: {  	s16 =	sshll.u32 s13, $0x3;
	s17 =	sand.u32 $0x78, s13  }
0xf: {  	s30 =	sand.u32 $0x7E00, s13;
	s12 =	sshll.u32 s12, $0xF;
	s16 =	sand.u32 $0xC00, s16  }
0x10: {  	[tilespmem:s15+$0x810 ss:$0x81] =	vst.msk $0xffff, v2;
	s31 =	sand.u32 $0x7, s13;
	s16 =	sor.u32 s17, s16;
	s17 =	sadd.s32 s3, s30  }
0x11: {  	[tilespmem:s15+$0x1020 ss:$0x81] =	vst.msk $0xffff, v0;
	s13 =	sshll.u32 s31, $0x12;
	s12 =	sadd.s32 s12, s17;
	s16 =	sshrl.u32 s16, $0x3  }
0x12: {  	[tilespmem:s15+$0x0 ss:$0x81] =	vst.msk $0xffff, v1;
	s13 =	sor.u32 $0x400, s13;
	s12 =	sadd.s32 s16, s12  }
0x13: {  	[hbm4b:s12+s13] =	stream.strided.scatter [tilespmem:s14], [sflag:$0x2], $0x2000, s8, s13, $0x20;
	[tilespmem:$0x8080] =	vst v63  }
.LBB1_5:
0x14: {  	s14 =	sadd.s32 $0x1, s9  }
0x15: {  	s12 =	sadd.s32 $0x1000, s10;
	s16 =	smov.u32 s10;
	p2 =	sgt.s32 s14, $0xC7  }
0x16: {  	s16 =	smov.u32 @p2 s12  }
0x17: {  	s14 =	simm.s32 @p2 $0x0;
	p2 =	sgt.s32 s16, $0xFFF  }
0x18: {  	s16 =	smov.u32 @p2 s2;
	p2 =	sne.s32 s11, s7  }
.Ltmp1:
0x19: {  	p1 =	slt.u32 s11, $0x2;
	(pc) =	sbr.rel @!p2 .LBB1_6-.Ltmp1, $4  }
0x1a: {  	s15 =	simm.s32 @!p1 $0x2  }
0x1b: {  	s13 =	smov.u32 s10;
	p0 =	por !p0, !p0;
	_ =	swait.ge @!p1 [sflag:s15], $0x2000  }
0x1c: {  	s12 =	smov.u32 s9;
	[sflag:s15] =	ssyncset.done @!p1 $0x0;
	s9 =	smov.u32 s14  }
0x1d: {  	s11 =	sadd.s32 $0x1, s11;
	[sflag:s15] =	ssyncadd.s32 @!p1 $0xFFFFE000;
	s10 =	smov.u32 s16  }
.LBB1_1:
0x1e: {  	p1 =	sge.u32 s11, s5  }
0x1f: {  	s14 =	sand.u32 @!p1 $0x1FFFFFF, s9  }
0x20: {  	s15 =	smulhi.u32 @!p1 $0x147AE15, s14;
	_ =	sdelay $0x1  }
0x21: {  	s15 =	smul.u32 @!p1 $0xC8, s15  }
0x22: {  	s16 =	sxor.u32 @!p1 $0xFFFFFFFF, s11;
	s17 =	smul.u32 @!p1 $0xC80, s10  }
0x23: {  	s31 =	sadd.s32 $0xFFFFFFFF, s11;
	s16 =	sshll.u32 @!p1 s16, $0xD;
	s14 =	ssub.s32 @!p1 s14, s15  }
0x24: {  	s15 =	sand.u32 @!p1 $0x2000, s16;
	s16 =	sadd.s32 @!p1 s6, s17;
	s14 =	sshll.u32 @!p1 s14, $0x4  }
0x25: {  	s17 =	simm.s32 @!p1 $0x6400;
	s14 =	sadd.s32 @!p1 s14, s16;
	s16 =	simm.s32 @!p1 $0x40  }
0x26: {  	[tilespmem:s15], [sflag:$0x1] =	stream.strided.gather @!p1 [hbm4b:s14+s16], $0x2000, s17, s16, $0x38;
	[tilespmem:$0x8080] =	vst v63  }
0x27: {  	p1 =	sge.u32 s31, s5  }
.Ltmp2:
0x28: {  	_ = 	snop;
	(pc) =	sbr.rel @p1 .LBB1_5-.Ltmp2, $1  }
0x29: {  	_ =	sdelay $0x3  }
0x2a: {  	s14 =	simm.s32 $0x1  }
0x2b: {  	_ =	swait.ge [sflag:s4], $0x2000;
	s14 =	simm.s32 @!p0 $0x0  }
0x2c: {  	[sflag:s4] =	ssyncset.done $0x0;
	s15 =	sshll.u32 s14, $0xD  }
0x2d: {  	[sflag:s4] =	ssyncadd.s32 $0xFFFFE000;
	s18 =	sor.u32 $0x20, s15  }
0x2e: {  	s14 =	smul.u32 $0x8100, s14;
	v3 =	vld [tilespmem:s18+$0x10]  }
0x2f: {  	s30 =	sand.u32 $0x1, s11;
	v2 =	vld [tilespmem:s18+$0xFFFFFFF0]  }
0x30: {  	s15 =	smul.u32 $0x8100, s30;
	s14 =	sshrl.u32 s14, $0x2;
	v0 =	vld [tilespmem:s18+$0x0]  }
0x31: {  	v1 =	vld [tilespmem:s18+$0xFFFFFFE0];
	s16 =	sor.u32 $0x4000, s14  }
0x32: {  	s31 =	sshrl.u32 s15, $0x2;
	s15 =	sadd.s32 $0x0, s16  }
0x33: {  	s17 =	simm.s32 $0x4;
	s18 =	sadd.s32 $0x40, s18;
	s14 =	sor.u32 $0x4000, s31;
	[tilespmem:s15+$0x1830 ss:$0x81] =	vst.msk $0xffff, v3  }
.LBB1_3:
0x34: {  	v3 =	vld [tilespmem:s18+$0x10];
	p1 =	sne.s32 s17, $0x1FC;
	[tilespmem:s15+$0x810 ss:$0x81] =	vst.msk $0xffff, v2;
	s19 =	smov.u32 s17;
	s17 =	sadd.s32 $0x4, s17  }
.Ltmp3:
0x35: {  	v2 =	vld [tilespmem:s18+$0xFFFFFFF0];
	[tilespmem:s15+$0x1020 ss:$0x81] =	vst.msk $0xffff, v0;
	(pc) =	sbr.rel @p1 .LBB1_3-.Ltmp3, $4  }
0x36: {  	v0 =	vld [tilespmem:s18+$0x0];
	[tilespmem:s15+$0x0 ss:$0x81] =	vst.msk $0xffff, v1  }
0x37: {  	s15 =	sshra.s32 s19, $0x2;
	v1 =	vld [tilespmem:s18+$0xFFFFFFE0]  }
0x38: {  	s15 =	sadd.s32 s15, s16  }
0x39: {  	s18 =	sadd.s32 $0x40, s18;
	[tilespmem:s15+$0x1830 ss:$0x81] =	vst.msk $0xffff, v3  }
.Ltmp4:
0x3a: {  	_ = 	snop;
	(pc) =	sbr.rel .LBB1_4-.Ltmp4, $1  }
0x3b: {  	_ =	sdelay $0x3  }
.LBB1_6:
0x3c: {  	_ =	sfence.sel $0x180000  }
0x3d: {  	s2 =	simm.s32 $0x1;
	[bflag:$0x0] =	sbarrier.arrive $0xFFFF  }
0x3e: {  	s31 =	simm.s32 $0x2;
	[sflag:s2] =	ssyncpa.u1 $0x1  }
0x3f: {  	[sflag:s31] =	ssyncpa.u1 $0x1  }
0x40: {  	p0 =	sne.s32 s0, $0x0;
	_ =	strace $0x9000004D  }
0x41: {  	s0 =	sadd.s32 @!p0 $0x100000, s1;
	[bflag:$0x2] =	sbarrier.arrive $0xFFFF  }
0x42: {  	[sflag:s0] =	ssyncadd.tile.s32 @!p0 $0x1;
	_ =	shalt  }
.Lfunc_end1:
_tile_overlayer_lowered:
.L_overlay_start_2:
0x43: {  	(tag) =	ssettag $0x2  }
0x44: {  	s0 =	rddreg [dreg:$0x0];
	s2 =	stileid.u32  }
0x45: {  	s1 =	rddreg [dreg:$0x1];
	p0 =	sne.s32 s2, $0x0  }
0x46: {  	s3 =	rddreg [dreg:$0x2];
	[bflag:$0x3] =	sbarrier.arrive $0xFFFF;
	s2 =	simm.s32 @!p0 $0x1C01  }
0x47: {  	[timem:s3], [sflag:s2] =	dma.local @!p0 [hbm:s0], s1  }
0x48: {  	s0 =	simm.s32 @!p0 $0x1  }
0x49: {  	_ =	swait.ge @!p0 [sflag:s0], s1  }
0x4a: {  	s1 =	ssub.s32 @!p0 $0x0, s1;
	[sflag:s0] =	ssyncset.done @!p0 $0x0  }
0x4b: {  	[sflag:s0] =	ssyncadd.s32 @!p0 s1  }
0x4c: {  	[bflag:$0x3] =	sbarrier.arrive $0xFFFF  }
0x4d: {  	_ =	shalt  }

</sc_bundles>
